<compile_context>
chip_gen: v7x
topology: tpu7x:2x2x1
jax: 0.10.2.dev20260603
libtpu: 0.0.44.dev20260713+nightly
codegen_flags: <defaults>
</compile_context>

<pallas_src>
import functools

import jax
import jax.numpy as jnp
from jax import lax
from jax.experimental import pallas as pl
from jax.experimental.pallas import tpu as pltpu
from jax.experimental.pallas import tpu_sc as plsc

N = 10000
E = 320000
D = 128
G = 64

NC = 2
NS = 16
NW = NC * NS
K = 128
CW = 79
EP = NW * CW * K
EPW = CW * K
NA = N + 16
RPT = 624
TAIL = N - NS * RPT


def _agg_body(h_hbm, srcw_hbm, dstw_hbm, zeros_hbm, out_hbm,
              agg_sh, sidx, didx, rows, gsem, isem,
              sidx2, didx2, rows2, gsem2, isem2,
              sidx3, didx3, rows3, gsem3, isem3):
  c = lax.axis_index("c")
  s = lax.axis_index("s")
  w = s * NC + c

  r0 = pl.multiple_of(s * RPT, 8)

  @pl.when(c == 0)
  def _():
    pltpu.sync_copy(h_hbm.at[pl.ds(r0, RPT)], agg_sh.at[pl.ds(r0, RPT)])

    @pl.when(s == 0)
    def _():
      pltpu.sync_copy(h_hbm.at[pl.ds(NS * RPT, TAIL)],
                      agg_sh.at[pl.ds(NS * RPT, TAIL)])

  @pl.when(c != 0)
  def _():
    pltpu.sync_copy(zeros_hbm.at[pl.ds(r0, RPT)], agg_sh.at[pl.ds(r0, RPT)])

    @pl.when(s == 0)
    def _():
      pltpu.sync_copy(zeros_hbm.at[pl.ds(NS * RPT, TAIL)],
                      agg_sh.at[pl.ds(NS * RPT, TAIL)])

  plsc.subcore_barrier()

  bufs = ((sidx, didx, rows, gsem, isem),
          (sidx2, didx2, rows2, gsem2, isem2),
          (sidx3, didx3, rows3, gsem3, isem3))

  def fire_idx(j, b):
    off = pl.multiple_of(j * K, K)
    sb, db, _, _, isem_b = bufs[b]
    pltpu.async_copy(srcw_hbm.at[w, pl.ds(off, K)], sb, isem_b)
    pltpu.async_copy(dstw_hbm.at[w, pl.ds(off, K)], db, isem_b)

  def wait_idx(b):
    sb, db, _, _, isem_b = bufs[b]
    pltpu.make_async_copy(srcw_hbm.at[w, pl.ds(0, K)], sb, isem_b).wait()
    pltpu.make_async_copy(dstw_hbm.at[w, pl.ds(0, K)], db, isem_b).wait()

  def fire_gather(b):
    sb, _, rb, gsem_b, _ = bufs[b]
    pltpu.async_copy(h_hbm.at[sb], rb, gsem_b)

  def wait_gather_scatter(b):
    sb, db, rb, gsem_b, _ = bufs[b]
    pltpu.make_async_copy(h_hbm.at[sb], rb, gsem_b).wait()
    pltpu.sync_copy(rb, agg_sh.at[db], add=True)

  fire_idx(0, 0)
  fire_idx(1, 1)
  fire_idx(2, 2)
  wait_idx(0)
  fire_gather(0)
  wait_idx(1)
  fire_gather(1)

  def triple(i, carry):
    for b in range(3):
      j = i * 3 + b

      @pl.when(j + 2 < CW)
      def _():
        wait_idx((b + 2) % 3)
        fire_gather((b + 2) % 3)

      wait_gather_scatter(b)

      @pl.when(j + 3 < CW)
      def _():
        fire_idx(j + 3, b)
    return carry

  lax.fori_loop(0, CW // 3, triple, 0, unroll=False)
  for j in range(3 * (CW // 3), CW):
    wait_gather_scatter(j % 3)

  plsc.subcore_barrier()

  pltpu.sync_copy(agg_sh.at[pl.ds(r0, RPT)], out_hbm.at[c, pl.ds(r0, RPT)])

  @pl.when(s == 0)
  def _():
    pltpu.sync_copy(agg_sh.at[pl.ds(NS * RPT, TAIL)],
                    out_hbm.at[c, pl.ds(NS * RPT, TAIL)])


def _make_agg():
  mesh = plsc.VectorSubcoreMesh(core_axis_name="c", subcore_axis_name="s")
  return pl.kernel(
      _agg_body,
      out_type=jax.ShapeDtypeStruct((NC, N, D), jnp.float32),
      mesh=mesh,
      scratch_types=[
          pltpu.VMEM_SHARED((NA, D), jnp.float32),
          pltpu.VMEM((K,), jnp.int32),
          pltpu.VMEM((K,), jnp.int32),
          pltpu.VMEM((K, D), jnp.float32),
          pltpu.SemaphoreType.DMA,
          pltpu.SemaphoreType.DMA,
          pltpu.VMEM((K,), jnp.int32),
          pltpu.VMEM((K,), jnp.int32),
          pltpu.VMEM((K, D), jnp.float32),
          pltpu.SemaphoreType.DMA,
          pltpu.SemaphoreType.DMA,
          pltpu.VMEM((K,), jnp.int32),
          pltpu.VMEM((K,), jnp.int32),
          pltpu.VMEM((K, D), jnp.float32),
          pltpu.SemaphoreType.DMA,
          pltpu.SemaphoreType.DMA,
      ],
  )


R = 1000


def _mlp_body(p0, p1, w1, b1, w2, b2, o):
  a = p0[0] + p1[0]
  t = jnp.dot(a, w1[...], preferred_element_type=jnp.float32) + b1[...]
  t = jnp.maximum(t, 0.0)
  u = jnp.dot(t, w2[...], preferred_element_type=jnp.float32) + b2[...]
  o[...] = jnp.maximum(u, 0.0)


def _mlp3_body(p0, p1, w1, b1, w2, b2, batch, o, pool, cnt):
  a = p0[0] + p1[0]
  t = jnp.dot(a, w1[...], preferred_element_type=jnp.float32) + b1[...]
  t = jnp.maximum(t, 0.0)
  u = jnp.dot(t, w2[...], preferred_element_type=jnp.float32) + b2[...]
  h = jnp.maximum(u, 0.0)
  o[...] = h
  m = (batch[...] == lax.broadcasted_iota(jnp.int32, (1, G), 1)).astype(
      jnp.float32)
  ps = lax.dot_general(m, h, (((0,), (0,)), ((), ())),
                       preferred_element_type=jnp.float32,
                       precision=lax.Precision.HIGHEST)

  @pl.when(pl.program_id(0) == 0)
  def _():
    pool[...] = jnp.zeros_like(pool)
    cnt[...] = jnp.zeros_like(cnt)

  pool[...] += ps
  cnt[...] += jnp.sum(m, axis=0, keepdims=True)


def _head_body(pool, cnt, wh1, bh1, wh2, bh2, o):
  c = jnp.maximum(cnt[...], 1.0)
  mean = pool[...] / c.reshape(G, 1)
  t = jnp.maximum(
      jnp.dot(mean, wh1[...], preferred_element_type=jnp.float32) + bh1[...],
      0.0)
  o[...] = jnp.dot(t, wh2[...], preferred_element_type=jnp.float32) + bh2[...]


def _mlp_call(p, w1, b1, w2, b2):
  grid = N // R
  return pl.pallas_call(
      _mlp_body,
      grid=(grid,),
      in_specs=[
          pl.BlockSpec((1, R, D), lambda i: (0, i, 0)),
          pl.BlockSpec((1, R, D), lambda i: (1, i, 0)),
          pl.BlockSpec((D, D), lambda i: (0, 0)),
          pl.BlockSpec((1, D), lambda i: (0, 0)),
          pl.BlockSpec((D, D), lambda i: (0, 0)),
          pl.BlockSpec((1, D), lambda i: (0, 0)),
      ],
      out_specs=pl.BlockSpec((R, D), lambda i: (i, 0)),
      out_shape=jax.ShapeDtypeStruct((N, D), jnp.float32),
  )(p, p, w1, b1.reshape(1, D), w2, b2.reshape(1, D))


def _mlp3_call(p, w1, b1, w2, b2, batch2d):
  grid = N // R
  return pl.pallas_call(
      _mlp3_body,
      grid=(grid,),
      in_specs=[
          pl.BlockSpec((1, R, D), lambda i: (0, i, 0)),
          pl.BlockSpec((1, R, D), lambda i: (1, i, 0)),
          pl.BlockSpec((D, D), lambda i: (0, 0)),
          pl.BlockSpec((1, D), lambda i: (0, 0)),
          pl.BlockSpec((D, D), lambda i: (0, 0)),
          pl.BlockSpec((1, D), lambda i: (0, 0)),
          pl.BlockSpec((R, 1), lambda i: (i, 0)),
      ],
      out_specs=[
          pl.BlockSpec((R, D), lambda i: (i, 0)),
          pl.BlockSpec((G, D), lambda i: (0, 0)),
          pl.BlockSpec((1, G), lambda i: (0, 0)),
      ],
      out_shape=[
          jax.ShapeDtypeStruct((N, D), jnp.float32),
          jax.ShapeDtypeStruct((G, D), jnp.float32),
          jax.ShapeDtypeStruct((1, G), jnp.float32),
      ],
  )(p, p, w1, b1.reshape(1, D), w2, b2.reshape(1, D), batch2d)


def _head_call(pool, cnt, wh1, bh1, wh2, bh2):
  return pl.pallas_call(
      _head_body,
      out_shape=jax.ShapeDtypeStruct((G, 1), jnp.float32),
  )(pool, cnt, wh1, bh1.reshape(1, G), wh2, bh2.reshape(1, 1))


def kernel(x, edge_index, batch, W1_0, b1_0, W2_0, b2_0, W1_1, b1_1, W2_1,
           b2_1, W1_2, b1_2, W2_2, b2_2, Wh1, bh1, Wh2, bh2):
  src = edge_index[0].astype(jnp.int32)
  dst = edge_index[1].astype(jnp.int32)
  npad = EP - E
  pad_i = jnp.arange(npad, dtype=jnp.int32)
  srcw = jnp.concatenate([src, pad_i % N]).reshape(NW, EPW)
  dstw = jnp.concatenate([dst, N + (pad_i % 16)]).reshape(NW, EPW)
  zeros = jnp.zeros((N, D), jnp.float32)
  batch2d = batch.astype(jnp.int32).reshape(N, 1)

  agg = _make_agg()

  p = agg(x, srcw, dstw, zeros)
  h = _mlp_call(p, W1_0, b1_0, W2_0, b2_0)
  p = agg(h, srcw, dstw, zeros)
  h = _mlp_call(p, W1_1, b1_1, W2_1, b2_1)
  p = agg(h, srcw, dstw, zeros)
  h, pool, cnt = _mlp3_call(p, W1_2, b1_2, W2_2, b2_2, batch2d)
  wh1h = Wh1.reshape(D, G)
  return _head_call(pool, cnt, wh1h, bh1, Wh2, bh2)

# --- scband reference (transcript-rebuilt; emitter-appended) ---
"""Pipeline reference for scband-gnnmodel-32134945308761 (READ-ONLY COPY).

The authoritative reference and input builder live on the scoring server;
editing this copy changes nothing except your own understanding.
"""

import jax, jax.numpy as jnp
import numpy as np

N = 10000
E = 320000
D = 128
H = 128
G = 64

def _glorot(key, shape):
    limit = np.sqrt(6.0 / (shape[0] + shape[1]))
    return jax.random.uniform(key, shape, dtype=jnp.float32, minval=-limit, maxval=limit)

def setup_inputs(seed: int = 0):
    key = jax.random.key(seed)
    ks = jax.random.split(key, 16)
    inp = {}
    inp["x"] = jax.random.normal(ks[0], (N, D), dtype=jnp.float32)
    inp["edge_index"] = jax.random.randint(ks[1], (2, E), 0, N)
    inp["batch"] = jnp.sort(jax.random.randint(ks[2], (N,), 0, G))
    dims = [(D, H), (H, H), (H, H)]
    for i, (di, do) in enumerate(dims):
        inp[f"W1_{i}"] = _glorot(ks[3 + 2 * i], (di, do))
        inp[f"b1_{i}"] = jnp.zeros((do,), dtype=jnp.float32)
        inp[f"W2_{i}"] = _glorot(ks[4 + 2 * i], (do, do))
        inp[f"b2_{i}"] = jnp.zeros((do,), dtype=jnp.float32)
    inp["Wh1"] = _glorot(ks[10], (H, H // 2))
    inp["bh1"] = jnp.zeros((H // 2,), dtype=jnp.float32)
    inp["Wh2"] = _glorot(ks[11], (H // 2, 1))
    inp["bh2"] = jnp.zeros((1,), dtype=jnp.float32)
    return inp

def _gin_layer(x, src, dst, W1, b1, W2, b2):
    # GINConv (eps=0): mlp((1+eps)*x + sum_{j in N(i)} x_j), then model-level ReLU
    agg = jnp.zeros_like(x).at[dst].add(x[src])
    h = agg + x
    h = jnp.maximum(h @ W1 + b1, 0.0) @ W2 + b2
    return jnp.maximum(h, 0.0)

def reference(x, edge_index, batch, W1_0, b1_0, W2_0, b2_0, W1_1, b1_1, W2_1, b2_1, W1_2, b1_2, W2_2, b2_2, Wh1, bh1, Wh2, bh2):
    src, dst = edge_index[0], edge_index[1]
    h = _gin_layer(x, src, dst, W1_0, b1_0, W2_0, b2_0)
    h = _gin_layer(h, src, dst, W1_1, b1_1, W2_1, b2_1)
    h = _gin_layer(h, src, dst, W1_2, b1_2, W2_2, b2_2)
    counts = jax.ops.segment_sum(jnp.ones((h.shape[0],), dtype=h.dtype), batch, num_segments=G)
    pooled = jax.ops.segment_sum(h, batch, num_segments=G) / jnp.maximum(counts, 1.0)[:, None]
    hh = jnp.maximum(pooled @ Wh1 + bh1, 0.0)
    # dropout is identity in eval mode
    return hh @ Wh2 + bh2

if __name__ == "__main__":
    import jax
    _d = setup_inputs()
    print(jax.jit(kernel)(*tuple(_d.values())))

</pallas_src>

<mosaic_0001>
#map = affine_map<(d0, d1) -> (0, 0)>
#map1 = affine_map<(d0, d1) -> (0, 0, 0)>
module attributes {stable_mosaic.version = 14 : i64} {
  func.func @_agg_body(%arg0: i32, %arg1: i32, %arg2: memref<10000x128xf32, #tpu.memory_space<hbm>>, %arg3: memref<32x10112xi32, #tpu.memory_space<hbm>>, %arg4: memref<32x10112xi32, #tpu.memory_space<hbm>>, %arg5: memref<10000x128xf32, #tpu.memory_space<hbm>>, %arg6: memref<2x10000x128xf32, #tpu.memory_space<hbm>>, %arg7: memref<10016x128xf32, #tpu.memory_space<vmem_shared>>, %arg8: memref<128xi32, #tpu.memory_space<vmem>>, %arg9: memref<128xi32, #tpu.memory_space<vmem>>, %arg10: memref<128x128xf32, #tpu.memory_space<vmem>>, %arg11: memref<!tpu.dma_semaphore, #tpu.memory_space<semaphore_mem>>, %arg12: memref<!tpu.dma_semaphore, #tpu.memory_space<semaphore_mem>>, %arg13: memref<128xi32, #tpu.memory_space<vmem>>, %arg14: memref<128xi32, #tpu.memory_space<vmem>>, %arg15: memref<128x128xf32, #tpu.memory_space<vmem>>, %arg16: memref<!tpu.dma_semaphore, #tpu.memory_space<semaphore_mem>>, %arg17: memref<!tpu.dma_semaphore, #tpu.memory_space<semaphore_mem>>, %arg18: memref<128xi32, #tpu.memory_space<vmem>>, %arg19: memref<128xi32, #tpu.memory_space<vmem>>, %arg20: memref<128x128xf32, #tpu.memory_space<vmem>>, %arg21: memref<!tpu.dma_semaphore, #tpu.memory_space<semaphore_mem>>, %arg22: memref<!tpu.dma_semaphore, #tpu.memory_space<semaphore_mem>>) attributes {dimension_semantics = [#tpu.dimension_semantics<core_parallel>, #tpu.dimension_semantics<subcore_parallel>], iteration_bounds = array<i64: 2, 16>, scalar_prefetch = 0 : i64, scratch_operands = 16 : i64, tpu.core_type = #tpu.core_type<sc_vector_subcore>, window_params = [{transform_indices = #map}, {transform_indices = #map}, {transform_indices = #map}, {transform_indices = #map}, {transform_indices = #map1}]} {
    %mul3A = arith.constant 2 : i32
    %mul3A_0 = arith.muli %arg1, %mul3A : i32
    %add3A = arith.addi %mul3A_0, %arg0 : i32
    %mul3A_1 = arith.constant 624 : i32
    %mul3A_2 = arith.muli %arg1, %mul3A_1 : i32
    %multiple_of3A = tpu.assume_multiple %mul3A_2, 8 : i32
    %eq3A = arith.constant 0 : i32
    %eq3A_3 = arith.cmpi eq, %arg0, %eq3A : i32
    %convert_element_type3A = arith.extui %eq3A_3 : i1 to i32
    %cond3A = arith.constant 0 : i32
    %cond3A_4 = arith.cmpi ne, %convert_element_type3A, %cond3A : i32
    scf.if %cond3A_4 {
      "tpu.region"() ({
        %run_scoped3A = tpu.sem_alloc : memref<!tpu.dma_semaphore, #tpu.memory_space<semaphore_mem>>
        %dma_start3A_86 = arith.constant 0 : i32
        %dma_start3A_87 = tpu.memref_slice %arg7[%multiple_of3A, %dma_start3A_86] : memref<10016x128xf32, #tpu.memory_space<vmem_shared>> -> memref<624x128xf32, #tpu.memory_space<vmem_shared>>
        %dma_start3A_88 = arith.constant 0 : i32
        %dma_start3A_89 = tpu.memref_slice %arg2[%multiple_of3A, %dma_start3A_88] : memref<10000x128xf32, #tpu.memory_space<hbm>> -> memref<624x128xf32, #tpu.memory_space<hbm>>
        tpu.enqueue_dma source(%dma_start3A_89 : memref<624x128xf32, #tpu.memory_space<hbm>>) target(%dma_start3A_87 : memref<624x128xf32, #tpu.memory_space<vmem_shared>>) target_semaphore(%run_scoped3A : memref<!tpu.dma_semaphore, #tpu.memory_space<semaphore_mem>>)
        %dma_wait3A_90 = arith.constant 0 : i32
        %dma_wait3A_91 = tpu.memref_slice %arg7[%multiple_of3A, %dma_wait3A_90] : memref<10016x128xf32, #tpu.memory_space<vmem_shared>> -> memref<624x128xf32, #tpu.memory_space<vmem_shared>>
        %dma_wait3A_92 = arith.constant 0 : i32
        %dma_wait3A_93 = tpu.memref_slice %arg2[%multiple_of3A, %dma_wait3A_92] : memref<10000x128xf32, #tpu.memory_space<hbm>> -> memref<624x128xf32, #tpu.memory_space<hbm>>
        tpu.wait_dma2 semaphore(%run_scoped3A : memref<!tpu.dma_semaphore, #tpu.memory_space<semaphore_mem>>) src(%dma_wait3A_93 : memref<624x128xf32, #tpu.memory_space<hbm>>) dst(%dma_wait3A_91 : memref<624x128xf32, #tpu.memory_space<vmem_shared>>)
        tpu.yield
      }) : () -> ()
      %eq3A_81 = arith.constant 0 : i32
      %eq3A_82 = arith.cmpi eq, %arg1, %eq3A_81 : i32
      %convert_element_type3A_83 = arith.extui %eq3A_82 : i1 to i32
      %cond3A_84 = arith.constant 0 : i32
      %cond3A_85 = arith.cmpi ne, %convert_element_type3A_83, %cond3A_84 : i32
      scf.if %cond3A_85 {
        "tpu.region"() ({
          %run_scoped3A = tpu.sem_alloc : memref<!tpu.dma_semaphore, #tpu.memory_space<semaphore_mem>>
          %dma_start3A_86 = arith.constant 9984 : i32
          %dma_start3A_87 = arith.constant 0 : i32
          %dma_start3A_88 = tpu.memref_slice %arg7[%dma_start3A_86, %dma_start3A_87] : memref<10016x128xf32, #tpu.memory_space<vmem_shared>> -> memref<16x128xf32, #tpu.memory_space<vmem_shared>>
          %dma_start3A_89 = arith.constant 9984 : i32
          %dma_start3A_90 = arith.constant 0 : i32
          %dma_start3A_91 = tpu.memref_slice %arg2[%dma_start3A_89, %dma_start3A_90] : memref<10000x128xf32, #tpu.memory_space<hbm>> -> memref<16x128xf32, #tpu.memory_space<hbm>>
          tpu.enqueue_dma source(%dma_start3A_91 : memref<16x128xf32, #tpu.memory_space<hbm>>) target(%dma_start3A_88 : memref<16x128xf32, #tpu.memory_space<vmem_shared>>) target_semaphore(%run_scoped3A : memref<!tpu.dma_semaphore, #tpu.memory_space<semaphore_mem>>)
          %dma_wait3A_92 = arith.constant 9984 : i32
          %dma_wait3A_93 = arith.constant 0 : i32
          %dma_wait3A_94 = tpu.memref_slice %arg7[%dma_wait3A_92, %dma_wait3A_93] : memref<10016x128xf32, #tpu.memory_space<vmem_shared>> -> memref<16x128xf32, #tpu.memory_space<vmem_shared>>
          %dma_wait3A_95 = arith.constant 9984 : i32
          %dma_wait3A_96 = arith.constant 0 : i32
          %dma_wait3A_97 = tpu.memref_slice %arg2[%dma_wait3A_95, %dma_wait3A_96] : memref<10000x128xf32, #tpu.memory_space<hbm>> -> memref<16x128xf32, #tpu.memory_space<hbm>>
          tpu.wait_dma2 semaphore(%run_scoped3A : memref<!tpu.dma_semaphore, #tpu.memory_space<semaphore_mem>>) src(%dma_wait3A_97 : memref<16x128xf32, #tpu.memory_space<hbm>>) dst(%dma_wait3A_94 : memref<16x128xf32, #tpu.memory_space<vmem_shared>>)
          tpu.yield
        }) : () -> ()
      } else {
      }
    } else {
    }
    %ne3A = arith.constant 0 : i32
    %ne3A_5 = arith.cmpi ne, %arg0, %ne3A : i32
    %convert_element_type3A_6 = arith.extui %ne3A_5 : i1 to i32
    %cond3A_7 = arith.constant 0 : i32
    %cond3A_8 = arith.cmpi ne, %convert_element_type3A_6, %cond3A_7 : i32
    scf.if %cond3A_8 {
      "tpu.region"() ({
        %run_scoped3A = tpu.sem_alloc : memref<!tpu.dma_semaphore, #tpu.memory_space<semaphore_mem>>
        %dma_start3A_86 = arith.constant 0 : i32
        %dma_start3A_87 = tpu.memref_slice %arg7[%multiple_of3A, %dma_start3A_86] : memref<10016x128xf32, #tpu.memory_space<vmem_shared>> -> memref<624x128xf32, #tpu.memory_space<vmem_shared>>
        %dma_start3A_88 = arith.constant 0 : i32
        %dma_start3A_89 = tpu.memref_slice %arg5[%multiple_of3A, %dma_start3A_88] : memref<10000x128xf32, #tpu.memory_space<hbm>> -> memref<624x128xf32, #tpu.memory_space<hbm>>
        tpu.enqueue_dma source(%dma_start3A_89 : memref<624x128xf32, #tpu.memory_space<hbm>>) target(%dma_start3A_87 : memref<624x128xf32, #tpu.memory_space<vmem_shared>>) target_semaphore(%run_scoped3A : memref<!tpu.dma_semaphore, #tpu.memory_space<semaphore_mem>>)
        %dma_wait3A_90 = arith.constant 0 : i32
        %dma_wait3A_91 = tpu.memref_slice %arg7[%multiple_of3A, %dma_wait3A_90] : memref<10016x128xf32, #tpu.memory_space<vmem_shared>> -> memref<624x128xf32, #tpu.memory_space<vmem_shared>>
        %dma_wait3A_92 = arith.constant 0 : i32
        %dma_wait3A_93 = tpu.memref_slice %arg5[%multiple_of3A, %dma_wait3A_92] : memref<10000x128xf32, #tpu.memory_space<hbm>> -> memref<624x128xf32, #tpu.memory_space<hbm>>
        tpu.wait_dma2 semaphore(%run_scoped3A : memref<!tpu.dma_semaphore, #tpu.memory_space<semaphore_mem>>) src(%dma_wait3A_93 : memref<624x128xf32, #tpu.memory_space<hbm>>) dst(%dma_wait3A_91 : memref<624x128xf32, #tpu.memory_space<vmem_shared>>)
        tpu.yield
      }) : () -> ()
      %eq3A_81 = arith.constant 0 : i32
      %eq3A_82 = arith.cmpi eq, %arg1, %eq3A_81 : i32
      %convert_element_type3A_83 = arith.extui %eq3A_82 : i1 to i32
      %cond3A_84 = arith.constant 0 : i32
      %cond3A_85 = arith.cmpi ne, %convert_element_type3A_83, %cond3A_84 : i32
      scf.if %cond3A_85 {
        "tpu.region"() ({
          %run_scoped3A = tpu.sem_alloc : memref<!tpu.dma_semaphore, #tpu.memory_space<semaphore_mem>>
          %dma_start3A_86 = arith.constant 9984 : i32
          %dma_start3A_87 = arith.constant 0 : i32
          %dma_start3A_88 = tpu.memref_slice %arg7[%dma_start3A_86, %dma_start3A_87] : memref<10016x128xf32, #tpu.memory_space<vmem_shared>> -> memref<16x128xf32, #tpu.memory_space<vmem_shared>>
          %dma_start3A_89 = arith.constant 9984 : i32
          %dma_start3A_90 = arith.constant 0 : i32
          %dma_start3A_91 = tpu.memref_slice %arg5[%dma_start3A_89, %dma_start3A_90] : memref<10000x128xf32, #tpu.memory_space<hbm>> -> memref<16x128xf32, #tpu.memory_space<hbm>>
          tpu.enqueue_dma source(%dma_start3A_91 : memref<16x128xf32, #tpu.memory_space<hbm>>) target(%dma_start3A_88 : memref<16x128xf32, #tpu.memory_space<vmem_shared>>) target_semaphore(%run_scoped3A : memref<!tpu.dma_semaphore, #tpu.memory_space<semaphore_mem>>)
          %dma_wait3A_92 = arith.constant 9984 : i32
          %dma_wait3A_93 = arith.constant 0 : i32
          %dma_wait3A_94 = tpu.memref_slice %arg7[%dma_wait3A_92, %dma_wait3A_93] : memref<10016x128xf32, #tpu.memory_space<vmem_shared>> -> memref<16x128xf32, #tpu.memory_space<vmem_shared>>
          %dma_wait3A_95 = arith.constant 9984 : i32
          %dma_wait3A_96 = arith.constant 0 : i32
          %dma_wait3A_97 = tpu.memref_slice %arg5[%dma_wait3A_95, %dma_wait3A_96] : memref<10000x128xf32, #tpu.memory_space<hbm>> -> memref<16x128xf32, #tpu.memory_space<hbm>>
          tpu.wait_dma2 semaphore(%run_scoped3A : memref<!tpu.dma_semaphore, #tpu.memory_space<semaphore_mem>>) src(%dma_wait3A_97 : memref<16x128xf32, #tpu.memory_space<hbm>>) dst(%dma_wait3A_94 : memref<16x128xf32, #tpu.memory_space<vmem_shared>>)
          tpu.yield
        }) : () -> ()
      } else {
      }
    } else {
    }
    %barrier3A = arith.constant 0 : index
    tpu.barrier barrier_id(%barrier3A)
    %multiple_of3A_9 = arith.constant 0 : i32
    %multiple_of3A_10 = tpu.assume_multiple %multiple_of3A_9, 128 : i32
    %dma_start3A = tpu.memref_slice %arg3[%add3A, %multiple_of3A_10] : memref<32x10112xi32, #tpu.memory_space<hbm>> -> memref<1x128xi32, #tpu.memory_space<hbm>>
    %dma_start3A_11 = tpu.memref_squeeze %dma_start3A : memref<1x128xi32, #tpu.memory_space<hbm>> -> memref<128xi32, #tpu.memory_space<hbm>>
    %dma_start3A_12 = tpu.memref_slice %arg3[%add3A, %multiple_of3A_10] : memref<32x10112xi32, #tpu.memory_space<hbm>> -> memref<1x128xi32, #tpu.memory_space<hbm>>
    %dma_start3A_13 = tpu.memref_squeeze %dma_start3A_12 : memref<1x128xi32, #tpu.memory_space<hbm>> -> memref<128xi32, #tpu.memory_space<hbm>>
    tpu.enqueue_dma source(%dma_start3A_13 : memref<128xi32, #tpu.memory_space<hbm>>) target(%arg8 : memref<128xi32, #tpu.memory_space<vmem>>) target_semaphore(%arg12 : memref<!tpu.dma_semaphore, #tpu.memory_space<semaphore_mem>>)
    %dma_start3A_14 = tpu.memref_slice %arg4[%add3A, %multiple_of3A_10] : memref<32x10112xi32, #tpu.memory_space<hbm>> -> memref<1x128xi32, #tpu.memory_space<hbm>>
    %dma_start3A_15 = tpu.memref_squeeze %dma_start3A_14 : memref<1x128xi32, #tpu.memory_space<hbm>> -> memref<128xi32, #tpu.memory_space<hbm>>
    %dma_start3A_16 = tpu.memref_slice %arg4[%add3A, %multiple_of3A_10] : memref<32x10112xi32, #tpu.memory_space<hbm>> -> memref<1x128xi32, #tpu.memory_space<hbm>>
    %dma_start3A_17 = tpu.memref_squeeze %dma_start3A_16 : memref<1x128xi32, #tpu.memory_space<hbm>> -> memref<128xi32, #tpu.memory_space<hbm>>
    tpu.enqueue_dma source(%dma_start3A_17 : memref<128xi32, #tpu.memory_space<hbm>>) target(%arg9 : memref<128xi32, #tpu.memory_space<vmem>>) target_semaphore(%arg12 : memref<!tpu.dma_semaphore, #tpu.memory_space<semaphore_mem>>)
    %multiple_of3A_18 = arith.constant 128 : i32
    %multiple_of3A_19 = tpu.assume_multiple %multiple_of3A_18, 128 : i32
    %dma_start3A_20 = tpu.memref_slice %arg3[%add3A, %multiple_of3A_19] : memref<32x10112xi32, #tpu.memory_space<hbm>> -> memref<1x128xi32, #tpu.memory_space<hbm>>
    %dma_start3A_21 = tpu.memref_squeeze %dma_start3A_20 : memref<1x128xi32, #tpu.memory_space<hbm>> -> memref<128xi32, #tpu.memory_space<hbm>>
    %dma_start3A_22 = tpu.memref_slice %arg3[%add3A, %multiple_of3A_19] : memref<32x10112xi32, #tpu.memory_space<hbm>> -> memref<1x128xi32, #tpu.memory_space<hbm>>
    %dma_start3A_23 = tpu.memref_squeeze %dma_start3A_22 : memref<1x128xi32, #tpu.memory_space<hbm>> -> memref<128xi32, #tpu.memory_space<hbm>>
    tpu.enqueue_dma source(%dma_start3A_23 : memref<128xi32, #tpu.memory_space<hbm>>) target(%arg13 : memref<128xi32, #tpu.memory_space<vmem>>) target_semaphore(%arg17 : memref<!tpu.dma_semaphore, #tpu.memory_space<semaphore_mem>>)
    %dma_start3A_24 = tpu.memref_slice %arg4[%add3A, %multiple_of3A_19] : memref<32x10112xi32, #tpu.memory_space<hbm>> -> memref<1x128xi32, #tpu.memory_space<hbm>>
    %dma_start3A_25 = tpu.memref_squeeze %dma_start3A_24 : memref<1x128xi32, #tpu.memory_space<hbm>> -> memref<128xi32, #tpu.memory_space<hbm>>
    %dma_start3A_26 = tpu.memref_slice %arg4[%add3A, %multiple_of3A_19] : memref<32x10112xi32, #tpu.memory_space<hbm>> -> memref<1x128xi32, #tpu.memory_space<hbm>>
    %dma_start3A_27 = tpu.memref_squeeze %dma_start3A_26 : memref<1x128xi32, #tpu.memory_space<hbm>> -> memref<128xi32, #tpu.memory_space<hbm>>
    tpu.enqueue_dma source(%dma_start3A_27 : memref<128xi32, #tpu.memory_space<hbm>>) target(%arg14 : memref<128xi32, #tpu.memory_space<vmem>>) target_semaphore(%arg17 : memref<!tpu.dma_semaphore, #tpu.memory_space<semaphore_mem>>)
    %multiple_of3A_28 = arith.constant 256 : i32
    %multiple_of3A_29 = tpu.assume_multiple %multiple_of3A_28, 128 : i32
    %dma_start3A_30 = tpu.memref_slice %arg3[%add3A, %multiple_of3A_29] : memref<32x10112xi32, #tpu.memory_space<hbm>> -> memref<1x128xi32, #tpu.memory_space<hbm>>
    %dma_start3A_31 = tpu.memref_squeeze %dma_start3A_30 : memref<1x128xi32, #tpu.memory_space<hbm>> -> memref<128xi32, #tpu.memory_space<hbm>>
    %dma_start3A_32 = tpu.memref_slice %arg3[%add3A, %multiple_of3A_29] : memref<32x10112xi32, #tpu.memory_space<hbm>> -> memref<1x128xi32, #tpu.memory_space<hbm>>
    %dma_start3A_33 = tpu.memref_squeeze %dma_start3A_32 : memref<1x128xi32, #tpu.memory_space<hbm>> -> memref<128xi32, #tpu.memory_space<hbm>>
    tpu.enqueue_dma source(%dma_start3A_33 : memref<128xi32, #tpu.memory_space<hbm>>) target(%arg18 : memref<128xi32, #tpu.memory_space<vmem>>) target_semaphore(%arg22 : memref<!tpu.dma_semaphore, #tpu.memory_space<semaphore_mem>>)
    %dma_start3A_34 = tpu.memref_slice %arg4[%add3A, %multiple_of3A_29] : memref<32x10112xi32, #tpu.memory_space<hbm>> -> memref<1x128xi32, #tpu.memory_space<hbm>>
    %dma_start3A_35 = tpu.memref_squeeze %dma_start3A_34 : memref<1x128xi32, #tpu.memory_space<hbm>> -> memref<128xi32, #tpu.memory_space<hbm>>
    %dma_start3A_36 = tpu.memref_slice %arg4[%add3A, %multiple_of3A_29] : memref<32x10112xi32, #tpu.memory_space<hbm>> -> memref<1x128xi32, #tpu.memory_space<hbm>>
    %dma_start3A_37 = tpu.memref_squeeze %dma_start3A_36 : memref<1x128xi32, #tpu.memory_space<hbm>> -> memref<128xi32, #tpu.memory_space<hbm>>
    tpu.enqueue_dma source(%dma_start3A_37 : memref<128xi32, #tpu.memory_space<hbm>>) target(%arg19 : memref<128xi32, #tpu.memory_space<vmem>>) target_semaphore(%arg22 : memref<!tpu.dma_semaphore, #tpu.memory_space<semaphore_mem>>)
    %dma_wait3A = arith.constant 0 : i32
    %dma_wait3A_38 = tpu.memref_slice %arg3[%add3A, %dma_wait3A] : memref<32x10112xi32, #tpu.memory_space<hbm>> -> memref<1x128xi32, #tpu.memory_space<hbm>>
    %dma_wait3A_39 = tpu.memref_squeeze %dma_wait3A_38 : memref<1x128xi32, #tpu.memory_space<hbm>> -> memref<128xi32, #tpu.memory_space<hbm>>
    %dma_wait3A_40 = arith.constant 0 : i32
    %dma_wait3A_41 = tpu.memref_slice %arg3[%add3A, %dma_wait3A_40] : memref<32x10112xi32, #tpu.memory_space<hbm>> -> memref<1x128xi32, #tpu.memory_space<hbm>>
    %dma_wait3A_42 = tpu.memref_squeeze %dma_wait3A_41 : memref<1x128xi32, #tpu.memory_space<hbm>> -> memref<128xi32, #tpu.memory_space<hbm>>
    tpu.wait_dma2 semaphore(%arg12 : memref<!tpu.dma_semaphore, #tpu.memory_space<semaphore_mem>>) src(%dma_wait3A_42 : memref<128xi32, #tpu.memory_space<hbm>>) dst(%arg8 : memref<128xi32, #tpu.memory_space<vmem>>)
    %dma_wait3A_43 = arith.constant 0 : i32
    %dma_wait3A_44 = tpu.memref_slice %arg4[%add3A, %dma_wait3A_43] : memref<32x10112xi32, #tpu.memory_space<hbm>> -> memref<1x128xi32, #tpu.memory_space<hbm>>
    %dma_wait3A_45 = tpu.memref_squeeze %dma_wait3A_44 : memref<1x128xi32, #tpu.memory_space<hbm>> -> memref<128xi32, #tpu.memory_space<hbm>>
    %dma_wait3A_46 = arith.constant 0 : i32
    %dma_wait3A_47 = tpu.memref_slice %arg4[%add3A, %dma_wait3A_46] : memref<32x10112xi32, #tpu.memory_space<hbm>> -> memref<1x128xi32, #tpu.memory_space<hbm>>
    %dma_wait3A_48 = tpu.memref_squeeze %dma_wait3A_47 : memref<1x128xi32, #tpu.memory_space<hbm>> -> memref<128xi32, #tpu.memory_space<hbm>>
    tpu.wait_dma2 semaphore(%arg12 : memref<!tpu.dma_semaphore, #tpu.memory_space<semaphore_mem>>) src(%dma_wait3A_48 : memref<128xi32, #tpu.memory_space<hbm>>) dst(%arg9 : memref<128xi32, #tpu.memory_space<vmem>>)
    %dma_start3A_49 = arith.constant 0 : i32
    %dma_start3A_50 = arith.constant 0 : i32
    %dma_start3A_51 = tpu.memref_slice %arg2[%dma_start3A_49, %dma_start3A_50] : memref<10000x128xf32, #tpu.memory_space<hbm>> -> memref<10000x128xf32, #tpu.memory_space<hbm>>
    tpu.enqueue_indirect_dma source(%dma_start3A_51 : memref<10000x128xf32, #tpu.memory_space<hbm>>) target(%arg10 : memref<128x128xf32, #tpu.memory_space<vmem>>) offsets(%arg8 : memref<128xi32, #tpu.memory_space<vmem>>) semaphore(%arg11 : memref<!tpu.dma_semaphore, #tpu.memory_space<semaphore_mem>>)
    %dma_wait3A_52 = arith.constant 0 : i32
    %dma_wait3A_53 = tpu.memref_slice %arg3[%add3A, %dma_wait3A_52] : memref<32x10112xi32, #tpu.memory_space<hbm>> -> memref<1x128xi32, #tpu.memory_space<hbm>>
    %dma_wait3A_54 = tpu.memref_squeeze %dma_wait3A_53 : memref<1x128xi32, #tpu.memory_space<hbm>> -> memref<128xi32, #tpu.memory_space<hbm>>
    %dma_wait3A_55 = arith.constant 0 : i32
    %dma_wait3A_56 = tpu.memref_slice %arg3[%add3A, %dma_wait3A_55] : memref<32x10112xi32, #tpu.memory_space<hbm>> -> memref<1x128xi32, #tpu.memory_space<hbm>>
    %dma_wait3A_57 = tpu.memref_squeeze %dma_wait3A_56 : memref<1x128xi32, #tpu.memory_space<hbm>> -> memref<128xi32, #tpu.memory_space<hbm>>
    tpu.wait_dma2 semaphore(%arg17 : memref<!tpu.dma_semaphore, #tpu.memory_space<semaphore_mem>>) src(%dma_wait3A_57 : memref<128xi32, #tpu.memory_space<hbm>>) dst(%arg13 : memref<128xi32, #tpu.memory_space<vmem>>)
    %dma_wait3A_58 = arith.constant 0 : i32
    %dma_wait3A_59 = tpu.memref_slice %arg4[%add3A, %dma_wait3A_58] : memref<32x10112xi32, #tpu.memory_space<hbm>> -> memref<1x128xi32, #tpu.memory_space<hbm>>
    %dma_wait3A_60 = tpu.memref_squeeze %dma_wait3A_59 : memref<1x128xi32, #tpu.memory_space<hbm>> -> memref<128xi32, #tpu.memory_space<hbm>>
    %dma_wait3A_61 = arith.constant 0 : i32
    %dma_wait3A_62 = tpu.memref_slice %arg4[%add3A, %dma_wait3A_61] : memref<32x10112xi32, #tpu.memory_space<hbm>> -> memref<1x128xi32, #tpu.memory_space<hbm>>
    %dma_wait3A_63 = tpu.memref_squeeze %dma_wait3A_62 : memref<1x128xi32, #tpu.memory_space<hbm>> -> memref<128xi32, #tpu.memory_space<hbm>>
    tpu.wait_dma2 semaphore(%arg17 : memref<!tpu.dma_semaphore, #tpu.memory_space<semaphore_mem>>) src(%dma_wait3A_63 : memref<128xi32, #tpu.memory_space<hbm>>) dst(%arg14 : memref<128xi32, #tpu.memory_space<vmem>>)
    %dma_start3A_64 = arith.constant 0 : i32
    %dma_start3A_65 = arith.constant 0 : i32
    %dma_start3A_66 = tpu.memref_slice %arg2[%dma_start3A_64, %dma_start3A_65] : memref<10000x128xf32, #tpu.memory_space<hbm>> -> memref<10000x128xf32, #tpu.memory_space<hbm>>
    tpu.enqueue_indirect_dma source(%dma_start3A_66 : memref<10000x128xf32, #tpu.memory_space<hbm>>) target(%arg15 : memref<128x128xf32, #tpu.memory_space<vmem>>) offsets(%arg13 : memref<128xi32, #tpu.memory_space<vmem>>) semaphore(%arg16 : memref<!tpu.dma_semaphore, #tpu.memory_space<semaphore_mem>>)
    %scan3A = arith.constant 0 : i32
    %scan3A_67 = arith.constant 0 : i32
    %scan3A_68 = arith.constant 26 : i32
    %scan3A_69 = arith.addi %scan3A_67, %scan3A_68 : i32
    %scan3A_70 = arith.constant 1 : i32
    scf.for %scan3A_81 = %scan3A_67 to %scan3A_69 step %scan3A_70  : i32 {
      %mul3A_82 = arith.constant 3 : i32
      %mul3A_83 = arith.muli %scan3A_81, %mul3A_82 : i32
      %add3A_84 = arith.constant 0 : i32
      %add3A_85 = arith.addi %mul3A_83, %add3A_84 : i32
      %add3A_86 = arith.constant 2 : i32
      %add3A_87 = arith.addi %add3A_85, %add3A_86 : i32
      %lt3A = arith.constant 79 : i32
      %lt3A_88 = arith.cmpi slt, %add3A_87, %lt3A : i32
      %convert_element_type3A_89 = arith.extui %lt3A_88 : i1 to i32
      %cond3A_90 = arith.constant 0 : i32
      %cond3A_91 = arith.cmpi ne, %convert_element_type3A_89, %cond3A_90 : i32
      scf.if %cond3A_91 {
        %dma_wait3A_144 = arith.constant 0 : i32
        %dma_wait3A_145 = tpu.memref_slice %arg3[%add3A, %dma_wait3A_144] : memref<32x10112xi32, #tpu.memory_space<hbm>> -> memref<1x128xi32, #tpu.memory_space<hbm>>
        %dma_wait3A_146 = tpu.memref_squeeze %dma_wait3A_145 : memref<1x128xi32, #tpu.memory_space<hbm>> -> memref<128xi32, #tpu.memory_space<hbm>>
        %dma_wait3A_147 = arith.constant 0 : i32
        %dma_wait3A_148 = tpu.memref_slice %arg3[%add3A, %dma_wait3A_147] : memref<32x10112xi32, #tpu.memory_space<hbm>> -> memref<1x128xi32, #tpu.memory_space<hbm>>
        %dma_wait3A_149 = tpu.memref_squeeze %dma_wait3A_148 : memref<1x128xi32, #tpu.memory_space<hbm>> -> memref<128xi32, #tpu.memory_space<hbm>>
        tpu.wait_dma2 semaphore(%arg22 : memref<!tpu.dma_semaphore, #tpu.memory_space<semaphore_mem>>) src(%dma_wait3A_149 : memref<128xi32, #tpu.memory_space<hbm>>) dst(%arg18 : memref<128xi32, #tpu.memory_space<vmem>>)
        %dma_wait3A_150 = arith.constant 0 : i32
        %dma_wait3A_151 = tpu.memref_slice %arg4[%add3A, %dma_wait3A_150] : memref<32x10112xi32, #tpu.memory_space<hbm>> -> memref<1x128xi32, #tpu.memory_space<hbm>>
        %dma_wait3A_152 = tpu.memref_squeeze %dma_wait3A_151 : memref<1x128xi32, #tpu.memory_space<hbm>> -> memref<128xi32, #tpu.memory_space<hbm>>
        %dma_wait3A_153 = arith.constant 0 : i32
        %dma_wait3A_154 = tpu.memref_slice %arg4[%add3A, %dma_wait3A_153] : memref<32x10112xi32, #tpu.memory_space<hbm>> -> memref<1x128xi32, #tpu.memory_space<hbm>>
        %dma_wait3A_155 = tpu.memref_squeeze %dma_wait3A_154 : memref<1x128xi32, #tpu.memory_space<hbm>> -> memref<128xi32, #tpu.memory_space<hbm>>
        tpu.wait_dma2 semaphore(%arg22 : memref<!tpu.dma_semaphore, #tpu.memory_space<semaphore_mem>>) src(%dma_wait3A_155 : memref<128xi32, #tpu.memory_space<hbm>>) dst(%arg19 : memref<128xi32, #tpu.memory_space<vmem>>)
        %dma_start3A_156 = arith.constant 0 : i32
        %dma_start3A_157 = arith.constant 0 : i32
        %dma_start3A_158 = tpu.memref_slice %arg2[%dma_start3A_156, %dma_start3A_157] : memref<10000x128xf32, #tpu.memory_space<hbm>> -> memref<10000x128xf32, #tpu.memory_space<hbm>>
        tpu.enqueue_indirect_dma source(%dma_start3A_158 : memref<10000x128xf32, #tpu.memory_space<hbm>>) target(%arg20 : memref<128x128xf32, #tpu.memory_space<vmem>>) offsets(%arg18 : memref<128xi32, #tpu.memory_space<vmem>>) semaphore(%arg21 : memref<!tpu.dma_semaphore, #tpu.memory_space<semaphore_mem>>)
      } else {
      }
      %dma_wait3A_92 = arith.constant 0 : i32
      %dma_wait3A_93 = arith.constant 0 : i32
      %dma_wait3A_94 = tpu.memref_slice %arg2[%dma_wait3A_92, %dma_wait3A_93] : memref<10000x128xf32, #tpu.memory_space<hbm>> -> memref<10000x128xf32, #tpu.memory_space<hbm>>
      tpu.wait_indirect_dma semaphore(%arg11 : memref<!tpu.dma_semaphore, #tpu.memory_space<semaphore_mem>>) src(%dma_wait3A_94 : memref<10000x128xf32, #tpu.memory_space<hbm>>) dst(%arg10 : memref<128x128xf32, #tpu.memory_space<vmem>>)
      "tpu.region"() ({
        %run_scoped3A = tpu.sem_alloc : memref<!tpu.dma_semaphore, #tpu.memory_space<semaphore_mem>>
        %dma_start3A_144 = arith.constant 0 : i32
        %dma_start3A_145 = arith.constant 0 : i32
        %dma_start3A_146 = tpu.memref_slice %arg7[%dma_start3A_144, %dma_start3A_145] : memref<10016x128xf32, #tpu.memory_space<vmem_shared>> -> memref<10016x128xf32, #tpu.memory_space<vmem_shared>>
        tpu.enqueue_indirect_dma source(%arg10 : memref<128x128xf32, #tpu.memory_space<vmem>>) target(%dma_start3A_146 : memref<10016x128xf32, #tpu.memory_space<vmem_shared>>) offsets(%arg9 : memref<128xi32, #tpu.memory_space<vmem>>) semaphore(%run_scoped3A : memref<!tpu.dma_semaphore, #tpu.memory_space<semaphore_mem>>) {add = true}
        %dma_wait3A_147 = arith.constant 0 : i32
        %dma_wait3A_148 = arith.constant 0 : i32
        %dma_wait3A_149 = tpu.memref_slice %arg7[%dma_wait3A_147, %dma_wait3A_148] : memref<10016x128xf32, #tpu.memory_space<vmem_shared>> -> memref<10016x128xf32, #tpu.memory_space<vmem_shared>>
        tpu.wait_indirect_dma semaphore(%run_scoped3A : memref<!tpu.dma_semaphore, #tpu.memory_space<semaphore_mem>>) src(%arg10 : memref<128x128xf32, #tpu.memory_space<vmem>>) dst(%dma_wait3A_149 : memref<10016x128xf32, #tpu.memory_space<vmem_shared>>)
        tpu.yield
      }) : () -> ()
      %add3A_95 = arith.constant 3 : i32
      %add3A_96 = arith.addi %add3A_85, %add3A_95 : i32
      %lt3A_97 = arith.constant 79 : i32
      %lt3A_98 = arith.cmpi slt, %add3A_96, %lt3A_97 : i32
      %convert_element_type3A_99 = arith.extui %lt3A_98 : i1 to i32
      %cond3A_100 = arith.constant 0 : i32
      %cond3A_101 = arith.cmpi ne, %convert_element_type3A_99, %cond3A_100 : i32
      scf.if %cond3A_101 {
        %add3A_144 = arith.constant 3 : i32
        %add3A_145 = arith.addi %add3A_85, %add3A_144 : i32
        %mul3A_146 = arith.constant 128 : i32
        %mul3A_147 = arith.muli %add3A_145, %mul3A_146 : i32
        %multiple_of3A_148 = tpu.assume_multiple %mul3A_147, 128 : i32
        %dma_start3A_149 = tpu.memref_slice %arg3[%add3A, %multiple_of3A_148] : memref<32x10112xi32, #tpu.memory_space<hbm>> -> memref<1x128xi32, #tpu.memory_space<hbm>>
        %dma_start3A_150 = tpu.memref_squeeze %dma_start3A_149 : memref<1x128xi32, #tpu.memory_space<hbm>> -> memref<128xi32, #tpu.memory_space<hbm>>
        %dma_start3A_151 = tpu.memref_slice %arg3[%add3A, %multiple_of3A_148] : memref<32x10112xi32, #tpu.memory_space<hbm>> -> memref<1x128xi32, #tpu.memory_space<hbm>>
        %dma_start3A_152 = tpu.memref_squeeze %dma_start3A_151 : memref<1x128xi32, #tpu.memory_space<hbm>> -> memref<128xi32, #tpu.memory_space<hbm>>
        tpu.enqueue_dma source(%dma_start3A_152 : memref<128xi32, #tpu.memory_space<hbm>>) target(%arg8 : memref<128xi32, #tpu.memory_space<vmem>>) target_semaphore(%arg12 : memref<!tpu.dma_semaphore, #tpu.memory_space<semaphore_mem>>)
        %dma_start3A_153 = tpu.memref_slice %arg4[%add3A, %multiple_of3A_148] : memref<32x10112xi32, #tpu.memory_space<hbm>> -> memref<1x128xi32, #tpu.memory_space<hbm>>
        %dma_start3A_154 = tpu.memref_squeeze %dma_start3A_153 : memref<1x128xi32, #tpu.memory_space<hbm>> -> memref<128xi32, #tpu.memory_space<hbm>>
        %dma_start3A_155 = tpu.memref_slice %arg4[%add3A, %multiple_of3A_148] : memref<32x10112xi32, #tpu.memory_space<hbm>> -> memref<1x128xi32, #tpu.memory_space<hbm>>
        %dma_start3A_156 = tpu.memref_squeeze %dma_start3A_155 : memref<1x128xi32, #tpu.memory_space<hbm>> -> memref<128xi32, #tpu.memory_space<hbm>>
        tpu.enqueue_dma source(%dma_start3A_156 : memref<128xi32, #tpu.memory_space<hbm>>) target(%arg9 : memref<128xi32, #tpu.memory_space<vmem>>) target_semaphore(%arg12 : memref<!tpu.dma_semaphore, #tpu.memory_space<semaphore_mem>>)
      } else {
      }
      %mul3A_102 = arith.constant 3 : i32
      %mul3A_103 = arith.muli %scan3A_81, %mul3A_102 : i32
      %add3A_104 = arith.constant 1 : i32
      %add3A_105 = arith.addi %mul3A_103, %add3A_104 : i32
      %add3A_106 = arith.constant 2 : i32
      %add3A_107 = arith.addi %add3A_105, %add3A_106 : i32
      %lt3A_108 = arith.constant 79 : i32
      %lt3A_109 = arith.cmpi slt, %add3A_107, %lt3A_108 : i32
      %convert_element_type3A_110 = arith.extui %lt3A_109 : i1 to i32
      %cond3A_111 = arith.constant 0 : i32
      %cond3A_112 = arith.cmpi ne, %convert_element_type3A_110, %cond3A_111 : i32
      scf.if %cond3A_112 {
        %dma_wait3A_144 = arith.constant 0 : i32
        %dma_wait3A_145 = tpu.memref_slice %arg3[%add3A, %dma_wait3A_144] : memref<32x10112xi32, #tpu.memory_space<hbm>> -> memref<1x128xi32, #tpu.memory_space<hbm>>
        %dma_wait3A_146 = tpu.memref_squeeze %dma_wait3A_145 : memref<1x128xi32, #tpu.memory_space<hbm>> -> memref<128xi32, #tpu.memory_space<hbm>>
        %dma_wait3A_147 = arith.constant 0 : i32
        %dma_wait3A_148 = tpu.memref_slice %arg3[%add3A, %dma_wait3A_147] : memref<32x10112xi32, #tpu.memory_space<hbm>> -> memref<1x128xi32, #tpu.memory_space<hbm>>
        %dma_wait3A_149 = tpu.memref_squeeze %dma_wait3A_148 : memref<1x128xi32, #tpu.memory_space<hbm>> -> memref<128xi32, #tpu.memory_space<hbm>>
        tpu.wait_dma2 semaphore(%arg12 : memref<!tpu.dma_semaphore, #tpu.memory_space<semaphore_mem>>) src(%dma_wait3A_149 : memref<128xi32, #tpu.memory_space<hbm>>) dst(%arg8 : memref<128xi32, #tpu.memory_space<vmem>>)
        %dma_wait3A_150 = arith.constant 0 : i32
        %dma_wait3A_151 = tpu.memref_slice %arg4[%add3A, %dma_wait3A_150] : memref<32x10112xi32, #tpu.memory_space<hbm>> -> memref<1x128xi32, #tpu.memory_space<hbm>>
        %dma_wait3A_152 = tpu.memref_squeeze %dma_wait3A_151 : memref<1x128xi32, #tpu.memory_space<hbm>> -> memref<128xi32, #tpu.memory_space<hbm>>
        %dma_wait3A_153 = arith.constant 0 : i32
        %dma_wait3A_154 = tpu.memref_slice %arg4[%add3A, %dma_wait3A_153] : memref<32x10112xi32, #tpu.memory_space<hbm>> -> memref<1x128xi32, #tpu.memory_space<hbm>>
        %dma_wait3A_155 = tpu.memref_squeeze %dma_wait3A_154 : memref<1x128xi32, #tpu.memory_space<hbm>> -> memref<128xi32, #tpu.memory_space<hbm>>
        tpu.wait_dma2 semaphore(%arg12 : memref<!tpu.dma_semaphore, #tpu.memory_space<semaphore_mem>>) src(%dma_wait3A_155 : memref<128xi32, #tpu.memory_space<hbm>>) dst(%arg9 : memref<128xi32, #tpu.memory_space<vmem>>)
        %dma_start3A_156 = arith.constant 0 : i32
        %dma_start3A_157 = arith.constant 0 : i32
        %dma_start3A_158 = tpu.memref_slice %arg2[%dma_start3A_156, %dma_start3A_157] : memref<10000x128xf32, #tpu.memory_space<hbm>> -> memref<10000x128xf32, #tpu.memory_space<hbm>>
        tpu.enqueue_indirect_dma source(%dma_start3A_158 : memref<10000x128xf32, #tpu.memory_space<hbm>>) target(%arg10 : memref<128x128xf32, #tpu.memory_space<vmem>>) offsets(%arg8 : memref<128xi32, #tpu.memory_space<vmem>>) semaphore(%arg11 : memref<!tpu.dma_semaphore, #tpu.memory_space<semaphore_mem>>)
      } else {
      }
      %dma_wait3A_113 = arith.constant 0 : i32
      %dma_wait3A_114 = arith.constant 0 : i32
      %dma_wait3A_115 = tpu.memref_slice %arg2[%dma_wait3A_113, %dma_wait3A_114] : memref<10000x128xf32, #tpu.memory_space<hbm>> -> memref<10000x128xf32, #tpu.memory_space<hbm>>
      tpu.wait_indirect_dma semaphore(%arg16 : memref<!tpu.dma_semaphore, #tpu.memory_space<semaphore_mem>>) src(%dma_wait3A_115 : memref<10000x128xf32, #tpu.memory_space<hbm>>) dst(%arg15 : memref<128x128xf32, #tpu.memory_space<vmem>>)
      "tpu.region"() ({
        %run_scoped3A = tpu.sem_alloc : memref<!tpu.dma_semaphore, #tpu.memory_space<semaphore_mem>>
        %dma_start3A_144 = arith.constant 0 : i32
        %dma_start3A_145 = arith.constant 0 : i32
        %dma_start3A_146 = tpu.memref_slice %arg7[%dma_start3A_144, %dma_start3A_145] : memref<10016x128xf32, #tpu.memory_space<vmem_shared>> -> memref<10016x128xf32, #tpu.memory_space<vmem_shared>>
        tpu.enqueue_indirect_dma source(%arg15 : memref<128x128xf32, #tpu.memory_space<vmem>>) target(%dma_start3A_146 : memref<10016x128xf32, #tpu.memory_space<vmem_shared>>) offsets(%arg14 : memref<128xi32, #tpu.memory_space<vmem>>) semaphore(%run_scoped3A : memref<!tpu.dma_semaphore, #tpu.memory_space<semaphore_mem>>) {add = true}
        %dma_wait3A_147 = arith.constant 0 : i32
        %dma_wait3A_148 = arith.constant 0 : i32
        %dma_wait3A_149 = tpu.memref_slice %arg7[%dma_wait3A_147, %dma_wait3A_148] : memref<10016x128xf32, #tpu.memory_space<vmem_shared>> -> memref<10016x128xf32, #tpu.memory_space<vmem_shared>>
        tpu.wait_indirect_dma semaphore(%run_scoped3A : memref<!tpu.dma_semaphore, #tpu.memory_space<semaphore_mem>>) src(%arg15 : memref<128x128xf32, #tpu.memory_space<vmem>>) dst(%dma_wait3A_149 : memref<10016x128xf32, #tpu.memory_space<vmem_shared>>)
        tpu.yield
      }) : () -> ()
      %add3A_116 = arith.constant 3 : i32
      %add3A_117 = arith.addi %add3A_105, %add3A_116 : i32
      %lt3A_118 = arith.constant 79 : i32
      %lt3A_119 = arith.cmpi slt, %add3A_117, %lt3A_118 : i32
      %convert_element_type3A_120 = arith.extui %lt3A_119 : i1 to i32
      %cond3A_121 = arith.constant 0 : i32
      %cond3A_122 = arith.cmpi ne, %convert_element_type3A_120, %cond3A_121 : i32
      scf.if %cond3A_122 {
        %add3A_144 = arith.constant 3 : i32
        %add3A_145 = arith.addi %add3A_105, %add3A_144 : i32
        %mul3A_146 = arith.constant 128 : i32
        %mul3A_147 = arith.muli %add3A_145, %mul3A_146 : i32
        %multiple_of3A_148 = tpu.assume_multiple %mul3A_147, 128 : i32
        %dma_start3A_149 = tpu.memref_slice %arg3[%add3A, %multiple_of3A_148] : memref<32x10112xi32, #tpu.memory_space<hbm>> -> memref<1x128xi32, #tpu.memory_space<hbm>>
        %dma_start3A_150 = tpu.memref_squeeze %dma_start3A_149 : memref<1x128xi32, #tpu.memory_space<hbm>> -> memref<128xi32, #tpu.memory_space<hbm>>
        %dma_start3A_151 = tpu.memref_slice %arg3[%add3A, %multiple_of3A_148] : memref<32x10112xi32, #tpu.memory_space<hbm>> -> memref<1x128xi32, #tpu.memory_space<hbm>>
        %dma_start3A_152 = tpu.memref_squeeze %dma_start3A_151 : memref<1x128xi32, #tpu.memory_space<hbm>> -> memref<128xi32, #tpu.memory_space<hbm>>
        tpu.enqueue_dma source(%dma_start3A_152 : memref<128xi32, #tpu.memory_space<hbm>>) target(%arg13 : memref<128xi32, #tpu.memory_space<vmem>>) target_semaphore(%arg17 : memref<!tpu.dma_semaphore, #tpu.memory_space<semaphore_mem>>)
        %dma_start3A_153 = tpu.memref_slice %arg4[%add3A, %multiple_of3A_148] : memref<32x10112xi32, #tpu.memory_space<hbm>> -> memref<1x128xi32, #tpu.memory_space<hbm>>
        %dma_start3A_154 = tpu.memref_squeeze %dma_start3A_153 : memref<1x128xi32, #tpu.memory_space<hbm>> -> memref<128xi32, #tpu.memory_space<hbm>>
        %dma_start3A_155 = tpu.memref_slice %arg4[%add3A, %multiple_of3A_148] : memref<32x10112xi32, #tpu.memory_space<hbm>> -> memref<1x128xi32, #tpu.memory_space<hbm>>
        %dma_start3A_156 = tpu.memref_squeeze %dma_start3A_155 : memref<1x128xi32, #tpu.memory_space<hbm>> -> memref<128xi32, #tpu.memory_space<hbm>>
        tpu.enqueue_dma source(%dma_start3A_156 : memref<128xi32, #tpu.memory_space<hbm>>) target(%arg14 : memref<128xi32, #tpu.memory_space<vmem>>) target_semaphore(%arg17 : memref<!tpu.dma_semaphore, #tpu.memory_space<semaphore_mem>>)
      } else {
      }
      %mul3A_123 = arith.constant 3 : i32
      %mul3A_124 = arith.muli %scan3A_81, %mul3A_123 : i32
      %add3A_125 = arith.constant 2 : i32
      %add3A_126 = arith.addi %mul3A_124, %add3A_125 : i32
      %add3A_127 = arith.constant 2 : i32
      %add3A_128 = arith.addi %add3A_126, %add3A_127 : i32
      %lt3A_129 = arith.constant 79 : i32
      %lt3A_130 = arith.cmpi slt, %add3A_128, %lt3A_129 : i32
      %convert_element_type3A_131 = arith.extui %lt3A_130 : i1 to i32
      %cond3A_132 = arith.constant 0 : i32
      %cond3A_133 = arith.cmpi ne, %convert_element_type3A_131, %cond3A_132 : i32
      scf.if %cond3A_133 {
        %dma_wait3A_144 = arith.constant 0 : i32
        %dma_wait3A_145 = tpu.memref_slice %arg3[%add3A, %dma_wait3A_144] : memref<32x10112xi32, #tpu.memory_space<hbm>> -> memref<1x128xi32, #tpu.memory_space<hbm>>
        %dma_wait3A_146 = tpu.memref_squeeze %dma_wait3A_145 : memref<1x128xi32, #tpu.memory_space<hbm>> -> memref<128xi32, #tpu.memory_space<hbm>>
        %dma_wait3A_147 = arith.constant 0 : i32
        %dma_wait3A_148 = tpu.memref_slice %arg3[%add3A, %dma_wait3A_147] : memref<32x10112xi32, #tpu.memory_space<hbm>> -> memref<1x128xi32, #tpu.memory_space<hbm>>
        %dma_wait3A_149 = tpu.memref_squeeze %dma_wait3A_148 : memref<1x128xi32, #tpu.memory_space<hbm>> -> memref<128xi32, #tpu.memory_space<hbm>>
        tpu.wait_dma2 semaphore(%arg17 : memref<!tpu.dma_semaphore, #tpu.memory_space<semaphore_mem>>) src(%dma_wait3A_149 : memref<128xi32, #tpu.memory_space<hbm>>) dst(%arg13 : memref<128xi32, #tpu.memory_space<vmem>>)
        %dma_wait3A_150 = arith.constant 0 : i32
        %dma_wait3A_151 = tpu.memref_slice %arg4[%add3A, %dma_wait3A_150] : memref<32x10112xi32, #tpu.memory_space<hbm>> -> memref<1x128xi32, #tpu.memory_space<hbm>>
        %dma_wait3A_152 = tpu.memref_squeeze %dma_wait3A_151 : memref<1x128xi32, #tpu.memory_space<hbm>> -> memref<128xi32, #tpu.memory_space<hbm>>
        %dma_wait3A_153 = arith.constant 0 : i32
        %dma_wait3A_154 = tpu.memref_slice %arg4[%add3A, %dma_wait3A_153] : memref<32x10112xi32, #tpu.memory_space<hbm>> -> memref<1x128xi32, #tpu.memory_space<hbm>>
        %dma_wait3A_155 = tpu.memref_squeeze %dma_wait3A_154 : memref<1x128xi32, #tpu.memory_space<hbm>> -> memref<128xi32, #tpu.memory_space<hbm>>
        tpu.wait_dma2 semaphore(%arg17 : memref<!tpu.dma_semaphore, #tpu.memory_space<semaphore_mem>>) src(%dma_wait3A_155 : memref<128xi32, #tpu.memory_space<hbm>>) dst(%arg14 : memref<128xi32, #tpu.memory_space<vmem>>)
        %dma_start3A_156 = arith.constant 0 : i32
        %dma_start3A_157 = arith.constant 0 : i32
        %dma_start3A_158 = tpu.memref_slice %arg2[%dma_start3A_156, %dma_start3A_157] : memref<10000x128xf32, #tpu.memory_space<hbm>> -> memref<10000x128xf32, #tpu.memory_space<hbm>>
        tpu.enqueue_indirect_dma source(%dma_start3A_158 : memref<10000x128xf32, #tpu.memory_space<hbm>>) target(%arg15 : memref<128x128xf32, #tpu.memory_space<vmem>>) offsets(%arg13 : memref<128xi32, #tpu.memory_space<vmem>>) semaphore(%arg16 : memref<!tpu.dma_semaphore, #tpu.memory_space<semaphore_mem>>)
      } else {
      }
      %dma_wait3A_134 = arith.constant 0 : i32
      %dma_wait3A_135 = arith.constant 0 : i32
      %dma_wait3A_136 = tpu.memref_slice %arg2[%dma_wait3A_134, %dma_wait3A_135] : memref<10000x128xf32, #tpu.memory_space<hbm>> -> memref<10000x128xf32, #tpu.memory_space<hbm>>
      tpu.wait_indirect_dma semaphore(%arg21 : memref<!tpu.dma_semaphore, #tpu.memory_space<semaphore_mem>>) src(%dma_wait3A_136 : memref<10000x128xf32, #tpu.memory_space<hbm>>) dst(%arg20 : memref<128x128xf32, #tpu.memory_space<vmem>>)
      "tpu.region"() ({
        %run_scoped3A = tpu.sem_alloc : memref<!tpu.dma_semaphore, #tpu.memory_space<semaphore_mem>>
        %dma_start3A_144 = arith.constant 0 : i32
        %dma_start3A_145 = arith.constant 0 : i32
        %dma_start3A_146 = tpu.memref_slice %arg7[%dma_start3A_144, %dma_start3A_145] : memref<10016x128xf32, #tpu.memory_space<vmem_shared>> -> memref<10016x128xf32, #tpu.memory_space<vmem_shared>>
        tpu.enqueue_indirect_dma source(%arg20 : memref<128x128xf32, #tpu.memory_space<vmem>>) target(%dma_start3A_146 : memref<10016x128xf32, #tpu.memory_space<vmem_shared>>) offsets(%arg19 : memref<128xi32, #tpu.memory_space<vmem>>) semaphore(%run_scoped3A : memref<!tpu.dma_semaphore, #tpu.memory_space<semaphore_mem>>) {add = true}
        %dma_wait3A_147 = arith.constant 0 : i32
        %dma_wait3A_148 = arith.constant 0 : i32
        %dma_wait3A_149 = tpu.memref_slice %arg7[%dma_wait3A_147, %dma_wait3A_148] : memref<10016x128xf32, #tpu.memory_space<vmem_shared>> -> memref<10016x128xf32, #tpu.memory_space<vmem_shared>>
        tpu.wait_indirect_dma semaphore(%run_scoped3A : memref<!tpu.dma_semaphore, #tpu.memory_space<semaphore_mem>>) src(%arg20 : memref<128x128xf32, #tpu.memory_space<vmem>>) dst(%dma_wait3A_149 : memref<10016x128xf32, #tpu.memory_space<vmem_shared>>)
        tpu.yield
      }) : () -> ()
      %add3A_137 = arith.constant 3 : i32
      %add3A_138 = arith.addi %add3A_126, %add3A_137 : i32
      %lt3A_139 = arith.constant 79 : i32
      %lt3A_140 = arith.cmpi slt, %add3A_138, %lt3A_139 : i32
      %convert_element_type3A_141 = arith.extui %lt3A_140 : i1 to i32
      %cond3A_142 = arith.constant 0 : i32
      %cond3A_143 = arith.cmpi ne, %convert_element_type3A_141, %cond3A_142 : i32
      scf.if %cond3A_143 {
        %add3A_144 = arith.constant 3 : i32
        %add3A_145 = arith.addi %add3A_126, %add3A_144 : i32
        %mul3A_146 = arith.constant 128 : i32
        %mul3A_147 = arith.muli %add3A_145, %mul3A_146 : i32
        %multiple_of3A_148 = tpu.assume_multiple %mul3A_147, 128 : i32
        %dma_start3A_149 = tpu.memref_slice %arg3[%add3A, %multiple_of3A_148] : memref<32x10112xi32, #tpu.memory_space<hbm>> -> memref<1x128xi32, #tpu.memory_space<hbm>>
        %dma_start3A_150 = tpu.memref_squeeze %dma_start3A_149 : memref<1x128xi32, #tpu.memory_space<hbm>> -> memref<128xi32, #tpu.memory_space<hbm>>
        %dma_start3A_151 = tpu.memref_slice %arg3[%add3A, %multiple_of3A_148] : memref<32x10112xi32, #tpu.memory_space<hbm>> -> memref<1x128xi32, #tpu.memory_space<hbm>>
        %dma_start3A_152 = tpu.memref_squeeze %dma_start3A_151 : memref<1x128xi32, #tpu.memory_space<hbm>> -> memref<128xi32, #tpu.memory_space<hbm>>
        tpu.enqueue_dma source(%dma_start3A_152 : memref<128xi32, #tpu.memory_space<hbm>>) target(%arg18 : memref<128xi32, #tpu.memory_space<vmem>>) target_semaphore(%arg22 : memref<!tpu.dma_semaphore, #tpu.memory_space<semaphore_mem>>)
        %dma_start3A_153 = tpu.memref_slice %arg4[%add3A, %multiple_of3A_148] : memref<32x10112xi32, #tpu.memory_space<hbm>> -> memref<1x128xi32, #tpu.memory_space<hbm>>
        %dma_start3A_154 = tpu.memref_squeeze %dma_start3A_153 : memref<1x128xi32, #tpu.memory_space<hbm>> -> memref<128xi32, #tpu.memory_space<hbm>>
        %dma_start3A_155 = tpu.memref_slice %arg4[%add3A, %multiple_of3A_148] : memref<32x10112xi32, #tpu.memory_space<hbm>> -> memref<1x128xi32, #tpu.memory_space<hbm>>
        %dma_start3A_156 = tpu.memref_squeeze %dma_start3A_155 : memref<1x128xi32, #tpu.memory_space<hbm>> -> memref<128xi32, #tpu.memory_space<hbm>>
        tpu.enqueue_dma source(%dma_start3A_156 : memref<128xi32, #tpu.memory_space<hbm>>) target(%arg19 : memref<128xi32, #tpu.memory_space<vmem>>) target_semaphore(%arg22 : memref<!tpu.dma_semaphore, #tpu.memory_space<semaphore_mem>>)
      } else {
      }
    }
    %scan3A_71 = arith.constant 26 : i32
    %dma_wait3A_72 = arith.constant 0 : i32
    %dma_wait3A_73 = arith.constant 0 : i32
    %dma_wait3A_74 = tpu.memref_slice %arg2[%dma_wait3A_72, %dma_wait3A_73] : memref<10000x128xf32, #tpu.memory_space<hbm>> -> memref<10000x128xf32, #tpu.memory_space<hbm>>
    tpu.wait_indirect_dma semaphore(%arg11 : memref<!tpu.dma_semaphore, #tpu.memory_space<semaphore_mem>>) src(%dma_wait3A_74 : memref<10000x128xf32, #tpu.memory_space<hbm>>) dst(%arg10 : memref<128x128xf32, #tpu.memory_space<vmem>>)
    "tpu.region"() ({
      %run_scoped3A = tpu.sem_alloc : memref<!tpu.dma_semaphore, #tpu.memory_space<semaphore_mem>>
      %dma_start3A_81 = arith.constant 0 : i32
      %dma_start3A_82 = arith.constant 0 : i32
      %dma_start3A_83 = tpu.memref_slice %arg7[%dma_start3A_81, %dma_start3A_82] : memref<10016x128xf32, #tpu.memory_space<vmem_shared>> -> memref<10016x128xf32, #tpu.memory_space<vmem_shared>>
      tpu.enqueue_indirect_dma source(%arg10 : memref<128x128xf32, #tpu.memory_space<vmem>>) target(%dma_start3A_83 : memref<10016x128xf32, #tpu.memory_space<vmem_shared>>) offsets(%arg9 : memref<128xi32, #tpu.memory_space<vmem>>) semaphore(%run_scoped3A : memref<!tpu.dma_semaphore, #tpu.memory_space<semaphore_mem>>) {add = true}
      %dma_wait3A_84 = arith.constant 0 : i32
      %dma_wait3A_85 = arith.constant 0 : i32
      %dma_wait3A_86 = tpu.memref_slice %arg7[%dma_wait3A_84, %dma_wait3A_85] : memref<10016x128xf32, #tpu.memory_space<vmem_shared>> -> memref<10016x128xf32, #tpu.memory_space<vmem_shared>>
      tpu.wait_indirect_dma semaphore(%run_scoped3A : memref<!tpu.dma_semaphore, #tpu.memory_space<semaphore_mem>>) src(%arg10 : memref<128x128xf32, #tpu.memory_space<vmem>>) dst(%dma_wait3A_86 : memref<10016x128xf32, #tpu.memory_space<vmem_shared>>)
      tpu.yield
    }) : () -> ()
    %barrier3A_75 = arith.constant 0 : index
    tpu.barrier barrier_id(%barrier3A_75)
    "tpu.region"() ({
      %run_scoped3A = tpu.sem_alloc : memref<!tpu.dma_semaphore, #tpu.memory_space<semaphore_mem>>
      %dma_start3A_81 = arith.constant 0 : i32
      %dma_start3A_82 = tpu.memref_slice %arg6[%arg0, %multiple_of3A, %dma_start3A_81] : memref<2x10000x128xf32, #tpu.memory_space<hbm>> -> memref<1x624x128xf32, #tpu.memory_space<hbm>>
      %dma_start3A_83 = tpu.memref_squeeze %dma_start3A_82 : memref<1x624x128xf32, #tpu.memory_space<hbm>> -> memref<624x128xf32, #tpu.memory_space<hbm>>
      %dma_start3A_84 = arith.constant 0 : i32
      %dma_start3A_85 = tpu.memref_slice %arg7[%multiple_of3A, %dma_start3A_84] : memref<10016x128xf32, #tpu.memory_space<vmem_shared>> -> memref<624x128xf32, #tpu.memory_space<vmem_shared>>
      tpu.enqueue_dma source(%dma_start3A_85 : memref<624x128xf32, #tpu.memory_space<vmem_shared>>) target(%dma_start3A_83 : memref<624x128xf32, #tpu.memory_space<hbm>>) target_semaphore(%run_scoped3A : memref<!tpu.dma_semaphore, #tpu.memory_space<semaphore_mem>>)
      %dma_wait3A_86 = arith.constant 0 : i32
      %dma_wait3A_87 = tpu.memref_slice %arg6[%arg0, %multiple_of3A, %dma_wait3A_86] : memref<2x10000x128xf32, #tpu.memory_space<hbm>> -> memref<1x624x128xf32, #tpu.memory_space<hbm>>
      %dma_wait3A_88 = tpu.memref_squeeze %dma_wait3A_87 : memref<1x624x128xf32, #tpu.memory_space<hbm>> -> memref<624x128xf32, #tpu.memory_space<hbm>>
      %dma_wait3A_89 = arith.constant 0 : i32
      %dma_wait3A_90 = tpu.memref_slice %arg7[%multiple_of3A, %dma_wait3A_89] : memref<10016x128xf32, #tpu.memory_space<vmem_shared>> -> memref<624x128xf32, #tpu.memory_space<vmem_shared>>
      tpu.wait_dma2 semaphore(%run_scoped3A : memref<!tpu.dma_semaphore, #tpu.memory_space<semaphore_mem>>) src(%dma_wait3A_90 : memref<624x128xf32, #tpu.memory_space<vmem_shared>>) dst(%dma_wait3A_88 : memref<624x128xf32, #tpu.memory_space<hbm>>)
      tpu.yield
    }) : () -> ()
    %eq3A_76 = arith.constant 0 : i32
    %eq3A_77 = arith.cmpi eq, %arg1, %eq3A_76 : i32
    %convert_element_type3A_78 = arith.extui %eq3A_77 : i1 to i32
    %cond3A_79 = arith.constant 0 : i32
    %cond3A_80 = arith.cmpi ne, %convert_element_type3A_78, %cond3A_79 : i32
    scf.if %cond3A_80 {
      "tpu.region"() ({
        %run_scoped3A = tpu.sem_alloc : memref<!tpu.dma_semaphore, #tpu.memory_space<semaphore_mem>>
        %dma_start3A_81 = arith.constant 9984 : i32
        %dma_start3A_82 = arith.constant 0 : i32
        %dma_start3A_83 = tpu.memref_slice %arg6[%arg0, %dma_start3A_81, %dma_start3A_82] : memref<2x10000x128xf32, #tpu.memory_space<hbm>> -> memref<1x16x128xf32, #tpu.memory_space<hbm>>
        %dma_start3A_84 = tpu.memref_squeeze %dma_start3A_83 : memref<1x16x128xf32, #tpu.memory_space<hbm>> -> memref<16x128xf32, #tpu.memory_space<hbm>>
        %dma_start3A_85 = arith.constant 9984 : i32
        %dma_start3A_86 = arith.constant 0 : i32
        %dma_start3A_87 = tpu.memref_slice %arg7[%dma_start3A_85, %dma_start3A_86] : memref<10016x128xf32, #tpu.memory_space<vmem_shared>> -> memref<16x128xf32, #tpu.memory_space<vmem_shared>>
        tpu.enqueue_dma source(%dma_start3A_87 : memref<16x128xf32, #tpu.memory_space<vmem_shared>>) target(%dma_start3A_84 : memref<16x128xf32, #tpu.memory_space<hbm>>) target_semaphore(%run_scoped3A : memref<!tpu.dma_semaphore, #tpu.memory_space<semaphore_mem>>)
        %dma_wait3A_88 = arith.constant 9984 : i32
        %dma_wait3A_89 = arith.constant 0 : i32
        %dma_wait3A_90 = tpu.memref_slice %arg6[%arg0, %dma_wait3A_88, %dma_wait3A_89] : memref<2x10000x128xf32, #tpu.memory_space<hbm>> -> memref<1x16x128xf32, #tpu.memory_space<hbm>>
        %dma_wait3A_91 = tpu.memref_squeeze %dma_wait3A_90 : memref<1x16x128xf32, #tpu.memory_space<hbm>> -> memref<16x128xf32, #tpu.memory_space<hbm>>
        %dma_wait3A_92 = arith.constant 9984 : i32
        %dma_wait3A_93 = arith.constant 0 : i32
        %dma_wait3A_94 = tpu.memref_slice %arg7[%dma_wait3A_92, %dma_wait3A_93] : memref<10016x128xf32, #tpu.memory_space<vmem_shared>> -> memref<16x128xf32, #tpu.memory_space<vmem_shared>>
        tpu.wait_dma2 semaphore(%run_scoped3A : memref<!tpu.dma_semaphore, #tpu.memory_space<semaphore_mem>>) src(%dma_wait3A_94 : memref<16x128xf32, #tpu.memory_space<vmem_shared>>) dst(%dma_wait3A_91 : memref<16x128xf32, #tpu.memory_space<hbm>>)
        tpu.yield
      }) : () -> ()
    } else {
    }
    return
  }
}

#map = affine_map<(d0, d1) -> (0, 0)>
#map1 = affine_map<(d0, d1) -> (0, 0, 0)>
module attributes {stable_mosaic.version = 14 : i64} {
  func.func @_agg_body(%arg0: i32, %arg1: i32, %arg2: memref<10000x128xf32, #tpu.memory_space<hbm>>, %arg3: memref<32x10112xi32, #tpu.memory_space<hbm>>, %arg4: memref<32x10112xi32, #tpu.memory_space<hbm>>, %arg5: memref<10000x128xf32, #tpu.memory_space<hbm>>, %arg6: memref<2x10000x128xf32, #tpu.memory_space<hbm>>, %arg7: memref<10016x128xf32, #tpu.memory_space<vmem_shared>>, %arg8: memref<128xi32, #tpu.memory_space<vmem>>, %arg9: memref<128xi32, #tpu.memory_space<vmem>>, %arg10: memref<128x128xf32, #tpu.memory_space<vmem>>, %arg11: memref<!tpu.dma_semaphore, #tpu.memory_space<semaphore_mem>>, %arg12: memref<!tpu.dma_semaphore, #tpu.memory_space<semaphore_mem>>, %arg13: memref<128xi32, #tpu.memory_space<vmem>>, %arg14: memref<128xi32, #tpu.memory_space<vmem>>, %arg15: memref<128x128xf32, #tpu.memory_space<vmem>>, %arg16: memref<!tpu.dma_semaphore, #tpu.memory_space<semaphore_mem>>, %arg17: memref<!tpu.dma_semaphore, #tpu.memory_space<semaphore_mem>>, %arg18: memref<128xi32, #tpu.memory_space<vmem>>, %arg19: memref<128xi32, #tpu.memory_space<vmem>>, %arg20: memref<128x128xf32, #tpu.memory_space<vmem>>, %arg21: memref<!tpu.dma_semaphore, #tpu.memory_space<semaphore_mem>>, %arg22: memref<!tpu.dma_semaphore, #tpu.memory_space<semaphore_mem>>) attributes {dimension_semantics = [#tpu.dimension_semantics<core_parallel>, #tpu.dimension_semantics<subcore_parallel>], iteration_bounds = array<i64: 2, 16>, scalar_prefetch = 0 : i64, scratch_operands = 16 : i64, tpu.core_type = #tpu.core_type<sc_vector_subcore>, window_params = [{transform_indices = #map}, {transform_indices = #map}, {transform_indices = #map}, {transform_indices = #map}, {transform_indices = #map1}]} {
    %mul3A = arith.constant 2 : i32
    %mul3A_0 = arith.muli %arg1, %mul3A : i32
    %add3A = arith.addi %mul3A_0, %arg0 : i32
    %mul3A_1 = arith.constant 624 : i32
    %mul3A_2 = arith.muli %arg1, %mul3A_1 : i32
    %multiple_of3A = tpu.assume_multiple %mul3A_2, 8 : i32
    %eq3A = arith.constant 0 : i32
    %eq3A_3 = arith.cmpi eq, %arg0, %eq3A : i32
    %convert_element_type3A = arith.extui %eq3A_3 : i1 to i32
    %cond3A = arith.constant 0 : i32
    %cond3A_4 = arith.cmpi ne, %convert_element_type3A, %cond3A : i32
    scf.if %cond3A_4 {
      "tpu.region"() ({
        %run_scoped3A = tpu.sem_alloc : memref<!tpu.dma_semaphore, #tpu.memory_space<semaphore_mem>>
        %dma_start3A_86 = arith.constant 0 : i32
        %dma_start3A_87 = tpu.memref_slice %arg7[%multiple_of3A, %dma_start3A_86] : memref<10016x128xf32, #tpu.memory_space<vmem_shared>> -> memref<624x128xf32, #tpu.memory_space<vmem_shared>>
        %dma_start3A_88 = arith.constant 0 : i32
        %dma_start3A_89 = tpu.memref_slice %arg2[%multiple_of3A, %dma_start3A_88] : memref<10000x128xf32, #tpu.memory_space<hbm>> -> memref<624x128xf32, #tpu.memory_space<hbm>>
        tpu.enqueue_dma source(%dma_start3A_89 : memref<624x128xf32, #tpu.memory_space<hbm>>) target(%dma_start3A_87 : memref<624x128xf32, #tpu.memory_space<vmem_shared>>) target_semaphore(%run_scoped3A : memref<!tpu.dma_semaphore, #tpu.memory_space<semaphore_mem>>)
        %dma_wait3A_90 = arith.constant 0 : i32
        %dma_wait3A_91 = tpu.memref_slice %arg7[%multiple_of3A, %dma_wait3A_90] : memref<10016x128xf32, #tpu.memory_space<vmem_shared>> -> memref<624x128xf32, #tpu.memory_space<vmem_shared>>
        %dma_wait3A_92 = arith.constant 0 : i32
        %dma_wait3A_93 = tpu.memref_slice %arg2[%multiple_of3A, %dma_wait3A_92] : memref<10000x128xf32, #tpu.memory_space<hbm>> -> memref<624x128xf32, #tpu.memory_space<hbm>>
        tpu.wait_dma2 semaphore(%run_scoped3A : memref<!tpu.dma_semaphore, #tpu.memory_space<semaphore_mem>>) src(%dma_wait3A_93 : memref<624x128xf32, #tpu.memory_space<hbm>>) dst(%dma_wait3A_91 : memref<624x128xf32, #tpu.memory_space<vmem_shared>>)
        tpu.yield
      }) : () -> ()
      %eq3A_81 = arith.constant 0 : i32
      %eq3A_82 = arith.cmpi eq, %arg1, %eq3A_81 : i32
      %convert_element_type3A_83 = arith.extui %eq3A_82 : i1 to i32
      %cond3A_84 = arith.constant 0 : i32
      %cond3A_85 = arith.cmpi ne, %convert_element_type3A_83, %cond3A_84 : i32
      scf.if %cond3A_85 {
        "tpu.region"() ({
          %run_scoped3A = tpu.sem_alloc : memref<!tpu.dma_semaphore, #tpu.memory_space<semaphore_mem>>
          %dma_start3A_86 = arith.constant 9984 : i32
          %dma_start3A_87 = arith.constant 0 : i32
          %dma_start3A_88 = tpu.memref_slice %arg7[%dma_start3A_86, %dma_start3A_87] : memref<10016x128xf32, #tpu.memory_space<vmem_shared>> -> memref<16x128xf32, #tpu.memory_space<vmem_shared>>
          %dma_start3A_89 = arith.constant 9984 : i32
          %dma_start3A_90 = arith.constant 0 : i32
          %dma_start3A_91 = tpu.memref_slice %arg2[%dma_start3A_89, %dma_start3A_90] : memref<10000x128xf32, #tpu.memory_space<hbm>> -> memref<16x128xf32, #tpu.memory_space<hbm>>
          tpu.enqueue_dma source(%dma_start3A_91 : memref<16x128xf32, #tpu.memory_space<hbm>>) target(%dma_start3A_88 : memref<16x128xf32, #tpu.memory_space<vmem_shared>>) target_semaphore(%run_scoped3A : memref<!tpu.dma_semaphore, #tpu.memory_space<semaphore_mem>>)
          %dma_wait3A_92 = arith.constant 9984 : i32
          %dma_wait3A_93 = arith.constant 0 : i32
          %dma_wait3A_94 = tpu.memref_slice %arg7[%dma_wait3A_92, %dma_wait3A_93] : memref<10016x128xf32, #tpu.memory_space<vmem_shared>> -> memref<16x128xf32, #tpu.memory_space<vmem_shared>>
          %dma_wait3A_95 = arith.constant 9984 : i32
          %dma_wait3A_96 = arith.constant 0 : i32
          %dma_wait3A_97 = tpu.memref_slice %arg2[%dma_wait3A_95, %dma_wait3A_96] : memref<10000x128xf32, #tpu.memory_space<hbm>> -> memref<16x128xf32, #tpu.memory_space<hbm>>
          tpu.wait_dma2 semaphore(%run_scoped3A : memref<!tpu.dma_semaphore, #tpu.memory_space<semaphore_mem>>) src(%dma_wait3A_97 : memref<16x128xf32, #tpu.memory_space<hbm>>) dst(%dma_wait3A_94 : memref<16x128xf32, #tpu.memory_space<vmem_shared>>)
          tpu.yield
        }) : () -> ()
      } else {
      }
    } else {
    }
    %ne3A = arith.constant 0 : i32
    %ne3A_5 = arith.cmpi ne, %arg0, %ne3A : i32
    %convert_element_type3A_6 = arith.extui %ne3A_5 : i1 to i32
    %cond3A_7 = arith.constant 0 : i32
    %cond3A_8 = arith.cmpi ne, %convert_element_type3A_6, %cond3A_7 : i32
    scf.if %cond3A_8 {
      "tpu.region"() ({
        %run_scoped3A = tpu.sem_alloc : memref<!tpu.dma_semaphore, #tpu.memory_space<semaphore_mem>>
        %dma_start3A_86 = arith.constant 0 : i32
        %dma_start3A_87 = tpu.memref_slice %arg7[%multiple_of3A, %dma_start3A_86] : memref<10016x128xf32, #tpu.memory_space<vmem_shared>> -> memref<624x128xf32, #tpu.memory_space<vmem_shared>>
        %dma_start3A_88 = arith.constant 0 : i32
        %dma_start3A_89 = tpu.memref_slice %arg5[%multiple_of3A, %dma_start3A_88] : memref<10000x128xf32, #tpu.memory_space<hbm>> -> memref<624x128xf32, #tpu.memory_space<hbm>>
        tpu.enqueue_dma source(%dma_start3A_89 : memref<624x128xf32, #tpu.memory_space<hbm>>) target(%dma_start3A_87 : memref<624x128xf32, #tpu.memory_space<vmem_shared>>) target_semaphore(%run_scoped3A : memref<!tpu.dma_semaphore, #tpu.memory_space<semaphore_mem>>)
        %dma_wait3A_90 = arith.constant 0 : i32
        %dma_wait3A_91 = tpu.memref_slice %arg7[%multiple_of3A, %dma_wait3A_90] : memref<10016x128xf32, #tpu.memory_space<vmem_shared>> -> memref<624x128xf32, #tpu.memory_space<vmem_shared>>
        %dma_wait3A_92 = arith.constant 0 : i32
        %dma_wait3A_93 = tpu.memref_slice %arg5[%multiple_of3A, %dma_wait3A_92] : memref<10000x128xf32, #tpu.memory_space<hbm>> -> memref<624x128xf32, #tpu.memory_space<hbm>>
        tpu.wait_dma2 semaphore(%run_scoped3A : memref<!tpu.dma_semaphore, #tpu.memory_space<semaphore_mem>>) src(%dma_wait3A_93 : memref<624x128xf32, #tpu.memory_space<hbm>>) dst(%dma_wait3A_91 : memref<624x128xf32, #tpu.memory_space<vmem_shared>>)
        tpu.yield
      }) : () -> ()
      %eq3A_81 = arith.constant 0 : i32
      %eq3A_82 = arith.cmpi eq, %arg1, %eq3A_81 : i32
      %convert_element_type3A_83 = arith.extui %eq3A_82 : i1 to i32
      %cond3A_84 = arith.constant 0 : i32
      %cond3A_85 = arith.cmpi ne, %convert_element_type3A_83, %cond3A_84 : i32
      scf.if %cond3A_85 {
        "tpu.region"() ({
          %run_scoped3A = tpu.sem_alloc : memref<!tpu.dma_semaphore, #tpu.memory_space<semaphore_mem>>
          %dma_start3A_86 = arith.constant 9984 : i32
          %dma_start3A_87 = arith.constant 0 : i32
          %dma_start3A_88 = tpu.memref_slice %arg7[%dma_start3A_86, %dma_start3A_87] : memref<10016x128xf32, #tpu.memory_space<vmem_shared>> -> memref<16x128xf32, #tpu.memory_space<vmem_shared>>
          %dma_start3A_89 = arith.constant 9984 : i32
          %dma_start3A_90 = arith.constant 0 : i32
          %dma_start3A_91 = tpu.memref_slice %arg5[%dma_start3A_89, %dma_start3A_90] : memref<10000x128xf32, #tpu.memory_space<hbm>> -> memref<16x128xf32, #tpu.memory_space<hbm>>
          tpu.enqueue_dma source(%dma_start3A_91 : memref<16x128xf32, #tpu.memory_space<hbm>>) target(%dma_start3A_88 : memref<16x128xf32, #tpu.memory_space<vmem_shared>>) target_semaphore(%run_scoped3A : memref<!tpu.dma_semaphore, #tpu.memory_space<semaphore_mem>>)
          %dma_wait3A_92 = arith.constant 9984 : i32
          %dma_wait3A_93 = arith.constant 0 : i32
          %dma_wait3A_94 = tpu.memref_slice %arg7[%dma_wait3A_92, %dma_wait3A_93] : memref<10016x128xf32, #tpu.memory_space<vmem_shared>> -> memref<16x128xf32, #tpu.memory_space<vmem_shared>>
          %dma_wait3A_95 = arith.constant 9984 : i32
          %dma_wait3A_96 = arith.constant 0 : i32
          %dma_wait3A_97 = tpu.memref_slice %arg5[%dma_wait3A_95, %dma_wait3A_96] : memref<10000x128xf32, #tpu.memory_space<hbm>> -> memref<16x128xf32, #tpu.memory_space<hbm>>
          tpu.wait_dma2 semaphore(%run_scoped3A : memref<!tpu.dma_semaphore, #tpu.memory_space<semaphore_mem>>) src(%dma_wait3A_97 : memref<16x128xf32, #tpu.memory_space<hbm>>) dst(%dma_wait3A_94 : memref<16x128xf32, #tpu.memory_space<vmem_shared>>)
          tpu.yield
        }) : () -> ()
      } else {
      }
    } else {
    }
    %barrier3A = arith.constant 0 : index
    tpu.barrier barrier_id(%barrier3A)
    %multiple_of3A_9 = arith.constant 0 : i32
    %multiple_of3A_10 = tpu.assume_multiple %multiple_of3A_9, 128 : i32
    %dma_start3A = tpu.memref_slice %arg3[%add3A, %multiple_of3A_10] : memref<32x10112xi32, #tpu.memory_space<hbm>> -> memref<1x128xi32, #tpu.memory_space<hbm>>
    %dma_start3A_11 = tpu.memref_squeeze %dma_start3A : memref<1x128xi32, #tpu.memory_space<hbm>> -> memref<128xi32, #tpu.memory_space<hbm>>
    %dma_start3A_12 = tpu.memref_slice %arg3[%add3A, %multiple_of3A_10] : memref<32x10112xi32, #tpu.memory_space<hbm>> -> memref<1x128xi32, #tpu.memory_space<hbm>>
    %dma_start3A_13 = tpu.memref_squeeze %dma_start3A_12 : memref<1x128xi32, #tpu.memory_space<hbm>> -> memref<128xi32, #tpu.memory_space<hbm>>
    tpu.enqueue_dma source(%dma_start3A_13 : memref<128xi32, #tpu.memory_space<hbm>>) target(%arg8 : memref<128xi32, #tpu.memory_space<vmem>>) target_semaphore(%arg12 : memref<!tpu.dma_semaphore, #tpu.memory_space<semaphore_mem>>)
    %dma_start3A_14 = tpu.memref_slice %arg4[%add3A, %multiple_of3A_10] : memref<32x10112xi32, #tpu.memory_space<hbm>> -> memref<1x128xi32, #tpu.memory_space<hbm>>
    %dma_start3A_15 = tpu.memref_squeeze %dma_start3A_14 : memref<1x128xi32, #tpu.memory_space<hbm>> -> memref<128xi32, #tpu.memory_space<hbm>>
    %dma_start3A_16 = tpu.memref_slice %arg4[%add3A, %multiple_of3A_10] : memref<32x10112xi32, #tpu.memory_space<hbm>> -> memref<1x128xi32, #tpu.memory_space<hbm>>
    %dma_start3A_17 = tpu.memref_squeeze %dma_start3A_16 : memref<1x128xi32, #tpu.memory_space<hbm>> -> memref<128xi32, #tpu.memory_space<hbm>>
    tpu.enqueue_dma source(%dma_start3A_17 : memref<128xi32, #tpu.memory_space<hbm>>) target(%arg9 : memref<128xi32, #tpu.memory_space<vmem>>) target_semaphore(%arg12 : memref<!tpu.dma_semaphore, #tpu.memory_space<semaphore_mem>>)
    %multiple_of3A_18 = arith.constant 128 : i32
    %multiple_of3A_19 = tpu.assume_multiple %multiple_of3A_18, 128 : i32
    %dma_start3A_20 = tpu.memref_slice %arg3[%add3A, %multiple_of3A_19] : memref<32x10112xi32, #tpu.memory_space<hbm>> -> memref<1x128xi32, #tpu.memory_space<hbm>>
    %dma_start3A_21 = tpu.memref_squeeze %dma_start3A_20 : memref<1x128xi32, #tpu.memory_space<hbm>> -> memref<128xi32, #tpu.memory_space<hbm>>
    %dma_start3A_22 = tpu.memref_slice %arg3[%add3A, %multiple_of3A_19] : memref<32x10112xi32, #tpu.memory_space<hbm>> -> memref<1x128xi32, #tpu.memory_space<hbm>>
    %dma_start3A_23 = tpu.memref_squeeze %dma_start3A_22 : memref<1x128xi32, #tpu.memory_space<hbm>> -> memref<128xi32, #tpu.memory_space<hbm>>
    tpu.enqueue_dma source(%dma_start3A_23 : memref<128xi32, #tpu.memory_space<hbm>>) target(%arg13 : memref<128xi32, #tpu.memory_space<vmem>>) target_semaphore(%arg17 : memref<!tpu.dma_semaphore, #tpu.memory_space<semaphore_mem>>)
    %dma_start3A_24 = tpu.memref_slice %arg4[%add3A, %multiple_of3A_19] : memref<32x10112xi32, #tpu.memory_space<hbm>> -> memref<1x128xi32, #tpu.memory_space<hbm>>
    %dma_start3A_25 = tpu.memref_squeeze %dma_start3A_24 : memref<1x128xi32, #tpu.memory_space<hbm>> -> memref<128xi32, #tpu.memory_space<hbm>>
    %dma_start3A_26 = tpu.memref_slice %arg4[%add3A, %multiple_of3A_19] : memref<32x10112xi32, #tpu.memory_space<hbm>> -> memref<1x128xi32, #tpu.memory_space<hbm>>
    %dma_start3A_27 = tpu.memref_squeeze %dma_start3A_26 : memref<1x128xi32, #tpu.memory_space<hbm>> -> memref<128xi32, #tpu.memory_space<hbm>>
    tpu.enqueue_dma source(%dma_start3A_27 : memref<128xi32, #tpu.memory_space<hbm>>) target(%arg14 : memref<128xi32, #tpu.memory_space<vmem>>) target_semaphore(%arg17 : memref<!tpu.dma_semaphore, #tpu.memory_space<semaphore_mem>>)
    %multiple_of3A_28 = arith.constant 256 : i32
    %multiple_of3A_29 = tpu.assume_multiple %multiple_of3A_28, 128 : i32
    %dma_start3A_30 = tpu.memref_slice %arg3[%add3A, %multiple_of3A_29] : memref<32x10112xi32, #tpu.memory_space<hbm>> -> memref<1x128xi32, #tpu.memory_space<hbm>>
    %dma_start3A_31 = tpu.memref_squeeze %dma_start3A_30 : memref<1x128xi32, #tpu.memory_space<hbm>> -> memref<128xi32, #tpu.memory_space<hbm>>
    %dma_start3A_32 = tpu.memref_slice %arg3[%add3A, %multiple_of3A_29] : memref<32x10112xi32, #tpu.memory_space<hbm>> -> memref<1x128xi32, #tpu.memory_space<hbm>>
    %dma_start3A_33 = tpu.memref_squeeze %dma_start3A_32 : memref<1x128xi32, #tpu.memory_space<hbm>> -> memref<128xi32, #tpu.memory_space<hbm>>
    tpu.enqueue_dma source(%dma_start3A_33 : memref<128xi32, #tpu.memory_space<hbm>>) target(%arg18 : memref<128xi32, #tpu.memory_space<vmem>>) target_semaphore(%arg22 : memref<!tpu.dma_semaphore, #tpu.memory_space<semaphore_mem>>)
    %dma_start3A_34 = tpu.memref_slice %arg4[%add3A, %multiple_of3A_29] : memref<32x10112xi32, #tpu.memory_space<hbm>> -> memref<1x128xi32, #tpu.memory_space<hbm>>
    %dma_start3A_35 = tpu.memref_squeeze %dma_start3A_34 : memref<1x128xi32, #tpu.memory_space<hbm>> -> memref<128xi32, #tpu.memory_space<hbm>>
    %dma_start3A_36 = tpu.memref_slice %arg4[%add3A, %multiple_of3A_29] : memref<32x10112xi32, #tpu.memory_space<hbm>> -> memref<1x128xi32, #tpu.memory_space<hbm>>
    %dma_start3A_37 = tpu.memref_squeeze %dma_start3A_36 : memref<1x128xi32, #tpu.memory_space<hbm>> -> memref<128xi32, #tpu.memory_space<hbm>>
    tpu.enqueue_dma source(%dma_start3A_37 : memref<128xi32, #tpu.memory_space<hbm>>) target(%arg19 : memref<128xi32, #tpu.memory_space<vmem>>) target_semaphore(%arg22 : memref<!tpu.dma_semaphore, #tpu.memory_space<semaphore_mem>>)
    %dma_wait3A = arith.constant 0 : i32
    %dma_wait3A_38 = tpu.memref_slice %arg3[%add3A, %dma_wait3A] : memref<32x10112xi32, #tpu.memory_space<hbm>> -> memref<1x128xi32, #tpu.memory_space<hbm>>
    %dma_wait3A_39 = tpu.memref_squeeze %dma_wait3A_38 : memref<1x128xi32, #tpu.memory_space<hbm>> -> memref<128xi32, #tpu.memory_space<hbm>>
    %dma_wait3A_40 = arith.constant 0 : i32
    %dma_wait3A_41 = tpu.memref_slice %arg3[%add3A, %dma_wait3A_40] : memref<32x10112xi32, #tpu.memory_space<hbm>> -> memref<1x128xi32, #tpu.memory_space<hbm>>
    %dma_wait3A_42 = tpu.memref_squeeze %dma_wait3A_41 : memref<1x128xi32, #tpu.memory_space<hbm>> -> memref<128xi32, #tpu.memory_space<hbm>>
    tpu.wait_dma2 semaphore(%arg12 : memref<!tpu.dma_semaphore, #tpu.memory_space<semaphore_mem>>) src(%dma_wait3A_42 : memref<128xi32, #tpu.memory_space<hbm>>) dst(%arg8 : memref<128xi32, #tpu.memory_space<vmem>>)
    %dma_wait3A_43 = arith.constant 0 : i32
    %dma_wait3A_44 = tpu.memref_slice %arg4[%add3A, %dma_wait3A_43] : memref<32x10112xi32, #tpu.memory_space<hbm>> -> memref<1x128xi32, #tpu.memory_space<hbm>>
    %dma_wait3A_45 = tpu.memref_squeeze %dma_wait3A_44 : memref<1x128xi32, #tpu.memory_space<hbm>> -> memref<128xi32, #tpu.memory_space<hbm>>
    %dma_wait3A_46 = arith.constant 0 : i32
    %dma_wait3A_47 = tpu.memref_slice %arg4[%add3A, %dma_wait3A_46] : memref<32x10112xi32, #tpu.memory_space<hbm>> -> memref<1x128xi32, #tpu.memory_space<hbm>>
    %dma_wait3A_48 = tpu.memref_squeeze %dma_wait3A_47 : memref<1x128xi32, #tpu.memory_space<hbm>> -> memref<128xi32, #tpu.memory_space<hbm>>
    tpu.wait_dma2 semaphore(%arg12 : memref<!tpu.dma_semaphore, #tpu.memory_space<semaphore_mem>>) src(%dma_wait3A_48 : memref<128xi32, #tpu.memory_space<hbm>>) dst(%arg9 : memref<128xi32, #tpu.memory_space<vmem>>)
    %dma_start3A_49 = arith.constant 0 : i32
    %dma_start3A_50 = arith.constant 0 : i32
    %dma_start3A_51 = tpu.memref_slice %arg2[%dma_start3A_49, %dma_start3A_50] : memref<10000x128xf32, #tpu.memory_space<hbm>> -> memref<10000x128xf32, #tpu.memory_space<hbm>>
    tpu.enqueue_indirect_dma source(%dma_start3A_51 : memref<10000x128xf32, #tpu.memory_space<hbm>>) target(%arg10 : memref<128x128xf32, #tpu.memory_space<vmem>>) offsets(%arg8 : memref<128xi32, #tpu.memory_space<vmem>>) semaphore(%arg11 : memref<!tpu.dma_semaphore, #tpu.memory_space<semaphore_mem>>)
    %dma_wait3A_52 = arith.constant 0 : i32
    %dma_wait3A_53 = tpu.memref_slice %arg3[%add3A, %dma_wait3A_52] : memref<32x10112xi32, #tpu.memory_space<hbm>> -> memref<1x128xi32, #tpu.memory_space<hbm>>
    %dma_wait3A_54 = tpu.memref_squeeze %dma_wait3A_53 : memref<1x128xi32, #tpu.memory_space<hbm>> -> memref<128xi32, #tpu.memory_space<hbm>>
    %dma_wait3A_55 = arith.constant 0 : i32
    %dma_wait3A_56 = tpu.memref_slice %arg3[%add3A, %dma_wait3A_55] : memref<32x10112xi32, #tpu.memory_space<hbm>> -> memref<1x128xi32, #tpu.memory_space<hbm>>
    %dma_wait3A_57 = tpu.memref_squeeze %dma_wait3A_56 : memref<1x128xi32, #tpu.memory_space<hbm>> -> memref<128xi32, #tpu.memory_space<hbm>>
    tpu.wait_dma2 semaphore(%arg17 : memref<!tpu.dma_semaphore, #tpu.memory_space<semaphore_mem>>) src(%dma_wait3A_57 : memref<128xi32, #tpu.memory_space<hbm>>) dst(%arg13 : memref<128xi32, #tpu.memory_space<vmem>>)
    %dma_wait3A_58 = arith.constant 0 : i32
    %dma_wait3A_59 = tpu.memref_slice %arg4[%add3A, %dma_wait3A_58] : memref<32x10112xi32, #tpu.memory_space<hbm>> -> memref<1x128xi32, #tpu.memory_space<hbm>>
    %dma_wait3A_60 = tpu.memref_squeeze %dma_wait3A_59 : memref<1x128xi32, #tpu.memory_space<hbm>> -> memref<128xi32, #tpu.memory_space<hbm>>
    %dma_wait3A_61 = arith.constant 0 : i32
    %dma_wait3A_62 = tpu.memref_slice %arg4[%add3A, %dma_wait3A_61] : memref<32x10112xi32, #tpu.memory_space<hbm>> -> memref<1x128xi32, #tpu.memory_space<hbm>>
    %dma_wait3A_63 = tpu.memref_squeeze %dma_wait3A_62 : memref<1x128xi32, #tpu.memory_space<hbm>> -> memref<128xi32, #tpu.memory_space<hbm>>
    tpu.wait_dma2 semaphore(%arg17 : memref<!tpu.dma_semaphore, #tpu.memory_space<semaphore_mem>>) src(%dma_wait3A_63 : memref<128xi32, #tpu.memory_space<hbm>>) dst(%arg14 : memref<128xi32, #tpu.memory_space<vmem>>)
    %dma_start3A_64 = arith.constant 0 : i32
    %dma_start3A_65 = arith.constant 0 : i32
    %dma_start3A_66 = tpu.memref_slice %arg2[%dma_start3A_64, %dma_start3A_65] : memref<10000x128xf32, #tpu.memory_space<hbm>> -> memref<10000x128xf32, #tpu.memory_space<hbm>>
    tpu.enqueue_indirect_dma source(%dma_start3A_66 : memref<10000x128xf32, #tpu.memory_space<hbm>>) target(%arg15 : memref<128x128xf32, #tpu.memory_space<vmem>>) offsets(%arg13 : memref<128xi32, #tpu.memory_space<vmem>>) semaphore(%arg16 : memref<!tpu.dma_semaphore, #tpu.memory_space<semaphore_mem>>)
    %scan3A = arith.constant 0 : i32
    %scan3A_67 = arith.constant 0 : i32
    %scan3A_68 = arith.constant 26 : i32
    %scan3A_69 = arith.addi %scan3A_67, %scan3A_68 : i32
    %scan3A_70 = arith.constant 1 : i32
    scf.for %scan3A_81 = %scan3A_67 to %scan3A_69 step %scan3A_70  : i32 {
      %mul3A_82 = arith.constant 3 : i32
      %mul3A_83 = arith.muli %scan3A_81, %mul3A_82 : i32
      %add3A_84 = arith.constant 0 : i32
      %add3A_85 = arith.addi %mul3A_83, %add3A_84 : i32
      %add3A_86 = arith.constant 2 : i32
      %add3A_87 = arith.addi %add3A_85, %add3A_86 : i32
      %lt3A = arith.constant 79 : i32
      %lt3A_88 = arith.cmpi slt, %add3A_87, %lt3A : i32
      %convert_element_type3A_89 = arith.extui %lt3A_88 : i1 to i32
      %cond3A_90 = arith.constant 0 : i32
      %cond3A_91 = arith.cmpi ne, %convert_element_type3A_89, %cond3A_90 : i32
      scf.if %cond3A_91 {
        %dma_wait3A_144 = arith.constant 0 : i32
        %dma_wait3A_145 = tpu.memref_slice %arg3[%add3A, %dma_wait3A_144] : memref<32x10112xi32, #tpu.memory_space<hbm>> -> memref<1x128xi32, #tpu.memory_space<hbm>>
        %dma_wait3A_146 = tpu.memref_squeeze %dma_wait3A_145 : memref<1x128xi32, #tpu.memory_space<hbm>> -> memref<128xi32, #tpu.memory_space<hbm>>
        %dma_wait3A_147 = arith.constant 0 : i32
        %dma_wait3A_148 = tpu.memref_slice %arg3[%add3A, %dma_wait3A_147] : memref<32x10112xi32, #tpu.memory_space<hbm>> -> memref<1x128xi32, #tpu.memory_space<hbm>>
        %dma_wait3A_149 = tpu.memref_squeeze %dma_wait3A_148 : memref<1x128xi32, #tpu.memory_space<hbm>> -> memref<128xi32, #tpu.memory_space<hbm>>
        tpu.wait_dma2 semaphore(%arg22 : memref<!tpu.dma_semaphore, #tpu.memory_space<semaphore_mem>>) src(%dma_wait3A_149 : memref<128xi32, #tpu.memory_space<hbm>>) dst(%arg18 : memref<128xi32, #tpu.memory_space<vmem>>)
        %dma_wait3A_150 = arith.constant 0 : i32
        %dma_wait3A_151 = tpu.memref_slice %arg4[%add3A, %dma_wait3A_150] : memref<32x10112xi32, #tpu.memory_space<hbm>> -> memref<1x128xi32, #tpu.memory_space<hbm>>
        %dma_wait3A_152 = tpu.memref_squeeze %dma_wait3A_151 : memref<1x128xi32, #tpu.memory_space<hbm>> -> memref<128xi32, #tpu.memory_space<hbm>>
        %dma_wait3A_153 = arith.constant 0 : i32
        %dma_wait3A_154 = tpu.memref_slice %arg4[%add3A, %dma_wait3A_153] : memref<32x10112xi32, #tpu.memory_space<hbm>> -> memref<1x128xi32, #tpu.memory_space<hbm>>
        %dma_wait3A_155 = tpu.memref_squeeze %dma_wait3A_154 : memref<1x128xi32, #tpu.memory_space<hbm>> -> memref<128xi32, #tpu.memory_space<hbm>>
        tpu.wait_dma2 semaphore(%arg22 : memref<!tpu.dma_semaphore, #tpu.memory_space<semaphore_mem>>) src(%dma_wait3A_155 : memref<128xi32, #tpu.memory_space<hbm>>) dst(%arg19 : memref<128xi32, #tpu.memory_space<vmem>>)
        %dma_start3A_156 = arith.constant 0 : i32
        %dma_start3A_157 = arith.constant 0 : i32
        %dma_start3A_158 = tpu.memref_slice %arg2[%dma_start3A_156, %dma_start3A_157] : memref<10000x128xf32, #tpu.memory_space<hbm>> -> memref<10000x128xf32, #tpu.memory_space<hbm>>
        tpu.enqueue_indirect_dma source(%dma_start3A_158 : memref<10000x128xf32, #tpu.memory_space<hbm>>) target(%arg20 : memref<128x128xf32, #tpu.memory_space<vmem>>) offsets(%arg18 : memref<128xi32, #tpu.memory_space<vmem>>) semaphore(%arg21 : memref<!tpu.dma_semaphore, #tpu.memory_space<semaphore_mem>>)
      } else {
      }
      %dma_wait3A_92 = arith.constant 0 : i32
      %dma_wait3A_93 = arith.constant 0 : i32
      %dma_wait3A_94 = tpu.memref_slice %arg2[%dma_wait3A_92, %dma_wait3A_93] : memref<10000x128xf32, #tpu.memory_space<hbm>> -> memref<10000x128xf32, #tpu.memory_space<hbm>>
      tpu.wait_indirect_dma semaphore(%arg11 : memref<!tpu.dma_semaphore, #tpu.memory_space<semaphore_mem>>) src(%dma_wait3A_94 : memref<10000x128xf32, #tpu.memory_space<hbm>>) dst(%arg10 : memref<128x128xf32, #tpu.memory_space<vmem>>)
      "tpu.region"() ({
        %run_scoped3A = tpu.sem_alloc : memref<!tpu.dma_semaphore, #tpu.memory_space<semaphore_mem>>
        %dma_start3A_144 = arith.constant 0 : i32
        %dma_start3A_145 = arith.constant 0 : i32
        %dma_start3A_146 = tpu.memref_slice %arg7[%dma_start3A_144, %dma_start3A_145] : memref<10016x128xf32, #tpu.memory_space<vmem_shared>> -> memref<10016x128xf32, #tpu.memory_space<vmem_shared>>
        tpu.enqueue_indirect_dma source(%arg10 : memref<128x128xf32, #tpu.memory_space<vmem>>) target(%dma_start3A_146 : memref<10016x128xf32, #tpu.memory_space<vmem_shared>>) offsets(%arg9 : memref<128xi32, #tpu.memory_space<vmem>>) semaphore(%run_scoped3A : memref<!tpu.dma_semaphore, #tpu.memory_space<semaphore_mem>>) {add = true}
        %dma_wait3A_147 = arith.constant 0 : i32
        %dma_wait3A_148 = arith.constant 0 : i32
        %dma_wait3A_149 = tpu.memref_slice %arg7[%dma_wait3A_147, %dma_wait3A_148] : memref<10016x128xf32, #tpu.memory_space<vmem_shared>> -> memref<10016x128xf32, #tpu.memory_space<vmem_shared>>
        tpu.wait_indirect_dma semaphore(%run_scoped3A : memref<!tpu.dma_semaphore, #tpu.memory_space<semaphore_mem>>) src(%arg10 : memref<128x128xf32, #tpu.memory_space<vmem>>) dst(%dma_wait3A_149 : memref<10016x128xf32, #tpu.memory_space<vmem_shared>>)
        tpu.yield
      }) : () -> ()
      %add3A_95 = arith.constant 3 : i32
      %add3A_96 = arith.addi %add3A_85, %add3A_95 : i32
      %lt3A_97 = arith.constant 79 : i32
      %lt3A_98 = arith.cmpi slt, %add3A_96, %lt3A_97 : i32
      %convert_element_type3A_99 = arith.extui %lt3A_98 : i1 to i32
      %cond3A_100 = arith.constant 0 : i32
      %cond3A_101 = arith.cmpi ne, %convert_element_type3A_99, %cond3A_100 : i32
      scf.if %cond3A_101 {
        %add3A_144 = arith.constant 3 : i32
        %add3A_145 = arith.addi %add3A_85, %add3A_144 : i32
        %mul3A_146 = arith.constant 128 : i32
        %mul3A_147 = arith.muli %add3A_145, %mul3A_146 : i32
        %multiple_of3A_148 = tpu.assume_multiple %mul3A_147, 128 : i32
        %dma_start3A_149 = tpu.memref_slice %arg3[%add3A, %multiple_of3A_148] : memref<32x10112xi32, #tpu.memory_space<hbm>> -> memref<1x128xi32, #tpu.memory_space<hbm>>
        %dma_start3A_150 = tpu.memref_squeeze %dma_start3A_149 : memref<1x128xi32, #tpu.memory_space<hbm>> -> memref<128xi32, #tpu.memory_space<hbm>>
        %dma_start3A_151 = tpu.memref_slice %arg3[%add3A, %multiple_of3A_148] : memref<32x10112xi32, #tpu.memory_space<hbm>> -> memref<1x128xi32, #tpu.memory_space<hbm>>
        %dma_start3A_152 = tpu.memref_squeeze %dma_start3A_151 : memref<1x128xi32, #tpu.memory_space<hbm>> -> memref<128xi32, #tpu.memory_space<hbm>>
        tpu.enqueue_dma source(%dma_start3A_152 : memref<128xi32, #tpu.memory_space<hbm>>) target(%arg8 : memref<128xi32, #tpu.memory_space<vmem>>) target_semaphore(%arg12 : memref<!tpu.dma_semaphore, #tpu.memory_space<semaphore_mem>>)
        %dma_start3A_153 = tpu.memref_slice %arg4[%add3A, %multiple_of3A_148] : memref<32x10112xi32, #tpu.memory_space<hbm>> -> memref<1x128xi32, #tpu.memory_space<hbm>>
        %dma_start3A_154 = tpu.memref_squeeze %dma_start3A_153 : memref<1x128xi32, #tpu.memory_space<hbm>> -> memref<128xi32, #tpu.memory_space<hbm>>
        %dma_start3A_155 = tpu.memref_slice %arg4[%add3A, %multiple_of3A_148] : memref<32x10112xi32, #tpu.memory_space<hbm>> -> memref<1x128xi32, #tpu.memory_space<hbm>>
        %dma_start3A_156 = tpu.memref_squeeze %dma_start3A_155 : memref<1x128xi32, #tpu.memory_space<hbm>> -> memref<128xi32, #tpu.memory_space<hbm>>
        tpu.enqueue_dma source(%dma_start3A_156 : memref<128xi32, #tpu.memory_space<hbm>>) target(%arg9 : memref<128xi32, #tpu.memory_space<vmem>>) target_semaphore(%arg12 : memref<!tpu.dma_semaphore, #tpu.memory_space<semaphore_mem>>)
      } else {
      }
      %mul3A_102 = arith.constant 3 : i32
      %mul3A_103 = arith.muli %scan3A_81, %mul3A_102 : i32
      %add3A_104 = arith.constant 1 : i32
      %add3A_105 = arith.addi %mul3A_103, %add3A_104 : i32
      %add3A_106 = arith.constant 2 : i32
      %add3A_107 = arith.addi %add3A_105, %add3A_106 : i32
      %lt3A_108 = arith.constant 79 : i32
      %lt3A_109 = arith.cmpi slt, %add3A_107, %lt3A_108 : i32
      %convert_element_type3A_110 = arith.extui %lt3A_109 : i1 to i32
      %cond3A_111 = arith.constant 0 : i32
      %cond3A_112 = arith.cmpi ne, %convert_element_type3A_110, %cond3A_111 : i32
      scf.if %cond3A_112 {
        %dma_wait3A_144 = arith.constant 0 : i32
        %dma_wait3A_145 = tpu.memref_slice %arg3[%add3A, %dma_wait3A_144] : memref<32x10112xi32, #tpu.memory_space<hbm>> -> memref<1x128xi32, #tpu.memory_space<hbm>>
        %dma_wait3A_146 = tpu.memref_squeeze %dma_wait3A_145 : memref<1x128xi32, #tpu.memory_space<hbm>> -> memref<128xi32, #tpu.memory_space<hbm>>
        %dma_wait3A_147 = arith.constant 0 : i32
        %dma_wait3A_148 = tpu.memref_slice %arg3[%add3A, %dma_wait3A_147] : memref<32x10112xi32, #tpu.memory_space<hbm>> -> memref<1x128xi32, #tpu.memory_space<hbm>>
        %dma_wait3A_149 = tpu.memref_squeeze %dma_wait3A_148 : memref<1x128xi32, #tpu.memory_space<hbm>> -> memref<128xi32, #tpu.memory_space<hbm>>
        tpu.wait_dma2 semaphore(%arg12 : memref<!tpu.dma_semaphore, #tpu.memory_space<semaphore_mem>>) src(%dma_wait3A_149 : memref<128xi32, #tpu.memory_space<hbm>>) dst(%arg8 : memref<128xi32, #tpu.memory_space<vmem>>)
        %dma_wait3A_150 = arith.constant 0 : i32
        %dma_wait3A_151 = tpu.memref_slice %arg4[%add3A, %dma_wait3A_150] : memref<32x10112xi32, #tpu.memory_space<hbm>> -> memref<1x128xi32, #tpu.memory_space<hbm>>
        %dma_wait3A_152 = tpu.memref_squeeze %dma_wait3A_151 : memref<1x128xi32, #tpu.memory_space<hbm>> -> memref<128xi32, #tpu.memory_space<hbm>>
        %dma_wait3A_153 = arith.constant 0 : i32
        %dma_wait3A_154 = tpu.memref_slice %arg4[%add3A, %dma_wait3A_153] : memref<32x10112xi32, #tpu.memory_space<hbm>> -> memref<1x128xi32, #tpu.memory_space<hbm>>
        %dma_wait3A_155 = tpu.memref_squeeze %dma_wait3A_154 : memref<1x128xi32, #tpu.memory_space<hbm>> -> memref<128xi32, #tpu.memory_space<hbm>>
        tpu.wait_dma2 semaphore(%arg12 : memref<!tpu.dma_semaphore, #tpu.memory_space<semaphore_mem>>) src(%dma_wait3A_155 : memref<128xi32, #tpu.memory_space<hbm>>) dst(%arg9 : memref<128xi32, #tpu.memory_space<vmem>>)
        %dma_start3A_156 = arith.constant 0 : i32
        %dma_start3A_157 = arith.constant 0 : i32
        %dma_start3A_158 = tpu.memref_slice %arg2[%dma_start3A_156, %dma_start3A_157] : memref<10000x128xf32, #tpu.memory_space<hbm>> -> memref<10000x128xf32, #tpu.memory_space<hbm>>
        tpu.enqueue_indirect_dma source(%dma_start3A_158 : memref<10000x128xf32, #tpu.memory_space<hbm>>) target(%arg10 : memref<128x128xf32, #tpu.memory_space<vmem>>) offsets(%arg8 : memref<128xi32, #tpu.memory_space<vmem>>) semaphore(%arg11 : memref<!tpu.dma_semaphore, #tpu.memory_space<semaphore_mem>>)
      } else {
      }
      %dma_wait3A_113 = arith.constant 0 : i32
      %dma_wait3A_114 = arith.constant 0 : i32
      %dma_wait3A_115 = tpu.memref_slice %arg2[%dma_wait3A_113, %dma_wait3A_114] : memref<10000x128xf32, #tpu.memory_space<hbm>> -> memref<10000x128xf32, #tpu.memory_space<hbm>>
      tpu.wait_indirect_dma semaphore(%arg16 : memref<!tpu.dma_semaphore, #tpu.memory_space<semaphore_mem>>) src(%dma_wait3A_115 : memref<10000x128xf32, #tpu.memory_space<hbm>>) dst(%arg15 : memref<128x128xf32, #tpu.memory_space<vmem>>)
      "tpu.region"() ({
        %run_scoped3A = tpu.sem_alloc : memref<!tpu.dma_semaphore, #tpu.memory_space<semaphore_mem>>
        %dma_start3A_144 = arith.constant 0 : i32
        %dma_start3A_145 = arith.constant 0 : i32
        %dma_start3A_146 = tpu.memref_slice %arg7[%dma_start3A_144, %dma_start3A_145] : memref<10016x128xf32, #tpu.memory_space<vmem_shared>> -> memref<10016x128xf32, #tpu.memory_space<vmem_shared>>
        tpu.enqueue_indirect_dma source(%arg15 : memref<128x128xf32, #tpu.memory_space<vmem>>) target(%dma_start3A_146 : memref<10016x128xf32, #tpu.memory_space<vmem_shared>>) offsets(%arg14 : memref<128xi32, #tpu.memory_space<vmem>>) semaphore(%run_scoped3A : memref<!tpu.dma_semaphore, #tpu.memory_space<semaphore_mem>>) {add = true}
        %dma_wait3A_147 = arith.constant 0 : i32
        %dma_wait3A_148 = arith.constant 0 : i32
        %dma_wait3A_149 = tpu.memref_slice %arg7[%dma_wait3A_147, %dma_wait3A_148] : memref<10016x128xf32, #tpu.memory_space<vmem_shared>> -> memref<10016x128xf32, #tpu.memory_space<vmem_shared>>
        tpu.wait_indirect_dma semaphore(%run_scoped3A : memref<!tpu.dma_semaphore, #tpu.memory_space<semaphore_mem>>) src(%arg15 : memref<128x128xf32, #tpu.memory_space<vmem>>) dst(%dma_wait3A_149 : memref<10016x128xf32, #tpu.memory_space<vmem_shared>>)
        tpu.yield
      }) : () -> ()
      %add3A_116 = arith.constant 3 : i32
      %add3A_117 = arith.addi %add3A_105, %add3A_116 : i32
      %lt3A_118 = arith.constant 79 : i32
      %lt3A_119 = arith.cmpi slt, %add3A_117, %lt3A_118 : i32
      %convert_element_type3A_120 = arith.extui %lt3A_119 : i1 to i32
      %cond3A_121 = arith.constant 0 : i32
      %cond3A_122 = arith.cmpi ne, %convert_element_type3A_120, %cond3A_121 : i32
      scf.if %cond3A_122 {
        %add3A_144 = arith.constant 3 : i32
        %add3A_145 = arith.addi %add3A_105, %add3A_144 : i32
        %mul3A_146 = arith.constant 128 : i32
        %mul3A_147 = arith.muli %add3A_145, %mul3A_146 : i32
        %multiple_of3A_148 = tpu.assume_multiple %mul3A_147, 128 : i32
        %dma_start3A_149 = tpu.memref_slice %arg3[%add3A, %multiple_of3A_148] : memref<32x10112xi32, #tpu.memory_space<hbm>> -> memref<1x128xi32, #tpu.memory_space<hbm>>
        %dma_start3A_150 = tpu.memref_squeeze %dma_start3A_149 : memref<1x128xi32, #tpu.memory_space<hbm>> -> memref<128xi32, #tpu.memory_space<hbm>>
        %dma_start3A_151 = tpu.memref_slice %arg3[%add3A, %multiple_of3A_148] : memref<32x10112xi32, #tpu.memory_space<hbm>> -> memref<1x128xi32, #tpu.memory_space<hbm>>
        %dma_start3A_152 = tpu.memref_squeeze %dma_start3A_151 : memref<1x128xi32, #tpu.memory_space<hbm>> -> memref<128xi32, #tpu.memory_space<hbm>>
        tpu.enqueue_dma source(%dma_start3A_152 : memref<128xi32, #tpu.memory_space<hbm>>) target(%arg13 : memref<128xi32, #tpu.memory_space<vmem>>) target_semaphore(%arg17 : memref<!tpu.dma_semaphore, #tpu.memory_space<semaphore_mem>>)
        %dma_start3A_153 = tpu.memref_slice %arg4[%add3A, %multiple_of3A_148] : memref<32x10112xi32, #tpu.memory_space<hbm>> -> memref<1x128xi32, #tpu.memory_space<hbm>>
        %dma_start3A_154 = tpu.memref_squeeze %dma_start3A_153 : memref<1x128xi32, #tpu.memory_space<hbm>> -> memref<128xi32, #tpu.memory_space<hbm>>
        %dma_start3A_155 = tpu.memref_slice %arg4[%add3A, %multiple_of3A_148] : memref<32x10112xi32, #tpu.memory_space<hbm>> -> memref<1x128xi32, #tpu.memory_space<hbm>>
        %dma_start3A_156 = tpu.memref_squeeze %dma_start3A_155 : memref<1x128xi32, #tpu.memory_space<hbm>> -> memref<128xi32, #tpu.memory_space<hbm>>
        tpu.enqueue_dma source(%dma_start3A_156 : memref<128xi32, #tpu.memory_space<hbm>>) target(%arg14 : memref<128xi32, #tpu.memory_space<vmem>>) target_semaphore(%arg17 : memref<!tpu.dma_semaphore, #tpu.memory_space<semaphore_mem>>)
      } else {
      }
      %mul3A_123 = arith.constant 3 : i32
      %mul3A_124 = arith.muli %scan3A_81, %mul3A_123 : i32
      %add3A_125 = arith.constant 2 : i32
      %add3A_126 = arith.addi %mul3A_124, %add3A_125 : i32
      %add3A_127 = arith.constant 2 : i32
      %add3A_128 = arith.addi %add3A_126, %add3A_127 : i32
      %lt3A_129 = arith.constant 79 : i32
      %lt3A_130 = arith.cmpi slt, %add3A_128, %lt3A_129 : i32
      %convert_element_type3A_131 = arith.extui %lt3A_130 : i1 to i32
      %cond3A_132 = arith.constant 0 : i32
      %cond3A_133 = arith.cmpi ne, %convert_element_type3A_131, %cond3A_132 : i32
      scf.if %cond3A_133 {
        %dma_wait3A_144 = arith.constant 0 : i32
        %dma_wait3A_145 = tpu.memref_slice %arg3[%add3A, %dma_wait3A_144] : memref<32x10112xi32, #tpu.memory_space<hbm>> -> memref<1x128xi32, #tpu.memory_space<hbm>>
        %dma_wait3A_146 = tpu.memref_squeeze %dma_wait3A_145 : memref<1x128xi32, #tpu.memory_space<hbm>> -> memref<128xi32, #tpu.memory_space<hbm>>
        %dma_wait3A_147 = arith.constant 0 : i32
        %dma_wait3A_148 = tpu.memref_slice %arg3[%add3A, %dma_wait3A_147] : memref<32x10112xi32, #tpu.memory_space<hbm>> -> memref<1x128xi32, #tpu.memory_space<hbm>>
        %dma_wait3A_149 = tpu.memref_squeeze %dma_wait3A_148 : memref<1x128xi32, #tpu.memory_space<hbm>> -> memref<128xi32, #tpu.memory_space<hbm>>
        tpu.wait_dma2 semaphore(%arg17 : memref<!tpu.dma_semaphore, #tpu.memory_space<semaphore_mem>>) src(%dma_wait3A_149 : memref<128xi32, #tpu.memory_space<hbm>>) dst(%arg13 : memref<128xi32, #tpu.memory_space<vmem>>)
        %dma_wait3A_150 = arith.constant 0 : i32
        %dma_wait3A_151 = tpu.memref_slice %arg4[%add3A, %dma_wait3A_150] : memref<32x10112xi32, #tpu.memory_space<hbm>> -> memref<1x128xi32, #tpu.memory_space<hbm>>
        %dma_wait3A_152 = tpu.memref_squeeze %dma_wait3A_151 : memref<1x128xi32, #tpu.memory_space<hbm>> -> memref<128xi32, #tpu.memory_space<hbm>>
        %dma_wait3A_153 = arith.constant 0 : i32
        %dma_wait3A_154 = tpu.memref_slice %arg4[%add3A, %dma_wait3A_153] : memref<32x10112xi32, #tpu.memory_space<hbm>> -> memref<1x128xi32, #tpu.memory_space<hbm>>
        %dma_wait3A_155 = tpu.memref_squeeze %dma_wait3A_154 : memref<1x128xi32, #tpu.memory_space<hbm>> -> memref<128xi32, #tpu.memory_space<hbm>>
        tpu.wait_dma2 semaphore(%arg17 : memref<!tpu.dma_semaphore, #tpu.memory_space<semaphore_mem>>) src(%dma_wait3A_155 : memref<128xi32, #tpu.memory_space<hbm>>) dst(%arg14 : memref<128xi32, #tpu.memory_space<vmem>>)
        %dma_start3A_156 = arith.constant 0 : i32
        %dma_start3A_157 = arith.constant 0 : i32
        %dma_start3A_158 = tpu.memref_slice %arg2[%dma_start3A_156, %dma_start3A_157] : memref<10000x128xf32, #tpu.memory_space<hbm>> -> memref<10000x128xf32, #tpu.memory_space<hbm>>
        tpu.enqueue_indirect_dma source(%dma_start3A_158 : memref<10000x128xf32, #tpu.memory_space<hbm>>) target(%arg15 : memref<128x128xf32, #tpu.memory_space<vmem>>) offsets(%arg13 : memref<128xi32, #tpu.memory_space<vmem>>) semaphore(%arg16 : memref<!tpu.dma_semaphore, #tpu.memory_space<semaphore_mem>>)
      } else {
      }
      %dma_wait3A_134 = arith.constant 0 : i32
      %dma_wait3A_135 = arith.constant 0 : i32
      %dma_wait3A_136 = tpu.memref_slice %arg2[%dma_wait3A_134, %dma_wait3A_135] : memref<10000x128xf32, #tpu.memory_space<hbm>> -> memref<10000x128xf32, #tpu.memory_space<hbm>>
      tpu.wait_indirect_dma semaphore(%arg21 : memref<!tpu.dma_semaphore, #tpu.memory_space<semaphore_mem>>) src(%dma_wait3A_136 : memref<10000x128xf32, #tpu.memory_space<hbm>>) dst(%arg20 : memref<128x128xf32, #tpu.memory_space<vmem>>)
      "tpu.region"() ({
        %run_scoped3A = tpu.sem_alloc : memref<!tpu.dma_semaphore, #tpu.memory_space<semaphore_mem>>
        %dma_start3A_144 = arith.constant 0 : i32
        %dma_start3A_145 = arith.constant 0 : i32
        %dma_start3A_146 = tpu.memref_slice %arg7[%dma_start3A_144, %dma_start3A_145] : memref<10016x128xf32, #tpu.memory_space<vmem_shared>> -> memref<10016x128xf32, #tpu.memory_space<vmem_shared>>
        tpu.enqueue_indirect_dma source(%arg20 : memref<128x128xf32, #tpu.memory_space<vmem>>) target(%dma_start3A_146 : memref<10016x128xf32, #tpu.memory_space<vmem_shared>>) offsets(%arg19 : memref<128xi32, #tpu.memory_space<vmem>>) semaphore(%run_scoped3A : memref<!tpu.dma_semaphore, #tpu.memory_space<semaphore_mem>>) {add = true}
        %dma_wait3A_147 = arith.constant 0 : i32
        %dma_wait3A_148 = arith.constant 0 : i32
        %dma_wait3A_149 = tpu.memref_slice %arg7[%dma_wait3A_147, %dma_wait3A_148] : memref<10016x128xf32, #tpu.memory_space<vmem_shared>> -> memref<10016x128xf32, #tpu.memory_space<vmem_shared>>
        tpu.wait_indirect_dma semaphore(%run_scoped3A : memref<!tpu.dma_semaphore, #tpu.memory_space<semaphore_mem>>) src(%arg20 : memref<128x128xf32, #tpu.memory_space<vmem>>) dst(%dma_wait3A_149 : memref<10016x128xf32, #tpu.memory_space<vmem_shared>>)
        tpu.yield
      }) : () -> ()
      %add3A_137 = arith.constant 3 : i32
      %add3A_138 = arith.addi %add3A_126, %add3A_137 : i32
      %lt3A_139 = arith.constant 79 : i32
      %lt3A_140 = arith.cmpi slt, %add3A_138, %lt3A_139 : i32
      %convert_element_type3A_141 = arith.extui %lt3A_140 : i1 to i32
      %cond3A_142 = arith.constant 0 : i32
      %cond3A_143 = arith.cmpi ne, %convert_element_type3A_141, %cond3A_142 : i32
      scf.if %cond3A_143 {
        %add3A_144 = arith.constant 3 : i32
        %add3A_145 = arith.addi %add3A_126, %add3A_144 : i32
        %mul3A_146 = arith.constant 128 : i32
        %mul3A_147 = arith.muli %add3A_145, %mul3A_146 : i32
        %multiple_of3A_148 = tpu.assume_multiple %mul3A_147, 128 : i32
        %dma_start3A_149 = tpu.memref_slice %arg3[%add3A, %multiple_of3A_148] : memref<32x10112xi32, #tpu.memory_space<hbm>> -> memref<1x128xi32, #tpu.memory_space<hbm>>
        %dma_start3A_150 = tpu.memref_squeeze %dma_start3A_149 : memref<1x128xi32, #tpu.memory_space<hbm>> -> memref<128xi32, #tpu.memory_space<hbm>>
        %dma_start3A_151 = tpu.memref_slice %arg3[%add3A, %multiple_of3A_148] : memref<32x10112xi32, #tpu.memory_space<hbm>> -> memref<1x128xi32, #tpu.memory_space<hbm>>
        %dma_start3A_152 = tpu.memref_squeeze %dma_start3A_151 : memref<1x128xi32, #tpu.memory_space<hbm>> -> memref<128xi32, #tpu.memory_space<hbm>>
        tpu.enqueue_dma source(%dma_start3A_152 : memref<128xi32, #tpu.memory_space<hbm>>) target(%arg18 : memref<128xi32, #tpu.memory_space<vmem>>) target_semaphore(%arg22 : memref<!tpu.dma_semaphore, #tpu.memory_space<semaphore_mem>>)
        %dma_start3A_153 = tpu.memref_slice %arg4[%add3A, %multiple_of3A_148] : memref<32x10112xi32, #tpu.memory_space<hbm>> -> memref<1x128xi32, #tpu.memory_space<hbm>>
        %dma_start3A_154 = tpu.memref_squeeze %dma_start3A_153 : memref<1x128xi32, #tpu.memory_space<hbm>> -> memref<128xi32, #tpu.memory_space<hbm>>
        %dma_start3A_155 = tpu.memref_slice %arg4[%add3A, %multiple_of3A_148] : memref<32x10112xi32, #tpu.memory_space<hbm>> -> memref<1x128xi32, #tpu.memory_space<hbm>>
        %dma_start3A_156 = tpu.memref_squeeze %dma_start3A_155 : memref<1x128xi32, #tpu.memory_space<hbm>> -> memref<128xi32, #tpu.memory_space<hbm>>
        tpu.enqueue_dma source(%dma_start3A_156 : memref<128xi32, #tpu.memory_space<hbm>>) target(%arg19 : memref<128xi32, #tpu.memory_space<vmem>>) target_semaphore(%arg22 : memref<!tpu.dma_semaphore, #tpu.memory_space<semaphore_mem>>)
      } else {
      }
    }
    %scan3A_71 = arith.constant 26 : i32
    %dma_wait3A_72 = arith.constant 0 : i32
    %dma_wait3A_73 = arith.constant 0 : i32
    %dma_wait3A_74 = tpu.memref_slice %arg2[%dma_wait3A_72, %dma_wait3A_73] : memref<10000x128xf32, #tpu.memory_space<hbm>> -> memref<10000x128xf32, #tpu.memory_space<hbm>>
    tpu.wait_indirect_dma semaphore(%arg11 : memref<!tpu.dma_semaphore, #tpu.memory_space<semaphore_mem>>) src(%dma_wait3A_74 : memref<10000x128xf32, #tpu.memory_space<hbm>>) dst(%arg10 : memref<128x128xf32, #tpu.memory_space<vmem>>)
    "tpu.region"() ({
      %run_scoped3A = tpu.sem_alloc : memref<!tpu.dma_semaphore, #tpu.memory_space<semaphore_mem>>
      %dma_start3A_81 = arith.constant 0 : i32
      %dma_start3A_82 = arith.constant 0 : i32
      %dma_start3A_83 = tpu.memref_slice %arg7[%dma_start3A_81, %dma_start3A_82] : memref<10016x128xf32, #tpu.memory_space<vmem_shared>> -> memref<10016x128xf32, #tpu.memory_space<vmem_shared>>
      tpu.enqueue_indirect_dma source(%arg10 : memref<128x128xf32, #tpu.memory_space<vmem>>) target(%dma_start3A_83 : memref<10016x128xf32, #tpu.memory_space<vmem_shared>>) offsets(%arg9 : memref<128xi32, #tpu.memory_space<vmem>>) semaphore(%run_scoped3A : memref<!tpu.dma_semaphore, #tpu.memory_space<semaphore_mem>>) {add = true}
      %dma_wait3A_84 = arith.constant 0 : i32
      %dma_wait3A_85 = arith.constant 0 : i32
      %dma_wait3A_86 = tpu.memref_slice %arg7[%dma_wait3A_84, %dma_wait3A_85] : memref<10016x128xf32, #tpu.memory_space<vmem_shared>> -> memref<10016x128xf32, #tpu.memory_space<vmem_shared>>
      tpu.wait_indirect_dma semaphore(%run_scoped3A : memref<!tpu.dma_semaphore, #tpu.memory_space<semaphore_mem>>) src(%arg10 : memref<128x128xf32, #tpu.memory_space<vmem>>) dst(%dma_wait3A_86 : memref<10016x128xf32, #tpu.memory_space<vmem_shared>>)
      tpu.yield
    }) : () -> ()
    %barrier3A_75 = arith.constant 0 : index
    tpu.barrier barrier_id(%barrier3A_75)
    "tpu.region"() ({
      %run_scoped3A = tpu.sem_alloc : memref<!tpu.dma_semaphore, #tpu.memory_space<semaphore_mem>>
      %dma_start3A_81 = arith.constant 0 : i32
      %dma_start3A_82 = tpu.memref_slice %arg6[%arg0, %multiple_of3A, %dma_start3A_81] : memref<2x10000x128xf32, #tpu.memory_space<hbm>> -> memref<1x624x128xf32, #tpu.memory_space<hbm>>
      %dma_start3A_83 = tpu.memref_squeeze %dma_start3A_82 : memref<1x624x128xf32, #tpu.memory_space<hbm>> -> memref<624x128xf32, #tpu.memory_space<hbm>>
      %dma_start3A_84 = arith.constant 0 : i32
      %dma_start3A_85 = tpu.memref_slice %arg7[%multiple_of3A, %dma_start3A_84] : memref<10016x128xf32, #tpu.memory_space<vmem_shared>> -> memref<624x128xf32, #tpu.memory_space<vmem_shared>>
      tpu.enqueue_dma source(%dma_start3A_85 : memref<624x128xf32, #tpu.memory_space<vmem_shared>>) target(%dma_start3A_83 : memref<624x128xf32, #tpu.memory_space<hbm>>) target_semaphore(%run_scoped3A : memref<!tpu.dma_semaphore, #tpu.memory_space<semaphore_mem>>)
      %dma_wait3A_86 = arith.constant 0 : i32
      %dma_wait3A_87 = tpu.memref_slice %arg6[%arg0, %multiple_of3A, %dma_wait3A_86] : memref<2x10000x128xf32, #tpu.memory_space<hbm>> -> memref<1x624x128xf32, #tpu.memory_space<hbm>>
      %dma_wait3A_88 = tpu.memref_squeeze %dma_wait3A_87 : memref<1x624x128xf32, #tpu.memory_space<hbm>> -> memref<624x128xf32, #tpu.memory_space<hbm>>
      %dma_wait3A_89 = arith.constant 0 : i32
      %dma_wait3A_90 = tpu.memref_slice %arg7[%multiple_of3A, %dma_wait3A_89] : memref<10016x128xf32, #tpu.memory_space<vmem_shared>> -> memref<624x128xf32, #tpu.memory_space<vmem_shared>>
      tpu.wait_dma2 semaphore(%run_scoped3A : memref<!tpu.dma_semaphore, #tpu.memory_space<semaphore_mem>>) src(%dma_wait3A_90 : memref<624x128xf32, #tpu.memory_space<vmem_shared>>) dst(%dma_wait3A_88 : memref<624x128xf32, #tpu.memory_space<hbm>>)
      tpu.yield
    }) : () -> ()
    %eq3A_76 = arith.constant 0 : i32
    %eq3A_77 = arith.cmpi eq, %arg1, %eq3A_76 : i32
    %convert_element_type3A_78 = arith.extui %eq3A_77 : i1 to i32
    %cond3A_79 = arith.constant 0 : i32
    %cond3A_80 = arith.cmpi ne, %convert_element_type3A_78, %cond3A_79 : i32
    scf.if %cond3A_80 {
      "tpu.region"() ({
        %run_scoped3A = tpu.sem_alloc : memref<!tpu.dma_semaphore, #tpu.memory_space<semaphore_mem>>
        %dma_start3A_81 = arith.constant 9984 : i32
        %dma_start3A_82 = arith.constant 0 : i32
        %dma_start3A_83 = tpu.memref_slice %arg6[%arg0, %dma_start3A_81, %dma_start3A_82] : memref<2x10000x128xf32, #tpu.memory_space<hbm>> -> memref<1x16x128xf32, #tpu.memory_space<hbm>>
        %dma_start3A_84 = tpu.memref_squeeze %dma_start3A_83 : memref<1x16x128xf32, #tpu.memory_space<hbm>> -> memref<16x128xf32, #tpu.memory_space<hbm>>
        %dma_start3A_85 = arith.constant 9984 : i32
        %dma_start3A_86 = arith.constant 0 : i32
        %dma_start3A_87 = tpu.memref_slice %arg7[%dma_start3A_85, %dma_start3A_86] : memref<10016x128xf32, #tpu.memory_space<vmem_shared>> -> memref<16x128xf32, #tpu.memory_space<vmem_shared>>
        tpu.enqueue_dma source(%dma_start3A_87 : memref<16x128xf32, #tpu.memory_space<vmem_shared>>) target(%dma_start3A_84 : memref<16x128xf32, #tpu.memory_space<hbm>>) target_semaphore(%run_scoped3A : memref<!tpu.dma_semaphore, #tpu.memory_space<semaphore_mem>>)
        %dma_wait3A_88 = arith.constant 9984 : i32
        %dma_wait3A_89 = arith.constant 0 : i32
        %dma_wait3A_90 = tpu.memref_slice %arg6[%arg0, %dma_wait3A_88, %dma_wait3A_89] : memref<2x10000x128xf32, #tpu.memory_space<hbm>> -> memref<1x16x128xf32, #tpu.memory_space<hbm>>
        %dma_wait3A_91 = tpu.memref_squeeze %dma_wait3A_90 : memref<1x16x128xf32, #tpu.memory_space<hbm>> -> memref<16x128xf32, #tpu.memory_space<hbm>>
        %dma_wait3A_92 = arith.constant 9984 : i32
        %dma_wait3A_93 = arith.constant 0 : i32
        %dma_wait3A_94 = tpu.memref_slice %arg7[%dma_wait3A_92, %dma_wait3A_93] : memref<10016x128xf32, #tpu.memory_space<vmem_shared>> -> memref<16x128xf32, #tpu.memory_space<vmem_shared>>
        tpu.wait_dma2 semaphore(%run_scoped3A : memref<!tpu.dma_semaphore, #tpu.memory_space<semaphore_mem>>) src(%dma_wait3A_94 : memref<16x128xf32, #tpu.memory_space<vmem_shared>>) dst(%dma_wait3A_91 : memref<16x128xf32, #tpu.memory_space<hbm>>)
        tpu.yield
      }) : () -> ()
    } else {
    }
    return
  }
}

#map = affine_map<(d0, d1) -> (0, 0)>
#map1 = affine_map<(d0, d1) -> (0, 0, 0)>
module attributes {stable_mosaic.version = 14 : i64} {
  func.func @_agg_body(%arg0: i32, %arg1: i32, %arg2: memref<10000x128xf32, #tpu.memory_space<hbm>>, %arg3: memref<32x10112xi32, #tpu.memory_space<hbm>>, %arg4: memref<32x10112xi32, #tpu.memory_space<hbm>>, %arg5: memref<10000x128xf32, #tpu.memory_space<hbm>>, %arg6: memref<2x10000x128xf32, #tpu.memory_space<hbm>>, %arg7: memref<10016x128xf32, #tpu.memory_space<vmem_shared>>, %arg8: memref<128xi32, #tpu.memory_space<vmem>>, %arg9: memref<128xi32, #tpu.memory_space<vmem>>, %arg10: memref<128x128xf32, #tpu.memory_space<vmem>>, %arg11: memref<!tpu.dma_semaphore, #tpu.memory_space<semaphore_mem>>, %arg12: memref<!tpu.dma_semaphore, #tpu.memory_space<semaphore_mem>>, %arg13: memref<128xi32, #tpu.memory_space<vmem>>, %arg14: memref<128xi32, #tpu.memory_space<vmem>>, %arg15: memref<128x128xf32, #tpu.memory_space<vmem>>, %arg16: memref<!tpu.dma_semaphore, #tpu.memory_space<semaphore_mem>>, %arg17: memref<!tpu.dma_semaphore, #tpu.memory_space<semaphore_mem>>, %arg18: memref<128xi32, #tpu.memory_space<vmem>>, %arg19: memref<128xi32, #tpu.memory_space<vmem>>, %arg20: memref<128x128xf32, #tpu.memory_space<vmem>>, %arg21: memref<!tpu.dma_semaphore, #tpu.memory_space<semaphore_mem>>, %arg22: memref<!tpu.dma_semaphore, #tpu.memory_space<semaphore_mem>>) attributes {dimension_semantics = [#tpu.dimension_semantics<core_parallel>, #tpu.dimension_semantics<subcore_parallel>], iteration_bounds = array<i64: 2, 16>, scalar_prefetch = 0 : i64, scratch_operands = 16 : i64, tpu.core_type = #tpu.core_type<sc_vector_subcore>, window_params = [{transform_indices = #map}, {transform_indices = #map}, {transform_indices = #map}, {transform_indices = #map}, {transform_indices = #map1}]} {
    %mul3A = arith.constant 2 : i32
    %mul3A_0 = arith.muli %arg1, %mul3A : i32
    %add3A = arith.addi %mul3A_0, %arg0 : i32
    %mul3A_1 = arith.constant 624 : i32
    %mul3A_2 = arith.muli %arg1, %mul3A_1 : i32
    %multiple_of3A = tpu.assume_multiple %mul3A_2, 8 : i32
    %eq3A = arith.constant 0 : i32
    %eq3A_3 = arith.cmpi eq, %arg0, %eq3A : i32
    %convert_element_type3A = arith.extui %eq3A_3 : i1 to i32
    %cond3A = arith.constant 0 : i32
    %cond3A_4 = arith.cmpi ne, %convert_element_type3A, %cond3A : i32
    scf.if %cond3A_4 {
      "tpu.region"() ({
        %run_scoped3A = tpu.sem_alloc : memref<!tpu.dma_semaphore, #tpu.memory_space<semaphore_mem>>
        %dma_start3A_86 = arith.constant 0 : i32
        %dma_start3A_87 = tpu.memref_slice %arg7[%multiple_of3A, %dma_start3A_86] : memref<10016x128xf32, #tpu.memory_space<vmem_shared>> -> memref<624x128xf32, #tpu.memory_space<vmem_shared>>
        %dma_start3A_88 = arith.constant 0 : i32
        %dma_start3A_89 = tpu.memref_slice %arg2[%multiple_of3A, %dma_start3A_88] : memref<10000x128xf32, #tpu.memory_space<hbm>> -> memref<624x128xf32, #tpu.memory_space<hbm>>
        tpu.enqueue_dma source(%dma_start3A_89 : memref<624x128xf32, #tpu.memory_space<hbm>>) target(%dma_start3A_87 : memref<624x128xf32, #tpu.memory_space<vmem_shared>>) target_semaphore(%run_scoped3A : memref<!tpu.dma_semaphore, #tpu.memory_space<semaphore_mem>>)
        %dma_wait3A_90 = arith.constant 0 : i32
        %dma_wait3A_91 = tpu.memref_slice %arg7[%multiple_of3A, %dma_wait3A_90] : memref<10016x128xf32, #tpu.memory_space<vmem_shared>> -> memref<624x128xf32, #tpu.memory_space<vmem_shared>>
        %dma_wait3A_92 = arith.constant 0 : i32
        %dma_wait3A_93 = tpu.memref_slice %arg2[%multiple_of3A, %dma_wait3A_92] : memref<10000x128xf32, #tpu.memory_space<hbm>> -> memref<624x128xf32, #tpu.memory_space<hbm>>
        tpu.wait_dma2 semaphore(%run_scoped3A : memref<!tpu.dma_semaphore, #tpu.memory_space<semaphore_mem>>) src(%dma_wait3A_93 : memref<624x128xf32, #tpu.memory_space<hbm>>) dst(%dma_wait3A_91 : memref<624x128xf32, #tpu.memory_space<vmem_shared>>)
        tpu.yield
      }) : () -> ()
      %eq3A_81 = arith.constant 0 : i32
      %eq3A_82 = arith.cmpi eq, %arg1, %eq3A_81 : i32
      %convert_element_type3A_83 = arith.extui %eq3A_82 : i1 to i32
      %cond3A_84 = arith.constant 0 : i32
      %cond3A_85 = arith.cmpi ne, %convert_element_type3A_83, %cond3A_84 : i32
      scf.if %cond3A_85 {
        "tpu.region"() ({
          %run_scoped3A = tpu.sem_alloc : memref<!tpu.dma_semaphore, #tpu.memory_space<semaphore_mem>>
          %dma_start3A_86 = arith.constant 9984 : i32
          %dma_start3A_87 = arith.constant 0 : i32
          %dma_start3A_88 = tpu.memref_slice %arg7[%dma_start3A_86, %dma_start3A_87] : memref<10016x128xf32, #tpu.memory_space<vmem_shared>> -> memref<16x128xf32, #tpu.memory_space<vmem_shared>>
          %dma_start3A_89 = arith.constant 9984 : i32
          %dma_start3A_90 = arith.constant 0 : i32
          %dma_start3A_91 = tpu.memref_slice %arg2[%dma_start3A_89, %dma_start3A_90] : memref<10000x128xf32, #tpu.memory_space<hbm>> -> memref<16x128xf32, #tpu.memory_space<hbm>>
          tpu.enqueue_dma source(%dma_start3A_91 : memref<16x128xf32, #tpu.memory_space<hbm>>) target(%dma_start3A_88 : memref<16x128xf32, #tpu.memory_space<vmem_shared>>) target_semaphore(%run_scoped3A : memref<!tpu.dma_semaphore, #tpu.memory_space<semaphore_mem>>)
          %dma_wait3A_92 = arith.constant 9984 : i32
          %dma_wait3A_93 = arith.constant 0 : i32
          %dma_wait3A_94 = tpu.memref_slice %arg7[%dma_wait3A_92, %dma_wait3A_93] : memref<10016x128xf32, #tpu.memory_space<vmem_shared>> -> memref<16x128xf32, #tpu.memory_space<vmem_shared>>
          %dma_wait3A_95 = arith.constant 9984 : i32
          %dma_wait3A_96 = arith.constant 0 : i32
          %dma_wait3A_97 = tpu.memref_slice %arg2[%dma_wait3A_95, %dma_wait3A_96] : memref<10000x128xf32, #tpu.memory_space<hbm>> -> memref<16x128xf32, #tpu.memory_space<hbm>>
          tpu.wait_dma2 semaphore(%run_scoped3A : memref<!tpu.dma_semaphore, #tpu.memory_space<semaphore_mem>>) src(%dma_wait3A_97 : memref<16x128xf32, #tpu.memory_space<hbm>>) dst(%dma_wait3A_94 : memref<16x128xf32, #tpu.memory_space<vmem_shared>>)
          tpu.yield
        }) : () -> ()
      } else {
      }
    } else {
    }
    %ne3A = arith.constant 0 : i32
    %ne3A_5 = arith.cmpi ne, %arg0, %ne3A : i32
    %convert_element_type3A_6 = arith.extui %ne3A_5 : i1 to i32
    %cond3A_7 = arith.constant 0 : i32
    %cond3A_8 = arith.cmpi ne, %convert_element_type3A_6, %cond3A_7 : i32
    scf.if %cond3A_8 {
      "tpu.region"() ({
        %run_scoped3A = tpu.sem_alloc : memref<!tpu.dma_semaphore, #tpu.memory_space<semaphore_mem>>
        %dma_start3A_86 = arith.constant 0 : i32
        %dma_start3A_87 = tpu.memref_slice %arg7[%multiple_of3A, %dma_start3A_86] : memref<10016x128xf32, #tpu.memory_space<vmem_shared>> -> memref<624x128xf32, #tpu.memory_space<vmem_shared>>
        %dma_start3A_88 = arith.constant 0 : i32
        %dma_start3A_89 = tpu.memref_slice %arg5[%multiple_of3A, %dma_start3A_88] : memref<10000x128xf32, #tpu.memory_space<hbm>> -> memref<624x128xf32, #tpu.memory_space<hbm>>
        tpu.enqueue_dma source(%dma_start3A_89 : memref<624x128xf32, #tpu.memory_space<hbm>>) target(%dma_start3A_87 : memref<624x128xf32, #tpu.memory_space<vmem_shared>>) target_semaphore(%run_scoped3A : memref<!tpu.dma_semaphore, #tpu.memory_space<semaphore_mem>>)
        %dma_wait3A_90 = arith.constant 0 : i32
        %dma_wait3A_91 = tpu.memref_slice %arg7[%multiple_of3A, %dma_wait3A_90] : memref<10016x128xf32, #tpu.memory_space<vmem_shared>> -> memref<624x128xf32, #tpu.memory_space<vmem_shared>>
        %dma_wait3A_92 = arith.constant 0 : i32
        %dma_wait3A_93 = tpu.memref_slice %arg5[%multiple_of3A, %dma_wait3A_92] : memref<10000x128xf32, #tpu.memory_space<hbm>> -> memref<624x128xf32, #tpu.memory_space<hbm>>
        tpu.wait_dma2 semaphore(%run_scoped3A : memref<!tpu.dma_semaphore, #tpu.memory_space<semaphore_mem>>) src(%dma_wait3A_93 : memref<624x128xf32, #tpu.memory_space<hbm>>) dst(%dma_wait3A_91 : memref<624x128xf32, #tpu.memory_space<vmem_shared>>)
        tpu.yield
      }) : () -> ()
      %eq3A_81 = arith.constant 0 : i32
      %eq3A_82 = arith.cmpi eq, %arg1, %eq3A_81 : i32
      %convert_element_type3A_83 = arith.extui %eq3A_82 : i1 to i32
      %cond3A_84 = arith.constant 0 : i32
      %cond3A_85 = arith.cmpi ne, %convert_element_type3A_83, %cond3A_84 : i32
      scf.if %cond3A_85 {
        "tpu.region"() ({
          %run_scoped3A = tpu.sem_alloc : memref<!tpu.dma_semaphore, #tpu.memory_space<semaphore_mem>>
          %dma_start3A_86 = arith.constant 9984 : i32
          %dma_start3A_87 = arith.constant 0 : i32
          %dma_start3A_88 = tpu.memref_slice %arg7[%dma_start3A_86, %dma_start3A_87] : memref<10016x128xf32, #tpu.memory_space<vmem_shared>> -> memref<16x128xf32, #tpu.memory_space<vmem_shared>>
          %dma_start3A_89 = arith.constant 9984 : i32
          %dma_start3A_90 = arith.constant 0 : i32
          %dma_start3A_91 = tpu.memref_slice %arg5[%dma_start3A_89, %dma_start3A_90] : memref<10000x128xf32, #tpu.memory_space<hbm>> -> memref<16x128xf32, #tpu.memory_space<hbm>>
          tpu.enqueue_dma source(%dma_start3A_91 : memref<16x128xf32, #tpu.memory_space<hbm>>) target(%dma_start3A_88 : memref<16x128xf32, #tpu.memory_space<vmem_shared>>) target_semaphore(%run_scoped3A : memref<!tpu.dma_semaphore, #tpu.memory_space<semaphore_mem>>)
          %dma_wait3A_92 = arith.constant 9984 : i32
          %dma_wait3A_93 = arith.constant 0 : i32
          %dma_wait3A_94 = tpu.memref_slice %arg7[%dma_wait3A_92, %dma_wait3A_93] : memref<10016x128xf32, #tpu.memory_space<vmem_shared>> -> memref<16x128xf32, #tpu.memory_space<vmem_shared>>
          %dma_wait3A_95 = arith.constant 9984 : i32
          %dma_wait3A_96 = arith.constant 0 : i32
          %dma_wait3A_97 = tpu.memref_slice %arg5[%dma_wait3A_95, %dma_wait3A_96] : memref<10000x128xf32, #tpu.memory_space<hbm>> -> memref<16x128xf32, #tpu.memory_space<hbm>>
          tpu.wait_dma2 semaphore(%run_scoped3A : memref<!tpu.dma_semaphore, #tpu.memory_space<semaphore_mem>>) src(%dma_wait3A_97 : memref<16x128xf32, #tpu.memory_space<hbm>>) dst(%dma_wait3A_94 : memref<16x128xf32, #tpu.memory_space<vmem_shared>>)
          tpu.yield
        }) : () -> ()
      } else {
      }
    } else {
    }
    %barrier3A = arith.constant 0 : index
    tpu.barrier barrier_id(%barrier3A)
    %multiple_of3A_9 = arith.constant 0 : i32
    %multiple_of3A_10 = tpu.assume_multiple %multiple_of3A_9, 128 : i32
    %dma_start3A = tpu.memref_slice %arg3[%add3A, %multiple_of3A_10] : memref<32x10112xi32, #tpu.memory_space<hbm>> -> memref<1x128xi32, #tpu.memory_space<hbm>>
    %dma_start3A_11 = tpu.memref_squeeze %dma_start3A : memref<1x128xi32, #tpu.memory_space<hbm>> -> memref<128xi32, #tpu.memory_space<hbm>>
    %dma_start3A_12 = tpu.memref_slice %arg3[%add3A, %multiple_of3A_10] : memref<32x10112xi32, #tpu.memory_space<hbm>> -> memref<1x128xi32, #tpu.memory_space<hbm>>
    %dma_start3A_13 = tpu.memref_squeeze %dma_start3A_12 : memref<1x128xi32, #tpu.memory_space<hbm>> -> memref<128xi32, #tpu.memory_space<hbm>>
    tpu.enqueue_dma source(%dma_start3A_13 : memref<128xi32, #tpu.memory_space<hbm>>) target(%arg8 : memref<128xi32, #tpu.memory_space<vmem>>) target_semaphore(%arg12 : memref<!tpu.dma_semaphore, #tpu.memory_space<semaphore_mem>>)
    %dma_start3A_14 = tpu.memref_slice %arg4[%add3A, %multiple_of3A_10] : memref<32x10112xi32, #tpu.memory_space<hbm>> -> memref<1x128xi32, #tpu.memory_space<hbm>>
    %dma_start3A_15 = tpu.memref_squeeze %dma_start3A_14 : memref<1x128xi32, #tpu.memory_space<hbm>> -> memref<128xi32, #tpu.memory_space<hbm>>
    %dma_start3A_16 = tpu.memref_slice %arg4[%add3A, %multiple_of3A_10] : memref<32x10112xi32, #tpu.memory_space<hbm>> -> memref<1x128xi32, #tpu.memory_space<hbm>>
    %dma_start3A_17 = tpu.memref_squeeze %dma_start3A_16 : memref<1x128xi32, #tpu.memory_space<hbm>> -> memref<128xi32, #tpu.memory_space<hbm>>
    tpu.enqueue_dma source(%dma_start3A_17 : memref<128xi32, #tpu.memory_space<hbm>>) target(%arg9 : memref<128xi32, #tpu.memory_space<vmem>>) target_semaphore(%arg12 : memref<!tpu.dma_semaphore, #tpu.memory_space<semaphore_mem>>)
    %multiple_of3A_18 = arith.constant 128 : i32
    %multiple_of3A_19 = tpu.assume_multiple %multiple_of3A_18, 128 : i32
    %dma_start3A_20 = tpu.memref_slice %arg3[%add3A, %multiple_of3A_19] : memref<32x10112xi32, #tpu.memory_space<hbm>> -> memref<1x128xi32, #tpu.memory_space<hbm>>
    %dma_start3A_21 = tpu.memref_squeeze %dma_start3A_20 : memref<1x128xi32, #tpu.memory_space<hbm>> -> memref<128xi32, #tpu.memory_space<hbm>>
    %dma_start3A_22 = tpu.memref_slice %arg3[%add3A, %multiple_of3A_19] : memref<32x10112xi32, #tpu.memory_space<hbm>> -> memref<1x128xi32, #tpu.memory_space<hbm>>
    %dma_start3A_23 = tpu.memref_squeeze %dma_start3A_22 : memref<1x128xi32, #tpu.memory_space<hbm>> -> memref<128xi32, #tpu.memory_space<hbm>>
    tpu.enqueue_dma source(%dma_start3A_23 : memref<128xi32, #tpu.memory_space<hbm>>) target(%arg13 : memref<128xi32, #tpu.memory_space<vmem>>) target_semaphore(%arg17 : memref<!tpu.dma_semaphore, #tpu.memory_space<semaphore_mem>>)
    %dma_start3A_24 = tpu.memref_slice %arg4[%add3A, %multiple_of3A_19] : memref<32x10112xi32, #tpu.memory_space<hbm>> -> memref<1x128xi32, #tpu.memory_space<hbm>>
    %dma_start3A_25 = tpu.memref_squeeze %dma_start3A_24 : memref<1x128xi32, #tpu.memory_space<hbm>> -> memref<128xi32, #tpu.memory_space<hbm>>
    %dma_start3A_26 = tpu.memref_slice %arg4[%add3A, %multiple_of3A_19] : memref<32x10112xi32, #tpu.memory_space<hbm>> -> memref<1x128xi32, #tpu.memory_space<hbm>>
    %dma_start3A_27 = tpu.memref_squeeze %dma_start3A_26 : memref<1x128xi32, #tpu.memory_space<hbm>> -> memref<128xi32, #tpu.memory_space<hbm>>
    tpu.enqueue_dma source(%dma_start3A_27 : memref<128xi32, #tpu.memory_space<hbm>>) target(%arg14 : memref<128xi32, #tpu.memory_space<vmem>>) target_semaphore(%arg17 : memref<!tpu.dma_semaphore, #tpu.memory_space<semaphore_mem>>)
    %multiple_of3A_28 = arith.constant 256 : i32
    %multiple_of3A_29 = tpu.assume_multiple %multiple_of3A_28, 128 : i32
    %dma_start3A_30 = tpu.memref_slice %arg3[%add3A, %multiple_of3A_29] : memref<32x10112xi32, #tpu.memory_space<hbm>> -> memref<1x128xi32, #tpu.memory_space<hbm>>
    %dma_start3A_31 = tpu.memref_squeeze %dma_start3A_30 : memref<1x128xi32, #tpu.memory_space<hbm>> -> memref<128xi32, #tpu.memory_space<hbm>>
    %dma_start3A_32 = tpu.memref_slice %arg3[%add3A, %multiple_of3A_29] : memref<32x10112xi32, #tpu.memory_space<hbm>> -> memref<1x128xi32, #tpu.memory_space<hbm>>
    %dma_start3A_33 = tpu.memref_squeeze %dma_start3A_32 : memref<1x128xi32, #tpu.memory_space<hbm>> -> memref<128xi32, #tpu.memory_space<hbm>>
    tpu.enqueue_dma source(%dma_start3A_33 : memref<128xi32, #tpu.memory_space<hbm>>) target(%arg18 : memref<128xi32, #tpu.memory_space<vmem>>) target_semaphore(%arg22 : memref<!tpu.dma_semaphore, #tpu.memory_space<semaphore_mem>>)
    %dma_start3A_34 = tpu.memref_slice %arg4[%add3A, %multiple_of3A_29] : memref<32x10112xi32, #tpu.memory_space<hbm>> -> memref<1x128xi32, #tpu.memory_space<hbm>>
    %dma_start3A_35 = tpu.memref_squeeze %dma_start3A_34 : memref<1x128xi32, #tpu.memory_space<hbm>> -> memref<128xi32, #tpu.memory_space<hbm>>
    %dma_start3A_36 = tpu.memref_slice %arg4[%add3A, %multiple_of3A_29] : memref<32x10112xi32, #tpu.memory_space<hbm>> -> memref<1x128xi32, #tpu.memory_space<hbm>>
    %dma_start3A_37 = tpu.memref_squeeze %dma_start3A_36 : memref<1x128xi32, #tpu.memory_space<hbm>> -> memref<128xi32, #tpu.memory_space<hbm>>
    tpu.enqueue_dma source(%dma_start3A_37 : memref<128xi32, #tpu.memory_space<hbm>>) target(%arg19 : memref<128xi32, #tpu.memory_space<vmem>>) target_semaphore(%arg22 : memref<!tpu.dma_semaphore, #tpu.memory_space<semaphore_mem>>)
    %dma_wait3A = arith.constant 0 : i32
    %dma_wait3A_38 = tpu.memref_slice %arg3[%add3A, %dma_wait3A] : memref<32x10112xi32, #tpu.memory_space<hbm>> -> memref<1x128xi32, #tpu.memory_space<hbm>>
    %dma_wait3A_39 = tpu.memref_squeeze %dma_wait3A_38 : memref<1x128xi32, #tpu.memory_space<hbm>> -> memref<128xi32, #tpu.memory_space<hbm>>
    %dma_wait3A_40 = arith.constant 0 : i32
    %dma_wait3A_41 = tpu.memref_slice %arg3[%add3A, %dma_wait3A_40] : memref<32x10112xi32, #tpu.memory_space<hbm>> -> memref<1x128xi32, #tpu.memory_space<hbm>>
    %dma_wait3A_42 = tpu.memref_squeeze %dma_wait3A_41 : memref<1x128xi32, #tpu.memory_space<hbm>> -> memref<128xi32, #tpu.memory_space<hbm>>
    tpu.wait_dma2 semaphore(%arg12 : memref<!tpu.dma_semaphore, #tpu.memory_space<semaphore_mem>>) src(%dma_wait3A_42 : memref<128xi32, #tpu.memory_space<hbm>>) dst(%arg8 : memref<128xi32, #tpu.memory_space<vmem>>)
    %dma_wait3A_43 = arith.constant 0 : i32
    %dma_wait3A_44 = tpu.memref_slice %arg4[%add3A, %dma_wait3A_43] : memref<32x10112xi32, #tpu.memory_space<hbm>> -> memref<1x128xi32, #tpu.memory_space<hbm>>
    %dma_wait3A_45 = tpu.memref_squeeze %dma_wait3A_44 : memref<1x128xi32, #tpu.memory_space<hbm>> -> memref<128xi32, #tpu.memory_space<hbm>>
    %dma_wait3A_46 = arith.constant 0 : i32
    %dma_wait3A_47 = tpu.memref_slice %arg4[%add3A, %dma_wait3A_46] : memref<32x10112xi32, #tpu.memory_space<hbm>> -> memref<1x128xi32, #tpu.memory_space<hbm>>
    %dma_wait3A_48 = tpu.memref_squeeze %dma_wait3A_47 : memref<1x128xi32, #tpu.memory_space<hbm>> -> memref<128xi32, #tpu.memory_space<hbm>>
    tpu.wait_dma2 semaphore(%arg12 : memref<!tpu.dma_semaphore, #tpu.memory_space<semaphore_mem>>) src(%dma_wait3A_48 : memref<128xi32, #tpu.memory_space<hbm>>) dst(%arg9 : memref<128xi32, #tpu.memory_space<vmem>>)
    %dma_start3A_49 = arith.constant 0 : i32
    %dma_start3A_50 = arith.constant 0 : i32
    %dma_start3A_51 = tpu.memref_slice %arg2[%dma_start3A_49, %dma_start3A_50] : memref<10000x128xf32, #tpu.memory_space<hbm>> -> memref<10000x128xf32, #tpu.memory_space<hbm>>
    tpu.enqueue_indirect_dma source(%dma_start3A_51 : memref<10000x128xf32, #tpu.memory_space<hbm>>) target(%arg10 : memref<128x128xf32, #tpu.memory_space<vmem>>) offsets(%arg8 : memref<128xi32, #tpu.memory_space<vmem>>) semaphore(%arg11 : memref<!tpu.dma_semaphore, #tpu.memory_space<semaphore_mem>>)
    %dma_wait3A_52 = arith.constant 0 : i32
    %dma_wait3A_53 = tpu.memref_slice %arg3[%add3A, %dma_wait3A_52] : memref<32x10112xi32, #tpu.memory_space<hbm>> -> memref<1x128xi32, #tpu.memory_space<hbm>>
    %dma_wait3A_54 = tpu.memref_squeeze %dma_wait3A_53 : memref<1x128xi32, #tpu.memory_space<hbm>> -> memref<128xi32, #tpu.memory_space<hbm>>
    %dma_wait3A_55 = arith.constant 0 : i32
    %dma_wait3A_56 = tpu.memref_slice %arg3[%add3A, %dma_wait3A_55] : memref<32x10112xi32, #tpu.memory_space<hbm>> -> memref<1x128xi32, #tpu.memory_space<hbm>>
    %dma_wait3A_57 = tpu.memref_squeeze %dma_wait3A_56 : memref<1x128xi32, #tpu.memory_space<hbm>> -> memref<128xi32, #tpu.memory_space<hbm>>
    tpu.wait_dma2 semaphore(%arg17 : memref<!tpu.dma_semaphore, #tpu.memory_space<semaphore_mem>>) src(%dma_wait3A_57 : memref<128xi32, #tpu.memory_space<hbm>>) dst(%arg13 : memref<128xi32, #tpu.memory_space<vmem>>)
    %dma_wait3A_58 = arith.constant 0 : i32
    %dma_wait3A_59 = tpu.memref_slice %arg4[%add3A, %dma_wait3A_58] : memref<32x10112xi32, #tpu.memory_space<hbm>> -> memref<1x128xi32, #tpu.memory_space<hbm>>
    %dma_wait3A_60 = tpu.memref_squeeze %dma_wait3A_59 : memref<1x128xi32, #tpu.memory_space<hbm>> -> memref<128xi32, #tpu.memory_space<hbm>>
    %dma_wait3A_61 = arith.constant 0 : i32
    %dma_wait3A_62 = tpu.memref_slice %arg4[%add3A, %dma_wait3A_61] : memref<32x10112xi32, #tpu.memory_space<hbm>> -> memref<1x128xi32, #tpu.memory_space<hbm>>
    %dma_wait3A_63 = tpu.memref_squeeze %dma_wait3A_62 : memref<1x128xi32, #tpu.memory_space<hbm>> -> memref<128xi32, #tpu.memory_space<hbm>>
    tpu.wait_dma2 semaphore(%arg17 : memref<!tpu.dma_semaphore, #tpu.memory_space<semaphore_mem>>) src(%dma_wait3A_63 : memref<128xi32, #tpu.memory_space<hbm>>) dst(%arg14 : memref<128xi32, #tpu.memory_space<vmem>>)
    %dma_start3A_64 = arith.constant 0 : i32
    %dma_start3A_65 = arith.constant 0 : i32
    %dma_start3A_66 = tpu.memref_slice %arg2[%dma_start3A_64, %dma_start3A_65] : memref<10000x128xf32, #tpu.memory_space<hbm>> -> memref<10000x128xf32, #tpu.memory_space<hbm>>
    tpu.enqueue_indirect_dma source(%dma_start3A_66 : memref<10000x128xf32, #tpu.memory_space<hbm>>) target(%arg15 : memref<128x128xf32, #tpu.memory_space<vmem>>) offsets(%arg13 : memref<128xi32, #tpu.memory_space<vmem>>) semaphore(%arg16 : memref<!tpu.dma_semaphore, #tpu.memory_space<semaphore_mem>>)
    %scan3A = arith.constant 0 : i32
    %scan3A_67 = arith.constant 0 : i32
    %scan3A_68 = arith.constant 26 : i32
    %scan3A_69 = arith.addi %scan3A_67, %scan3A_68 : i32
    %scan3A_70 = arith.constant 1 : i32
    scf.for %scan3A_81 = %scan3A_67 to %scan3A_69 step %scan3A_70  : i32 {
      %mul3A_82 = arith.constant 3 : i32
      %mul3A_83 = arith.muli %scan3A_81, %mul3A_82 : i32
      %add3A_84 = arith.constant 0 : i32
      %add3A_85 = arith.addi %mul3A_83, %add3A_84 : i32
      %add3A_86 = arith.constant 2 : i32
      %add3A_87 = arith.addi %add3A_85, %add3A_86 : i32
      %lt3A = arith.constant 79 : i32
      %lt3A_88 = arith.cmpi slt, %add3A_87, %lt3A : i32
      %convert_element_type3A_89 = arith.extui %lt3A_88 : i1 to i32
      %cond3A_90 = arith.constant 0 : i32
      %cond3A_91 = arith.cmpi ne, %convert_element_type3A_89, %cond3A_90 : i32
      scf.if %cond3A_91 {
        %dma_wait3A_144 = arith.constant 0 : i32
        %dma_wait3A_145 = tpu.memref_slice %arg3[%add3A, %dma_wait3A_144] : memref<32x10112xi32, #tpu.memory_space<hbm>> -> memref<1x128xi32, #tpu.memory_space<hbm>>
        %dma_wait3A_146 = tpu.memref_squeeze %dma_wait3A_145 : memref<1x128xi32, #tpu.memory_space<hbm>> -> memref<128xi32, #tpu.memory_space<hbm>>
        %dma_wait3A_147 = arith.constant 0 : i32
        %dma_wait3A_148 = tpu.memref_slice %arg3[%add3A, %dma_wait3A_147] : memref<32x10112xi32, #tpu.memory_space<hbm>> -> memref<1x128xi32, #tpu.memory_space<hbm>>
        %dma_wait3A_149 = tpu.memref_squeeze %dma_wait3A_148 : memref<1x128xi32, #tpu.memory_space<hbm>> -> memref<128xi32, #tpu.memory_space<hbm>>
        tpu.wait_dma2 semaphore(%arg22 : memref<!tpu.dma_semaphore, #tpu.memory_space<semaphore_mem>>) src(%dma_wait3A_149 : memref<128xi32, #tpu.memory_space<hbm>>) dst(%arg18 : memref<128xi32, #tpu.memory_space<vmem>>)
        %dma_wait3A_150 = arith.constant 0 : i32
        %dma_wait3A_151 = tpu.memref_slice %arg4[%add3A, %dma_wait3A_150] : memref<32x10112xi32, #tpu.memory_space<hbm>> -> memref<1x128xi32, #tpu.memory_space<hbm>>
        %dma_wait3A_152 = tpu.memref_squeeze %dma_wait3A_151 : memref<1x128xi32, #tpu.memory_space<hbm>> -> memref<128xi32, #tpu.memory_space<hbm>>
        %dma_wait3A_153 = arith.constant 0 : i32
        %dma_wait3A_154 = tpu.memref_slice %arg4[%add3A, %dma_wait3A_153] : memref<32x10112xi32, #tpu.memory_space<hbm>> -> memref<1x128xi32, #tpu.memory_space<hbm>>
        %dma_wait3A_155 = tpu.memref_squeeze %dma_wait3A_154 : memref<1x128xi32, #tpu.memory_space<hbm>> -> memref<128xi32, #tpu.memory_space<hbm>>
        tpu.wait_dma2 semaphore(%arg22 : memref<!tpu.dma_semaphore, #tpu.memory_space<semaphore_mem>>) src(%dma_wait3A_155 : memref<128xi32, #tpu.memory_space<hbm>>) dst(%arg19 : memref<128xi32, #tpu.memory_space<vmem>>)
        %dma_start3A_156 = arith.constant 0 : i32
        %dma_start3A_157 = arith.constant 0 : i32
        %dma_start3A_158 = tpu.memref_slice %arg2[%dma_start3A_156, %dma_start3A_157] : memref<10000x128xf32, #tpu.memory_space<hbm>> -> memref<10000x128xf32, #tpu.memory_space<hbm>>
        tpu.enqueue_indirect_dma source(%dma_start3A_158 : memref<10000x128xf32, #tpu.memory_space<hbm>>) target(%arg20 : memref<128x128xf32, #tpu.memory_space<vmem>>) offsets(%arg18 : memref<128xi32, #tpu.memory_space<vmem>>) semaphore(%arg21 : memref<!tpu.dma_semaphore, #tpu.memory_space<semaphore_mem>>)
      } else {
      }
      %dma_wait3A_92 = arith.constant 0 : i32
      %dma_wait3A_93 = arith.constant 0 : i32
      %dma_wait3A_94 = tpu.memref_slice %arg2[%dma_wait3A_92, %dma_wait3A_93] : memref<10000x128xf32, #tpu.memory_space<hbm>> -> memref<10000x128xf32, #tpu.memory_space<hbm>>
      tpu.wait_indirect_dma semaphore(%arg11 : memref<!tpu.dma_semaphore, #tpu.memory_space<semaphore_mem>>) src(%dma_wait3A_94 : memref<10000x128xf32, #tpu.memory_space<hbm>>) dst(%arg10 : memref<128x128xf32, #tpu.memory_space<vmem>>)
      "tpu.region"() ({
        %run_scoped3A = tpu.sem_alloc : memref<!tpu.dma_semaphore, #tpu.memory_space<semaphore_mem>>
        %dma_start3A_144 = arith.constant 0 : i32
        %dma_start3A_145 = arith.constant 0 : i32
        %dma_start3A_146 = tpu.memref_slice %arg7[%dma_start3A_144, %dma_start3A_145] : memref<10016x128xf32, #tpu.memory_space<vmem_shared>> -> memref<10016x128xf32, #tpu.memory_space<vmem_shared>>
        tpu.enqueue_indirect_dma source(%arg10 : memref<128x128xf32, #tpu.memory_space<vmem>>) target(%dma_start3A_146 : memref<10016x128xf32, #tpu.memory_space<vmem_shared>>) offsets(%arg9 : memref<128xi32, #tpu.memory_space<vmem>>) semaphore(%run_scoped3A : memref<!tpu.dma_semaphore, #tpu.memory_space<semaphore_mem>>) {add = true}
        %dma_wait3A_147 = arith.constant 0 : i32
        %dma_wait3A_148 = arith.constant 0 : i32
        %dma_wait3A_149 = tpu.memref_slice %arg7[%dma_wait3A_147, %dma_wait3A_148] : memref<10016x128xf32, #tpu.memory_space<vmem_shared>> -> memref<10016x128xf32, #tpu.memory_space<vmem_shared>>
        tpu.wait_indirect_dma semaphore(%run_scoped3A : memref<!tpu.dma_semaphore, #tpu.memory_space<semaphore_mem>>) src(%arg10 : memref<128x128xf32, #tpu.memory_space<vmem>>) dst(%dma_wait3A_149 : memref<10016x128xf32, #tpu.memory_space<vmem_shared>>)
        tpu.yield
      }) : () -> ()
      %add3A_95 = arith.constant 3 : i32
      %add3A_96 = arith.addi %add3A_85, %add3A_95 : i32
      %lt3A_97 = arith.constant 79 : i32
      %lt3A_98 = arith.cmpi slt, %add3A_96, %lt3A_97 : i32
      %convert_element_type3A_99 = arith.extui %lt3A_98 : i1 to i32
      %cond3A_100 = arith.constant 0 : i32
      %cond3A_101 = arith.cmpi ne, %convert_element_type3A_99, %cond3A_100 : i32
      scf.if %cond3A_101 {
        %add3A_144 = arith.constant 3 : i32
        %add3A_145 = arith.addi %add3A_85, %add3A_144 : i32
        %mul3A_146 = arith.constant 128 : i32
        %mul3A_147 = arith.muli %add3A_145, %mul3A_146 : i32
        %multiple_of3A_148 = tpu.assume_multiple %mul3A_147, 128 : i32
        %dma_start3A_149 = tpu.memref_slice %arg3[%add3A, %multiple_of3A_148] : memref<32x10112xi32, #tpu.memory_space<hbm>> -> memref<1x128xi32, #tpu.memory_space<hbm>>
        %dma_start3A_150 = tpu.memref_squeeze %dma_start3A_149 : memref<1x128xi32, #tpu.memory_space<hbm>> -> memref<128xi32, #tpu.memory_space<hbm>>
        %dma_start3A_151 = tpu.memref_slice %arg3[%add3A, %multiple_of3A_148] : memref<32x10112xi32, #tpu.memory_space<hbm>> -> memref<1x128xi32, #tpu.memory_space<hbm>>
        %dma_start3A_152 = tpu.memref_squeeze %dma_start3A_151 : memref<1x128xi32, #tpu.memory_space<hbm>> -> memref<128xi32, #tpu.memory_space<hbm>>
        tpu.enqueue_dma source(%dma_start3A_152 : memref<128xi32, #tpu.memory_space<hbm>>) target(%arg8 : memref<128xi32, #tpu.memory_space<vmem>>) target_semaphore(%arg12 : memref<!tpu.dma_semaphore, #tpu.memory_space<semaphore_mem>>)
        %dma_start3A_153 = tpu.memref_slice %arg4[%add3A, %multiple_of3A_148] : memref<32x10112xi32, #tpu.memory_space<hbm>> -> memref<1x128xi32, #tpu.memory_space<hbm>>
        %dma_start3A_154 = tpu.memref_squeeze %dma_start3A_153 : memref<1x128xi32, #tpu.memory_space<hbm>> -> memref<128xi32, #tpu.memory_space<hbm>>
        %dma_start3A_155 = tpu.memref_slice %arg4[%add3A, %multiple_of3A_148] : memref<32x10112xi32, #tpu.memory_space<hbm>> -> memref<1x128xi32, #tpu.memory_space<hbm>>
        %dma_start3A_156 = tpu.memref_squeeze %dma_start3A_155 : memref<1x128xi32, #tpu.memory_space<hbm>> -> memref<128xi32, #tpu.memory_space<hbm>>
        tpu.enqueue_dma source(%dma_start3A_156 : memref<128xi32, #tpu.memory_space<hbm>>) target(%arg9 : memref<128xi32, #tpu.memory_space<vmem>>) target_semaphore(%arg12 : memref<!tpu.dma_semaphore, #tpu.memory_space<semaphore_mem>>)
      } else {
      }
      %mul3A_102 = arith.constant 3 : i32
      %mul3A_103 = arith.muli %scan3A_81, %mul3A_102 : i32
      %add3A_104 = arith.constant 1 : i32
      %add3A_105 = arith.addi %mul3A_103, %add3A_104 : i32
      %add3A_106 = arith.constant 2 : i32
      %add3A_107 = arith.addi %add3A_105, %add3A_106 : i32
      %lt3A_108 = arith.constant 79 : i32
      %lt3A_109 = arith.cmpi slt, %add3A_107, %lt3A_108 : i32
      %convert_element_type3A_110 = arith.extui %lt3A_109 : i1 to i32
      %cond3A_111 = arith.constant 0 : i32
      %cond3A_112 = arith.cmpi ne, %convert_element_type3A_110, %cond3A_111 : i32
      scf.if %cond3A_112 {
        %dma_wait3A_144 = arith.constant 0 : i32
        %dma_wait3A_145 = tpu.memref_slice %arg3[%add3A, %dma_wait3A_144] : memref<32x10112xi32, #tpu.memory_space<hbm>> -> memref<1x128xi32, #tpu.memory_space<hbm>>
        %dma_wait3A_146 = tpu.memref_squeeze %dma_wait3A_145 : memref<1x128xi32, #tpu.memory_space<hbm>> -> memref<128xi32, #tpu.memory_space<hbm>>
        %dma_wait3A_147 = arith.constant 0 : i32
        %dma_wait3A_148 = tpu.memref_slice %arg3[%add3A, %dma_wait3A_147] : memref<32x10112xi32, #tpu.memory_space<hbm>> -> memref<1x128xi32, #tpu.memory_space<hbm>>
        %dma_wait3A_149 = tpu.memref_squeeze %dma_wait3A_148 : memref<1x128xi32, #tpu.memory_space<hbm>> -> memref<128xi32, #tpu.memory_space<hbm>>
        tpu.wait_dma2 semaphore(%arg12 : memref<!tpu.dma_semaphore, #tpu.memory_space<semaphore_mem>>) src(%dma_wait3A_149 : memref<128xi32, #tpu.memory_space<hbm>>) dst(%arg8 : memref<128xi32, #tpu.memory_space<vmem>>)
        %dma_wait3A_150 = arith.constant 0 : i32
        %dma_wait3A_151 = tpu.memref_slice %arg4[%add3A, %dma_wait3A_150] : memref<32x10112xi32, #tpu.memory_space<hbm>> -> memref<1x128xi32, #tpu.memory_space<hbm>>
        %dma_wait3A_152 = tpu.memref_squeeze %dma_wait3A_151 : memref<1x128xi32, #tpu.memory_space<hbm>> -> memref<128xi32, #tpu.memory_space<hbm>>
        %dma_wait3A_153 = arith.constant 0 : i32
        %dma_wait3A_154 = tpu.memref_slice %arg4[%add3A, %dma_wait3A_153] : memref<32x10112xi32, #tpu.memory_space<hbm>> -> memref<1x128xi32, #tpu.memory_space<hbm>>
        %dma_wait3A_155 = tpu.memref_squeeze %dma_wait3A_154 : memref<1x128xi32, #tpu.memory_space<hbm>> -> memref<128xi32, #tpu.memory_space<hbm>>
        tpu.wait_dma2 semaphore(%arg12 : memref<!tpu.dma_semaphore, #tpu.memory_space<semaphore_mem>>) src(%dma_wait3A_155 : memref<128xi32, #tpu.memory_space<hbm>>) dst(%arg9 : memref<128xi32, #tpu.memory_space<vmem>>)
        %dma_start3A_156 = arith.constant 0 : i32
        %dma_start3A_157 = arith.constant 0 : i32
        %dma_start3A_158 = tpu.memref_slice %arg2[%dma_start3A_156, %dma_start3A_157] : memref<10000x128xf32, #tpu.memory_space<hbm>> -> memref<10000x128xf32, #tpu.memory_space<hbm>>
        tpu.enqueue_indirect_dma source(%dma_start3A_158 : memref<10000x128xf32, #tpu.memory_space<hbm>>) target(%arg10 : memref<128x128xf32, #tpu.memory_space<vmem>>) offsets(%arg8 : memref<128xi32, #tpu.memory_space<vmem>>) semaphore(%arg11 : memref<!tpu.dma_semaphore, #tpu.memory_space<semaphore_mem>>)
      } else {
      }
      %dma_wait3A_113 = arith.constant 0 : i32
      %dma_wait3A_114 = arith.constant 0 : i32
      %dma_wait3A_115 = tpu.memref_slice %arg2[%dma_wait3A_113, %dma_wait3A_114] : memref<10000x128xf32, #tpu.memory_space<hbm>> -> memref<10000x128xf32, #tpu.memory_space<hbm>>
      tpu.wait_indirect_dma semaphore(%arg16 : memref<!tpu.dma_semaphore, #tpu.memory_space<semaphore_mem>>) src(%dma_wait3A_115 : memref<10000x128xf32, #tpu.memory_space<hbm>>) dst(%arg15 : memref<128x128xf32, #tpu.memory_space<vmem>>)
      "tpu.region"() ({
        %run_scoped3A = tpu.sem_alloc : memref<!tpu.dma_semaphore, #tpu.memory_space<semaphore_mem>>
        %dma_start3A_144 = arith.constant 0 : i32
        %dma_start3A_145 = arith.constant 0 : i32
        %dma_start3A_146 = tpu.memref_slice %arg7[%dma_start3A_144, %dma_start3A_145] : memref<10016x128xf32, #tpu.memory_space<vmem_shared>> -> memref<10016x128xf32, #tpu.memory_space<vmem_shared>>
        tpu.enqueue_indirect_dma source(%arg15 : memref<128x128xf32, #tpu.memory_space<vmem>>) target(%dma_start3A_146 : memref<10016x128xf32, #tpu.memory_space<vmem_shared>>) offsets(%arg14 : memref<128xi32, #tpu.memory_space<vmem>>) semaphore(%run_scoped3A : memref<!tpu.dma_semaphore, #tpu.memory_space<semaphore_mem>>) {add = true}
        %dma_wait3A_147 = arith.constant 0 : i32
        %dma_wait3A_148 = arith.constant 0 : i32
        %dma_wait3A_149 = tpu.memref_slice %arg7[%dma_wait3A_147, %dma_wait3A_148] : memref<10016x128xf32, #tpu.memory_space<vmem_shared>> -> memref<10016x128xf32, #tpu.memory_space<vmem_shared>>
        tpu.wait_indirect_dma semaphore(%run_scoped3A : memref<!tpu.dma_semaphore, #tpu.memory_space<semaphore_mem>>) src(%arg15 : memref<128x128xf32, #tpu.memory_space<vmem>>) dst(%dma_wait3A_149 : memref<10016x128xf32, #tpu.memory_space<vmem_shared>>)
        tpu.yield
      }) : () -> ()
      %add3A_116 = arith.constant 3 : i32
      %add3A_117 = arith.addi %add3A_105, %add3A_116 : i32
      %lt3A_118 = arith.constant 79 : i32
      %lt3A_119 = arith.cmpi slt, %add3A_117, %lt3A_118 : i32
      %convert_element_type3A_120 = arith.extui %lt3A_119 : i1 to i32
      %cond3A_121 = arith.constant 0 : i32
      %cond3A_122 = arith.cmpi ne, %convert_element_type3A_120, %cond3A_121 : i32
      scf.if %cond3A_122 {
        %add3A_144 = arith.constant 3 : i32
        %add3A_145 = arith.addi %add3A_105, %add3A_144 : i32
        %mul3A_146 = arith.constant 128 : i32
        %mul3A_147 = arith.muli %add3A_145, %mul3A_146 : i32
        %multiple_of3A_148 = tpu.assume_multiple %mul3A_147, 128 : i32
        %dma_start3A_149 = tpu.memref_slice %arg3[%add3A, %multiple_of3A_148] : memref<32x10112xi32, #tpu.memory_space<hbm>> -> memref<1x128xi32, #tpu.memory_space<hbm>>
        %dma_start3A_150 = tpu.memref_squeeze %dma_start3A_149 : memref<1x128xi32, #tpu.memory_space<hbm>> -> memref<128xi32, #tpu.memory_space<hbm>>
        %dma_start3A_151 = tpu.memref_slice %arg3[%add3A, %multiple_of3A_148] : memref<32x10112xi32, #tpu.memory_space<hbm>> -> memref<1x128xi32, #tpu.memory_space<hbm>>
        %dma_start3A_152 = tpu.memref_squeeze %dma_start3A_151 : memref<1x128xi32, #tpu.memory_space<hbm>> -> memref<128xi32, #tpu.memory_space<hbm>>
        tpu.enqueue_dma source(%dma_start3A_152 : memref<128xi32, #tpu.memory_space<hbm>>) target(%arg13 : memref<128xi32, #tpu.memory_space<vmem>>) target_semaphore(%arg17 : memref<!tpu.dma_semaphore, #tpu.memory_space<semaphore_mem>>)
        %dma_start3A_153 = tpu.memref_slice %arg4[%add3A, %multiple_of3A_148] : memref<32x10112xi32, #tpu.memory_space<hbm>> -> memref<1x128xi32, #tpu.memory_space<hbm>>
        %dma_start3A_154 = tpu.memref_squeeze %dma_start3A_153 : memref<1x128xi32, #tpu.memory_space<hbm>> -> memref<128xi32, #tpu.memory_space<hbm>>
        %dma_start3A_155 = tpu.memref_slice %arg4[%add3A, %multiple_of3A_148] : memref<32x10112xi32, #tpu.memory_space<hbm>> -> memref<1x128xi32, #tpu.memory_space<hbm>>
        %dma_start3A_156 = tpu.memref_squeeze %dma_start3A_155 : memref<1x128xi32, #tpu.memory_space<hbm>> -> memref<128xi32, #tpu.memory_space<hbm>>
        tpu.enqueue_dma source(%dma_start3A_156 : memref<128xi32, #tpu.memory_space<hbm>>) target(%arg14 : memref<128xi32, #tpu.memory_space<vmem>>) target_semaphore(%arg17 : memref<!tpu.dma_semaphore, #tpu.memory_space<semaphore_mem>>)
      } else {
      }
      %mul3A_123 = arith.constant 3 : i32
      %mul3A_124 = arith.muli %scan3A_81, %mul3A_123 : i32
      %add3A_125 = arith.constant 2 : i32
      %add3A_126 = arith.addi %mul3A_124, %add3A_125 : i32
      %add3A_127 = arith.constant 2 : i32
      %add3A_128 = arith.addi %add3A_126, %add3A_127 : i32
      %lt3A_129 = arith.constant 79 : i32
      %lt3A_130 = arith.cmpi slt, %add3A_128, %lt3A_129 : i32
      %convert_element_type3A_131 = arith.extui %lt3A_130 : i1 to i32
      %cond3A_132 = arith.constant 0 : i32
      %cond3A_133 = arith.cmpi ne, %convert_element_type3A_131, %cond3A_132 : i32
      scf.if %cond3A_133 {
        %dma_wait3A_144 = arith.constant 0 : i32
        %dma_wait3A_145 = tpu.memref_slice %arg3[%add3A, %dma_wait3A_144] : memref<32x10112xi32, #tpu.memory_space<hbm>> -> memref<1x128xi32, #tpu.memory_space<hbm>>
        %dma_wait3A_146 = tpu.memref_squeeze %dma_wait3A_145 : memref<1x128xi32, #tpu.memory_space<hbm>> -> memref<128xi32, #tpu.memory_space<hbm>>
        %dma_wait3A_147 = arith.constant 0 : i32
        %dma_wait3A_148 = tpu.memref_slice %arg3[%add3A, %dma_wait3A_147] : memref<32x10112xi32, #tpu.memory_space<hbm>> -> memref<1x128xi32, #tpu.memory_space<hbm>>
        %dma_wait3A_149 = tpu.memref_squeeze %dma_wait3A_148 : memref<1x128xi32, #tpu.memory_space<hbm>> -> memref<128xi32, #tpu.memory_space<hbm>>
        tpu.wait_dma2 semaphore(%arg17 : memref<!tpu.dma_semaphore, #tpu.memory_space<semaphore_mem>>) src(%dma_wait3A_149 : memref<128xi32, #tpu.memory_space<hbm>>) dst(%arg13 : memref<128xi32, #tpu.memory_space<vmem>>)
        %dma_wait3A_150 = arith.constant 0 : i32
        %dma_wait3A_151 = tpu.memref_slice %arg4[%add3A, %dma_wait3A_150] : memref<32x10112xi32, #tpu.memory_space<hbm>> -> memref<1x128xi32, #tpu.memory_space<hbm>>
        %dma_wait3A_152 = tpu.memref_squeeze %dma_wait3A_151 : memref<1x128xi32, #tpu.memory_space<hbm>> -> memref<128xi32, #tpu.memory_space<hbm>>
        %dma_wait3A_153 = arith.constant 0 : i32
        %dma_wait3A_154 = tpu.memref_slice %arg4[%add3A, %dma_wait3A_153] : memref<32x10112xi32, #tpu.memory_space<hbm>> -> memref<1x128xi32, #tpu.memory_space<hbm>>
        %dma_wait3A_155 = tpu.memref_squeeze %dma_wait3A_154 : memref<1x128xi32, #tpu.memory_space<hbm>> -> memref<128xi32, #tpu.memory_space<hbm>>
        tpu.wait_dma2 semaphore(%arg17 : memref<!tpu.dma_semaphore, #tpu.memory_space<semaphore_mem>>) src(%dma_wait3A_155 : memref<128xi32, #tpu.memory_space<hbm>>) dst(%arg14 : memref<128xi32, #tpu.memory_space<vmem>>)
        %dma_start3A_156 = arith.constant 0 : i32
        %dma_start3A_157 = arith.constant 0 : i32
        %dma_start3A_158 = tpu.memref_slice %arg2[%dma_start3A_156, %dma_start3A_157] : memref<10000x128xf32, #tpu.memory_space<hbm>> -> memref<10000x128xf32, #tpu.memory_space<hbm>>
        tpu.enqueue_indirect_dma source(%dma_start3A_158 : memref<10000x128xf32, #tpu.memory_space<hbm>>) target(%arg15 : memref<128x128xf32, #tpu.memory_space<vmem>>) offsets(%arg13 : memref<128xi32, #tpu.memory_space<vmem>>) semaphore(%arg16 : memref<!tpu.dma_semaphore, #tpu.memory_space<semaphore_mem>>)
      } else {
      }
      %dma_wait3A_134 = arith.constant 0 : i32
      %dma_wait3A_135 = arith.constant 0 : i32
      %dma_wait3A_136 = tpu.memref_slice %arg2[%dma_wait3A_134, %dma_wait3A_135] : memref<10000x128xf32, #tpu.memory_space<hbm>> -> memref<10000x128xf32, #tpu.memory_space<hbm>>
      tpu.wait_indirect_dma semaphore(%arg21 : memref<!tpu.dma_semaphore, #tpu.memory_space<semaphore_mem>>) src(%dma_wait3A_136 : memref<10000x128xf32, #tpu.memory_space<hbm>>) dst(%arg20 : memref<128x128xf32, #tpu.memory_space<vmem>>)
      "tpu.region"() ({
        %run_scoped3A = tpu.sem_alloc : memref<!tpu.dma_semaphore, #tpu.memory_space<semaphore_mem>>
        %dma_start3A_144 = arith.constant 0 : i32
        %dma_start3A_145 = arith.constant 0 : i32
        %dma_start3A_146 = tpu.memref_slice %arg7[%dma_start3A_144, %dma_start3A_145] : memref<10016x128xf32, #tpu.memory_space<vmem_shared>> -> memref<10016x128xf32, #tpu.memory_space<vmem_shared>>
        tpu.enqueue_indirect_dma source(%arg20 : memref<128x128xf32, #tpu.memory_space<vmem>>) target(%dma_start3A_146 : memref<10016x128xf32, #tpu.memory_space<vmem_shared>>) offsets(%arg19 : memref<128xi32, #tpu.memory_space<vmem>>) semaphore(%run_scoped3A : memref<!tpu.dma_semaphore, #tpu.memory_space<semaphore_mem>>) {add = true}
        %dma_wait3A_147 = arith.constant 0 : i32
        %dma_wait3A_148 = arith.constant 0 : i32
        %dma_wait3A_149 = tpu.memref_slice %arg7[%dma_wait3A_147, %dma_wait3A_148] : memref<10016x128xf32, #tpu.memory_space<vmem_shared>> -> memref<10016x128xf32, #tpu.memory_space<vmem_shared>>
        tpu.wait_indirect_dma semaphore(%run_scoped3A : memref<!tpu.dma_semaphore, #tpu.memory_space<semaphore_mem>>) src(%arg20 : memref<128x128xf32, #tpu.memory_space<vmem>>) dst(%dma_wait3A_149 : memref<10016x128xf32, #tpu.memory_space<vmem_shared>>)
        tpu.yield
      }) : () -> ()
      %add3A_137 = arith.constant 3 : i32
      %add3A_138 = arith.addi %add3A_126, %add3A_137 : i32
      %lt3A_139 = arith.constant 79 : i32
      %lt3A_140 = arith.cmpi slt, %add3A_138, %lt3A_139 : i32
      %convert_element_type3A_141 = arith.extui %lt3A_140 : i1 to i32
      %cond3A_142 = arith.constant 0 : i32
      %cond3A_143 = arith.cmpi ne, %convert_element_type3A_141, %cond3A_142 : i32
      scf.if %cond3A_143 {
        %add3A_144 = arith.constant 3 : i32
        %add3A_145 = arith.addi %add3A_126, %add3A_144 : i32
        %mul3A_146 = arith.constant 128 : i32
        %mul3A_147 = arith.muli %add3A_145, %mul3A_146 : i32
        %multiple_of3A_148 = tpu.assume_multiple %mul3A_147, 128 : i32
        %dma_start3A_149 = tpu.memref_slice %arg3[%add3A, %multiple_of3A_148] : memref<32x10112xi32, #tpu.memory_space<hbm>> -> memref<1x128xi32, #tpu.memory_space<hbm>>
        %dma_start3A_150 = tpu.memref_squeeze %dma_start3A_149 : memref<1x128xi32, #tpu.memory_space<hbm>> -> memref<128xi32, #tpu.memory_space<hbm>>
        %dma_start3A_151 = tpu.memref_slice %arg3[%add3A, %multiple_of3A_148] : memref<32x10112xi32, #tpu.memory_space<hbm>> -> memref<1x128xi32, #tpu.memory_space<hbm>>
        %dma_start3A_152 = tpu.memref_squeeze %dma_start3A_151 : memref<1x128xi32, #tpu.memory_space<hbm>> -> memref<128xi32, #tpu.memory_space<hbm>>
        tpu.enqueue_dma source(%dma_start3A_152 : memref<128xi32, #tpu.memory_space<hbm>>) target(%arg18 : memref<128xi32, #tpu.memory_space<vmem>>) target_semaphore(%arg22 : memref<!tpu.dma_semaphore, #tpu.memory_space<semaphore_mem>>)
        %dma_start3A_153 = tpu.memref_slice %arg4[%add3A, %multiple_of3A_148] : memref<32x10112xi32, #tpu.memory_space<hbm>> -> memref<1x128xi32, #tpu.memory_space<hbm>>
        %dma_start3A_154 = tpu.memref_squeeze %dma_start3A_153 : memref<1x128xi32, #tpu.memory_space<hbm>> -> memref<128xi32, #tpu.memory_space<hbm>>
        %dma_start3A_155 = tpu.memref_slice %arg4[%add3A, %multiple_of3A_148] : memref<32x10112xi32, #tpu.memory_space<hbm>> -> memref<1x128xi32, #tpu.memory_space<hbm>>
        %dma_start3A_156 = tpu.memref_squeeze %dma_start3A_155 : memref<1x128xi32, #tpu.memory_space<hbm>> -> memref<128xi32, #tpu.memory_space<hbm>>
        tpu.enqueue_dma source(%dma_start3A_156 : memref<128xi32, #tpu.memory_space<hbm>>) target(%arg19 : memref<128xi32, #tpu.memory_space<vmem>>) target_semaphore(%arg22 : memref<!tpu.dma_semaphore, #tpu.memory_space<semaphore_mem>>)
      } else {
      }
    }
    %scan3A_71 = arith.constant 26 : i32
    %dma_wait3A_72 = arith.constant 0 : i32
    %dma_wait3A_73 = arith.constant 0 : i32
    %dma_wait3A_74 = tpu.memref_slice %arg2[%dma_wait3A_72, %dma_wait3A_73] : memref<10000x128xf32, #tpu.memory_space<hbm>> -> memref<10000x128xf32, #tpu.memory_space<hbm>>
    tpu.wait_indirect_dma semaphore(%arg11 : memref<!tpu.dma_semaphore, #tpu.memory_space<semaphore_mem>>) src(%dma_wait3A_74 : memref<10000x128xf32, #tpu.memory_space<hbm>>) dst(%arg10 : memref<128x128xf32, #tpu.memory_space<vmem>>)
    "tpu.region"() ({
      %run_scoped3A = tpu.sem_alloc : memref<!tpu.dma_semaphore, #tpu.memory_space<semaphore_mem>>
      %dma_start3A_81 = arith.constant 0 : i32
      %dma_start3A_82 = arith.constant 0 : i32
      %dma_start3A_83 = tpu.memref_slice %arg7[%dma_start3A_81, %dma_start3A_82] : memref<10016x128xf32, #tpu.memory_space<vmem_shared>> -> memref<10016x128xf32, #tpu.memory_space<vmem_shared>>
      tpu.enqueue_indirect_dma source(%arg10 : memref<128x128xf32, #tpu.memory_space<vmem>>) target(%dma_start3A_83 : memref<10016x128xf32, #tpu.memory_space<vmem_shared>>) offsets(%arg9 : memref<128xi32, #tpu.memory_space<vmem>>) semaphore(%run_scoped3A : memref<!tpu.dma_semaphore, #tpu.memory_space<semaphore_mem>>) {add = true}
      %dma_wait3A_84 = arith.constant 0 : i32
      %dma_wait3A_85 = arith.constant 0 : i32
      %dma_wait3A_86 = tpu.memref_slice %arg7[%dma_wait3A_84, %dma_wait3A_85] : memref<10016x128xf32, #tpu.memory_space<vmem_shared>> -> memref<10016x128xf32, #tpu.memory_space<vmem_shared>>
      tpu.wait_indirect_dma semaphore(%run_scoped3A : memref<!tpu.dma_semaphore, #tpu.memory_space<semaphore_mem>>) src(%arg10 : memref<128x128xf32, #tpu.memory_space<vmem>>) dst(%dma_wait3A_86 : memref<10016x128xf32, #tpu.memory_space<vmem_shared>>)
      tpu.yield
    }) : () -> ()
    %barrier3A_75 = arith.constant 0 : index
    tpu.barrier barrier_id(%barrier3A_75)
    "tpu.region"() ({
      %run_scoped3A = tpu.sem_alloc : memref<!tpu.dma_semaphore, #tpu.memory_space<semaphore_mem>>
      %dma_start3A_81 = arith.constant 0 : i32
      %dma_start3A_82 = tpu.memref_slice %arg6[%arg0, %multiple_of3A, %dma_start3A_81] : memref<2x10000x128xf32, #tpu.memory_space<hbm>> -> memref<1x624x128xf32, #tpu.memory_space<hbm>>
      %dma_start3A_83 = tpu.memref_squeeze %dma_start3A_82 : memref<1x624x128xf32, #tpu.memory_space<hbm>> -> memref<624x128xf32, #tpu.memory_space<hbm>>
      %dma_start3A_84 = arith.constant 0 : i32
      %dma_start3A_85 = tpu.memref_slice %arg7[%multiple_of3A, %dma_start3A_84] : memref<10016x128xf32, #tpu.memory_space<vmem_shared>> -> memref<624x128xf32, #tpu.memory_space<vmem_shared>>
      tpu.enqueue_dma source(%dma_start3A_85 : memref<624x128xf32, #tpu.memory_space<vmem_shared>>) target(%dma_start3A_83 : memref<624x128xf32, #tpu.memory_space<hbm>>) target_semaphore(%run_scoped3A : memref<!tpu.dma_semaphore, #tpu.memory_space<semaphore_mem>>)
      %dma_wait3A_86 = arith.constant 0 : i32
      %dma_wait3A_87 = tpu.memref_slice %arg6[%arg0, %multiple_of3A, %dma_wait3A_86] : memref<2x10000x128xf32, #tpu.memory_space<hbm>> -> memref<1x624x128xf32, #tpu.memory_space<hbm>>
      %dma_wait3A_88 = tpu.memref_squeeze %dma_wait3A_87 : memref<1x624x128xf32, #tpu.memory_space<hbm>> -> memref<624x128xf32, #tpu.memory_space<hbm>>
      %dma_wait3A_89 = arith.constant 0 : i32
      %dma_wait3A_90 = tpu.memref_slice %arg7[%multiple_of3A, %dma_wait3A_89] : memref<10016x128xf32, #tpu.memory_space<vmem_shared>> -> memref<624x128xf32, #tpu.memory_space<vmem_shared>>
      tpu.wait_dma2 semaphore(%run_scoped3A : memref<!tpu.dma_semaphore, #tpu.memory_space<semaphore_mem>>) src(%dma_wait3A_90 : memref<624x128xf32, #tpu.memory_space<vmem_shared>>) dst(%dma_wait3A_88 : memref<624x128xf32, #tpu.memory_space<hbm>>)
      tpu.yield
    }) : () -> ()
    %eq3A_76 = arith.constant 0 : i32
    %eq3A_77 = arith.cmpi eq, %arg1, %eq3A_76 : i32
    %convert_element_type3A_78 = arith.extui %eq3A_77 : i1 to i32
    %cond3A_79 = arith.constant 0 : i32
    %cond3A_80 = arith.cmpi ne, %convert_element_type3A_78, %cond3A_79 : i32
    scf.if %cond3A_80 {
      "tpu.region"() ({
        %run_scoped3A = tpu.sem_alloc : memref<!tpu.dma_semaphore, #tpu.memory_space<semaphore_mem>>
        %dma_start3A_81 = arith.constant 9984 : i32
        %dma_start3A_82 = arith.constant 0 : i32
        %dma_start3A_83 = tpu.memref_slice %arg6[%arg0, %dma_start3A_81, %dma_start3A_82] : memref<2x10000x128xf32, #tpu.memory_space<hbm>> -> memref<1x16x128xf32, #tpu.memory_space<hbm>>
        %dma_start3A_84 = tpu.memref_squeeze %dma_start3A_83 : memref<1x16x128xf32, #tpu.memory_space<hbm>> -> memref<16x128xf32, #tpu.memory_space<hbm>>
        %dma_start3A_85 = arith.constant 9984 : i32
        %dma_start3A_86 = arith.constant 0 : i32
        %dma_start3A_87 = tpu.memref_slice %arg7[%dma_start3A_85, %dma_start3A_86] : memref<10016x128xf32, #tpu.memory_space<vmem_shared>> -> memref<16x128xf32, #tpu.memory_space<vmem_shared>>
        tpu.enqueue_dma source(%dma_start3A_87 : memref<16x128xf32, #tpu.memory_space<vmem_shared>>) target(%dma_start3A_84 : memref<16x128xf32, #tpu.memory_space<hbm>>) target_semaphore(%run_scoped3A : memref<!tpu.dma_semaphore, #tpu.memory_space<semaphore_mem>>)
        %dma_wait3A_88 = arith.constant 9984 : i32
        %dma_wait3A_89 = arith.constant 0 : i32
        %dma_wait3A_90 = tpu.memref_slice %arg6[%arg0, %dma_wait3A_88, %dma_wait3A_89] : memref<2x10000x128xf32, #tpu.memory_space<hbm>> -> memref<1x16x128xf32, #tpu.memory_space<hbm>>
        %dma_wait3A_91 = tpu.memref_squeeze %dma_wait3A_90 : memref<1x16x128xf32, #tpu.memory_space<hbm>> -> memref<16x128xf32, #tpu.memory_space<hbm>>
        %dma_wait3A_92 = arith.constant 9984 : i32
        %dma_wait3A_93 = arith.constant 0 : i32
        %dma_wait3A_94 = tpu.memref_slice %arg7[%dma_wait3A_92, %dma_wait3A_93] : memref<10016x128xf32, #tpu.memory_space<vmem_shared>> -> memref<16x128xf32, #tpu.memory_space<vmem_shared>>
        tpu.wait_dma2 semaphore(%run_scoped3A : memref<!tpu.dma_semaphore, #tpu.memory_space<semaphore_mem>>) src(%dma_wait3A_94 : memref<16x128xf32, #tpu.memory_space<vmem_shared>>) dst(%dma_wait3A_91 : memref<16x128xf32, #tpu.memory_space<hbm>>)
        tpu.yield
      }) : () -> ()
    } else {
    }
    return
  }
}

module attributes {stable_mosaic.version = 14 : i64} {
  func.func @_mlp_body(%arg0: i32, %arg1: memref<1x1000x128xf32, #tpu.memory_space<vmem>>, %arg2: memref<1x1000x128xf32, #tpu.memory_space<vmem>>, %arg3: memref<128x128xf32, #tpu.memory_space<vmem>>, %arg4: memref<1x128xf32, #tpu.memory_space<vmem>>, %arg5: memref<128x128xf32, #tpu.memory_space<vmem>>, %arg6: memref<1x128xf32, #tpu.memory_space<vmem>>, %arg7: memref<1000x128xf32, #tpu.memory_space<vmem>>) attributes {dimension_semantics = [#tpu.dimension_semantics<arbitrary>], iteration_bounds = array<i64: 10>, scalar_prefetch = 0 : i64, scratch_operands = 0 : i64, tpu.core_type = #tpu.core_type<tc>, window_params = [{transform_indices = @transform_0, window_bounds = array<i64: 1, 1000, 128>}, {transform_indices = @transform_1, window_bounds = array<i64: 1, 1000, 128>}, {pipeline_mode = #tpu.pipeline_mode<synchronous>, transform_indices = @transform_2, window_bounds = array<i64: 128, 128>}, {pipeline_mode = #tpu.pipeline_mode<synchronous>, transform_indices = @transform_3, window_bounds = array<i64: 1, 128>}, {pipeline_mode = #tpu.pipeline_mode<synchronous>, transform_indices = @transform_4, window_bounds = array<i64: 128, 128>}, {pipeline_mode = #tpu.pipeline_mode<synchronous>, transform_indices = @transform_5, window_bounds = array<i64: 1, 128>}, {transform_indices = @transform_6, window_bounds = array<i64: 1000, 128>}]} {
    %get3A = arith.constant 0 : index
    %get3A_0 = arith.constant 0 : index
    %get3A_1 = arith.constant 0 : index
    %get3A_2 = vector.load %arg1[%get3A, %get3A_0, %get3A_1] : memref<1x1000x128xf32, #tpu.memory_space<vmem>>, vector<1x1000x128xf32>
    %get3A_3 = vector.shape_cast %get3A_2 : vector<1x1000x128xf32> to vector<1000x128xf32>
    %get3A_4 = arith.constant 0 : index
    %get3A_5 = arith.constant 0 : index
    %get3A_6 = arith.constant 0 : index
    %get3A_7 = vector.load %arg2[%get3A_4, %get3A_5, %get3A_6] : memref<1x1000x128xf32, #tpu.memory_space<vmem>>, vector<1x1000x128xf32>
    %get3A_8 = vector.shape_cast %get3A_7 : vector<1x1000x128xf32> to vector<1000x128xf32>
    %add3A = arith.addf %get3A_3, %get3A_8 : vector<1000x128xf32>
    %get3A_9 = arith.constant 0 : index
    %get3A_10 = arith.constant 0 : index
    %get3A_11 = vector.load %arg3[%get3A_9, %get3A_10] : memref<128x128xf32, #tpu.memory_space<vmem>>, vector<128x128xf32>
    %dot_general3A = arith.constant dense<0.000000e+00> : vector<1000x128xf32>
    %dot_general3A_12 = tpu.matmul %add3A, %get3A_11, %dot_general3A {dimension_numbers = #tpu.dot_dimension_numbers<[1], [0], [0], [1], [0, 0, 1, 1], [], []>, transpose_lhs_hint = false} : vector<1000x128xf32>, vector<128x128xf32>, vector<1000x128xf32> -> vector<1000x128xf32>
    %get3A_13 = arith.constant 0 : index
    %get3A_14 = arith.constant 0 : index
    %get3A_15 = vector.load %arg4[%get3A_13, %get3A_14] : memref<1x128xf32, #tpu.memory_space<vmem>>, vector<1x128xf32>
    %add3A_16 = vector.broadcast %get3A_15 : vector<1x128xf32> to vector<1000x128xf32>
    %add3A_17 = arith.addf %dot_general3A_12, %add3A_16 : vector<1000x128xf32>
    %max3A = arith.constant 0.000000e+00 : f32
    %max3A_18 = vector.broadcast %max3A : f32 to vector<1000x128xf32>
    %max3A_19 = arith.maximumf %add3A_17, %max3A_18 : vector<1000x128xf32>
    %get3A_20 = arith.constant 0 : index
    %get3A_21 = arith.constant 0 : index
    %get3A_22 = vector.load %arg5[%get3A_20, %get3A_21] : memref<128x128xf32, #tpu.memory_space<vmem>>, vector<128x128xf32>
    %dot_general3A_23 = arith.constant dense<0.000000e+00> : vector<1000x128xf32>
    %dot_general3A_24 = tpu.matmul %max3A_19, %get3A_22, %dot_general3A_23 {dimension_numbers = #tpu.dot_dimension_numbers<[1], [0], [0], [1], [0, 0, 1, 1], [], []>, transpose_lhs_hint = false} : vector<1000x128xf32>, vector<128x128xf32>, vector<1000x128xf32> -> vector<1000x128xf32>
    %get3A_25 = arith.constant 0 : index
    %get3A_26 = arith.constant 0 : index
    %get3A_27 = vector.load %arg6[%get3A_25, %get3A_26] : memref<1x128xf32, #tpu.memory_space<vmem>>, vector<1x128xf32>
    %add3A_28 = vector.broadcast %get3A_27 : vector<1x128xf32> to vector<1000x128xf32>
    %add3A_29 = arith.addf %dot_general3A_24, %add3A_28 : vector<1000x128xf32>
    %max3A_30 = arith.constant 0.000000e+00 : f32
    %max3A_31 = vector.broadcast %max3A_30 : f32 to vector<1000x128xf32>
    %max3A_32 = arith.maximumf %add3A_29, %max3A_31 : vector<1000x128xf32>
    %swap3A = arith.constant 0 : index
    %swap3A_33 = arith.constant 0 : index
    %swap3A_34 = vector.load %arg7[%swap3A, %swap3A_33] : memref<1000x128xf32, #tpu.memory_space<vmem>>, vector<1000x128xf32>
    tpu.vector_store %arg7[%swap3A, %swap3A_33], %max3A_32 {strides = array<i32>} : memref<1000x128xf32, #tpu.memory_space<vmem>>, vector<1000x128xf32>,
    return
  }
  func.func @transform_0(%arg0: i32) -> (i32, i32, i32) {
    %c0_i32 = arith.constant 0 : i32
    %c0_i32_0 = arith.constant 0 : i32
    %c0_i32_1 = arith.constant 0 : i32
    return %c0_i32, %arg0, %c0_i32_0 : i32, i32, i32
  }
  func.func @transform_1(%arg0: i32) -> (i32, i32, i32) {
    %c1_i32 = arith.constant 1 : i32
    %c0_i32 = arith.constant 0 : i32
    %c0_i32_0 = arith.constant 0 : i32
    return %c1_i32, %arg0, %c0_i32 : i32, i32, i32
  }
  func.func @transform_2(%arg0: i32) -> (i32, i32) {
    %c0_i32 = arith.constant 0 : i32
    %c0_i32_0 = arith.constant 0 : i32
    %c0_i32_1 = arith.constant 0 : i32
    return %c0_i32, %c0_i32_0 : i32, i32
  }
  func.func @transform_3(%arg0: i32) -> (i32, i32) {
    %c0_i32 = arith.constant 0 : i32
    %c0_i32_0 = arith.constant 0 : i32
    %c0_i32_1 = arith.constant 0 : i32
    return %c0_i32, %c0_i32_0 : i32, i32
  }
  func.func @transform_4(%arg0: i32) -> (i32, i32) {
    %c0_i32 = arith.constant 0 : i32
    %c0_i32_0 = arith.constant 0 : i32
    %c0_i32_1 = arith.constant 0 : i32
    return %c0_i32, %c0_i32_0 : i32, i32
  }
  func.func @transform_5(%arg0: i32) -> (i32, i32) {
    %c0_i32 = arith.constant 0 : i32
    %c0_i32_0 = arith.constant 0 : i32
    %c0_i32_1 = arith.constant 0 : i32
    return %c0_i32, %c0_i32_0 : i32, i32
  }
  func.func @transform_6(%arg0: i32) -> (i32, i32) {
    %c0_i32 = arith.constant 0 : i32
    %c0_i32_0 = arith.constant 0 : i32
    return %arg0, %c0_i32 : i32, i32
  }
}

module attributes {stable_mosaic.version = 14 : i64} {
  func.func @_mlp3_body(%arg0: i32, %arg1: memref<1x1000x128xf32, #tpu.memory_space<vmem>>, %arg2: memref<1x1000x128xf32, #tpu.memory_space<vmem>>, %arg3: memref<128x128xf32, #tpu.memory_space<vmem>>, %arg4: memref<1x128xf32, #tpu.memory_space<vmem>>, %arg5: memref<128x128xf32, #tpu.memory_space<vmem>>, %arg6: memref<1x128xf32, #tpu.memory_space<vmem>>, %arg7: memref<1000x1xi32, #tpu.memory_space<vmem>>, %arg8: memref<1000x128xf32, #tpu.memory_space<vmem>>, %arg9: memref<64x128xf32, #tpu.memory_space<vmem>>, %arg10: memref<1x64xf32, #tpu.memory_space<vmem>>) attributes {dimension_semantics = [#tpu.dimension_semantics<arbitrary>], iteration_bounds = array<i64: 10>, scalar_prefetch = 0 : i64, scratch_operands = 0 : i64, tpu.core_type = #tpu.core_type<tc>, window_params = [{transform_indices = @transform_0, window_bounds = array<i64: 1, 1000, 128>}, {transform_indices = @transform_1, window_bounds = array<i64: 1, 1000, 128>}, {pipeline_mode = #tpu.pipeline_mode<synchronous>, transform_indices = @transform_2, window_bounds = array<i64: 128, 128>}, {pipeline_mode = #tpu.pipeline_mode<synchronous>, transform_indices = @transform_3, window_bounds = array<i64: 1, 128>}, {pipeline_mode = #tpu.pipeline_mode<synchronous>, transform_indices = @transform_4, window_bounds = array<i64: 128, 128>}, {pipeline_mode = #tpu.pipeline_mode<synchronous>, transform_indices = @transform_5, window_bounds = array<i64: 1, 128>}, {transform_indices = @transform_6, window_bounds = array<i64: 1000, 1>}, {transform_indices = @transform_7, window_bounds = array<i64: 1000, 128>}, {pipeline_mode = #tpu.pipeline_mode<synchronous>, transform_indices = @transform_8, window_bounds = array<i64: 64, 128>}, {pipeline_mode = #tpu.pipeline_mode<synchronous>, transform_indices = @transform_9, window_bounds = array<i64: 1, 64>}]} {
    %get3A = arith.constant 0 : index
    %get3A_0 = arith.constant 0 : index
    %get3A_1 = arith.constant 0 : index
    %get3A_2 = vector.load %arg1[%get3A, %get3A_0, %get3A_1] : memref<1x1000x128xf32, #tpu.memory_space<vmem>>, vector<1x1000x128xf32>
    %get3A_3 = vector.shape_cast %get3A_2 : vector<1x1000x128xf32> to vector<1000x128xf32>
    %get3A_4 = arith.constant 0 : index
    %get3A_5 = arith.constant 0 : index
    %get3A_6 = arith.constant 0 : index
    %get3A_7 = vector.load %arg2[%get3A_4, %get3A_5, %get3A_6] : memref<1x1000x128xf32, #tpu.memory_space<vmem>>, vector<1x1000x128xf32>
    %get3A_8 = vector.shape_cast %get3A_7 : vector<1x1000x128xf32> to vector<1000x128xf32>
    %add3A = arith.addf %get3A_3, %get3A_8 : vector<1000x128xf32>
    %get3A_9 = arith.constant 0 : index
    %get3A_10 = arith.constant 0 : index
    %get3A_11 = vector.load %arg3[%get3A_9, %get3A_10] : memref<128x128xf32, #tpu.memory_space<vmem>>, vector<128x128xf32>
    %dot_general3A = arith.constant dense<0.000000e+00> : vector<1000x128xf32>
    %dot_general3A_12 = tpu.matmul %add3A, %get3A_11, %dot_general3A {dimension_numbers = #tpu.dot_dimension_numbers<[1], [0], [0], [1], [0, 0, 1, 1], [], []>, transpose_lhs_hint = false} : vector<1000x128xf32>, vector<128x128xf32>, vector<1000x128xf32> -> vector<1000x128xf32>
    %get3A_13 = arith.constant 0 : index
    %get3A_14 = arith.constant 0 : index
    %get3A_15 = vector.load %arg4[%get3A_13, %get3A_14] : memref<1x128xf32, #tpu.memory_space<vmem>>, vector<1x128xf32>
    %add3A_16 = vector.broadcast %get3A_15 : vector<1x128xf32> to vector<1000x128xf32>
    %add3A_17 = arith.addf %dot_general3A_12, %add3A_16 : vector<1000x128xf32>
    %max3A = arith.constant 0.000000e+00 : f32
    %max3A_18 = vector.broadcast %max3A : f32 to vector<1000x128xf32>
    %max3A_19 = arith.maximumf %add3A_17, %max3A_18 : vector<1000x128xf32>
    %get3A_20 = arith.constant 0 : index
    %get3A_21 = arith.constant 0 : index
    %get3A_22 = vector.load %arg5[%get3A_20, %get3A_21] : memref<128x128xf32, #tpu.memory_space<vmem>>, vector<128x128xf32>
    %dot_general3A_23 = arith.constant dense<0.000000e+00> : vector<1000x128xf32>
    %dot_general3A_24 = tpu.matmul %max3A_19, %get3A_22, %dot_general3A_23 {dimension_numbers = #tpu.dot_dimension_numbers<[1], [0], [0], [1], [0, 0, 1, 1], [], []>, transpose_lhs_hint = false} : vector<1000x128xf32>, vector<128x128xf32>, vector<1000x128xf32> -> vector<1000x128xf32>
    %get3A_25 = arith.constant 0 : index
    %get3A_26 = arith.constant 0 : index
    %get3A_27 = vector.load %arg6[%get3A_25, %get3A_26] : memref<1x128xf32, #tpu.memory_space<vmem>>, vector<1x128xf32>
    %add3A_28 = vector.broadcast %get3A_27 : vector<1x128xf32> to vector<1000x128xf32>
    %add3A_29 = arith.addf %dot_general3A_24, %add3A_28 : vector<1000x128xf32>
    %max3A_30 = arith.constant 0.000000e+00 : f32
    %max3A_31 = vector.broadcast %max3A_30 : f32 to vector<1000x128xf32>
    %max3A_32 = arith.maximumf %add3A_29, %max3A_31 : vector<1000x128xf32>
    %swap3A = arith.constant 0 : index
    %swap3A_33 = arith.constant 0 : index
    %swap3A_34 = vector.load %arg8[%swap3A, %swap3A_33] : memref<1000x128xf32, #tpu.memory_space<vmem>>, vector<1000x128xf32>
    tpu.vector_store %arg8[%swap3A, %swap3A_33], %max3A_32 {strides = array<i32>} : memref<1000x128xf32, #tpu.memory_space<vmem>>, vector<1000x128xf32>,
    %get3A_35 = arith.constant 0 : index
    %get3A_36 = arith.constant 0 : index
    %get3A_37 = vector.load %arg7[%get3A_35, %get3A_36] : memref<1000x1xi32, #tpu.memory_space<vmem>>, vector<1000x1xi32>
    %iota3A = tpu.iota {dimensions = array<i32: 1>} : vector<1x64xi32>
    %eq3A = vector.broadcast %get3A_37 : vector<1000x1xi32> to vector<1000x64xi32>
    %eq3A_38 = vector.broadcast %iota3A : vector<1x64xi32> to vector<1000x64xi32>
    %eq3A_39 = arith.cmpi eq, %eq3A, %eq3A_38 : vector<1000x64xi32>
    %convert_element_type3A = arith.extui %eq3A_39 : vector<1000x64xi1> to vector<1000x64xi32>
    %convert_element_type3A_40 = arith.sitofp %convert_element_type3A : vector<1000x64xi32> to vector<1000x64xf32>
    %dot_general3A_41 = arith.constant dense<0.000000e+00> : vector<64x128xf32>
    %dot_general3A_42 = tpu.matmul %convert_element_type3A_40, %max3A_32, %dot_general3A_41 {dimension_numbers = #tpu.dot_dimension_numbers<[0], [0], [1], [1], [0, 1, 1, 1], [], []>, precision = #tpu.contract_precision<fp32>, transpose_lhs_hint = false} : vector<1000x64xf32>, vector<1000x128xf32>, vector<64x128xf32> -> vector<64x128xf32>
    %eq3A_43 = arith.constant 0 : i32
    %eq3A_44 = arith.cmpi eq, %arg0, %eq3A_43 : i32
    %convert_element_type3A_45 = arith.extui %eq3A_44 : i1 to i32
    %cond3A = arith.constant 0 : i32
    %cond3A_46 = arith.cmpi ne, %convert_element_type3A_45, %cond3A : i32
    scf.if %cond3A_46 {
      %broadcast_in_dim3A_62 = arith.constant 0.000000e+00 : f32
      %broadcast_in_dim3A_63 = vector.broadcast %broadcast_in_dim3A_62 : f32 to vector<64x128xf32>
      %swap3A_64 = arith.constant 0 : index
      %swap3A_65 = arith.constant 0 : index
      %swap3A_66 = vector.load %arg9[%swap3A_64, %swap3A_65] : memref<64x128xf32, #tpu.memory_space<vmem>>, vector<64x128xf32>
      tpu.vector_store %arg9[%swap3A_64, %swap3A_65], %broadcast_in_dim3A_63 {strides = array<i32>} : memref<64x128xf32, #tpu.memory_space<vmem>>, vector<64x128xf32>,
      %broadcast_in_dim3A_67 = arith.constant 0.000000e+00 : f32
      %broadcast_in_dim3A_68 = vector.broadcast %broadcast_in_dim3A_67 : f32 to vector<1x64xf32>
      %swap3A_69 = arith.constant 0 : index
      %swap3A_70 = arith.constant 0 : index
      %swap3A_71 = vector.load %arg10[%swap3A_69, %swap3A_70] : memref<1x64xf32, #tpu.memory_space<vmem>>, vector<1x64xf32>
      tpu.vector_store %arg10[%swap3A_69, %swap3A_70], %broadcast_in_dim3A_68 {strides = array<i32>} : memref<1x64xf32, #tpu.memory_space<vmem>>, vector<1x64xf32>,
    } else {
    }
    %get3A_47 = arith.constant 0 : index
    %get3A_48 = arith.constant 0 : index
    %get3A_49 = vector.load %arg9[%get3A_47, %get3A_48] : memref<64x128xf32, #tpu.memory_space<vmem>>, vector<64x128xf32>
    %add3A_50 = arith.addf %get3A_49, %dot_general3A_42 : vector<64x128xf32>
    %swap3A_51 = arith.constant 0 : index
    %swap3A_52 = arith.constant 0 : index
    %swap3A_53 = vector.load %arg9[%swap3A_51, %swap3A_52] : memref<64x128xf32, #tpu.memory_space<vmem>>, vector<64x128xf32>
    tpu.vector_store %arg9[%swap3A_51, %swap3A_52], %add3A_50 {strides = array<i32>} : memref<64x128xf32, #tpu.memory_space<vmem>>, vector<64x128xf32>,
    %get3A_54 = arith.constant 0 : index
    %get3A_55 = arith.constant 0 : index
    %get3A_56 = vector.load %arg10[%get3A_54, %get3A_55] : memref<1x64xf32, #tpu.memory_space<vmem>>, vector<1x64xf32>
    %reduce_sum3A = arith.constant dense<0.000000e+00> : vector<64xf32>
    %reduce_sum3A_57 = vector.multi_reduction <add>, %convert_element_type3A_40, %reduce_sum3A [0] : vector<1000x64xf32> to vector<64xf32>
    %broadcast_in_dim3A = vector.shape_cast %reduce_sum3A_57 : vector<64xf32> to vector<1x64xf32>
    %add3A_58 = arith.addf %get3A_56, %broadcast_in_dim3A : vector<1x64xf32>
    %swap3A_59 = arith.constant 0 : index
    %swap3A_60 = arith.constant 0 : index
    %swap3A_61 = vector.load %arg10[%swap3A_59, %swap3A_60] : memref<1x64xf32, #tpu.memory_space<vmem>>, vector<1x64xf32>
    tpu.vector_store %arg10[%swap3A_59, %swap3A_60], %add3A_58 {strides = array<i32>} : memref<1x64xf32, #tpu.memory_space<vmem>>, vector<1x64xf32>,
    return
  }
  func.func @transform_0(%arg0: i32) -> (i32, i32, i32) {
    %c0_i32 = arith.constant 0 : i32
    %c0_i32_0 = arith.constant 0 : i32
    %c0_i32_1 = arith.constant 0 : i32
    return %c0_i32, %arg0, %c0_i32_0 : i32, i32, i32
  }
  func.func @transform_1(%arg0: i32) -> (i32, i32, i32) {
    %c1_i32 = arith.constant 1 : i32
    %c0_i32 = arith.constant 0 : i32
    %c0_i32_0 = arith.constant 0 : i32
    return %c1_i32, %arg0, %c0_i32 : i32, i32, i32
  }
  func.func @transform_2(%arg0: i32) -> (i32, i32) {
    %c0_i32 = arith.constant 0 : i32
    %c0_i32_0 = arith.constant 0 : i32
    %c0_i32_1 = arith.constant 0 : i32
    return %c0_i32, %c0_i32_0 : i32, i32
  }
  func.func @transform_3(%arg0: i32) -> (i32, i32) {
    %c0_i32 = arith.constant 0 : i32
    %c0_i32_0 = arith.constant 0 : i32
    %c0_i32_1 = arith.constant 0 : i32
    return %c0_i32, %c0_i32_0 : i32, i32
  }
  func.func @transform_4(%arg0: i32) -> (i32, i32) {
    %c0_i32 = arith.constant 0 : i32
    %c0_i32_0 = arith.constant 0 : i32
    %c0_i32_1 = arith.constant 0 : i32
    return %c0_i32, %c0_i32_0 : i32, i32
  }
  func.func @transform_5(%arg0: i32) -> (i32, i32) {
    %c0_i32 = arith.constant 0 : i32
    %c0_i32_0 = arith.constant 0 : i32
    %c0_i32_1 = arith.constant 0 : i32
    return %c0_i32, %c0_i32_0 : i32, i32
  }
  func.func @transform_6(%arg0: i32) -> (i32, i32) {
    %c0_i32 = arith.constant 0 : i32
    %c0_i32_0 = arith.constant 0 : i32
    return %arg0, %c0_i32 : i32, i32
  }
  func.func @transform_7(%arg0: i32) -> (i32, i32) {
    %c0_i32 = arith.constant 0 : i32
    %c0_i32_0 = arith.constant 0 : i32
    return %arg0, %c0_i32 : i32, i32
  }
  func.func @transform_8(%arg0: i32) -> (i32, i32) {
    %c0_i32 = arith.constant 0 : i32
    %c0_i32_0 = arith.constant 0 : i32
    %c0_i32_1 = arith.constant 0 : i32
    return %c0_i32, %c0_i32_0 : i32, i32
  }
  func.func @transform_9(%arg0: i32) -> (i32, i32) {
    %c0_i32 = arith.constant 0 : i32
    %c0_i32_0 = arith.constant 0 : i32
    %c0_i32_1 = arith.constant 0 : i32
    return %c0_i32, %c0_i32_0 : i32, i32
  }
}

module attributes {stable_mosaic.version = 14 : i64} {
  func.func @_head_body(%arg0: memref<64x128xf32, #tpu.memory_space<vmem>>, %arg1: memref<1x64xf32, #tpu.memory_space<vmem>>, %arg2: memref<128x64xf32, #tpu.memory_space<vmem>>, %arg3: memref<1x64xf32, #tpu.memory_space<vmem>>, %arg4: memref<64x1xf32, #tpu.memory_space<vmem>>, %arg5: memref<1x1xf32, #tpu.memory_space<vmem>>, %arg6: memref<64x1xf32, #tpu.memory_space<vmem>>) attributes {dimension_semantics = [], scalar_prefetch = 0 : i64, scratch_operands = 0 : i64, tpu.core_type = #tpu.core_type<tc>} {
    %get3A = arith.constant 0 : index
    %get3A_0 = arith.constant 0 : index
    %get3A_1 = vector.load %arg1[%get3A, %get3A_0] : memref<1x64xf32, #tpu.memory_space<vmem>>, vector<1x64xf32>
    %max3A = arith.constant 1.000000e+00 : f32
    %max3A_2 = vector.broadcast %max3A : f32 to vector<1x64xf32>
    %max3A_3 = arith.maximumf %get3A_1, %max3A_2 : vector<1x64xf32>
    %get3A_4 = arith.constant 0 : index
    %get3A_5 = arith.constant 0 : index
    %get3A_6 = vector.load %arg0[%get3A_4, %get3A_5] : memref<64x128xf32, #tpu.memory_space<vmem>>, vector<64x128xf32>
    %reshape3A = vector.shape_cast %max3A_3 : vector<1x64xf32> to vector<64x1xf32>
    %div3A = vector.broadcast %reshape3A : vector<64x1xf32> to vector<64x128xf32>
    %div3A_7 = arith.divf %get3A_6, %div3A : vector<64x128xf32>
    %get3A_8 = arith.constant 0 : index
    %get3A_9 = arith.constant 0 : index
    %get3A_10 = vector.load %arg2[%get3A_8, %get3A_9] : memref<128x64xf32, #tpu.memory_space<vmem>>, vector<128x64xf32>
    %dot_general3A = arith.constant dense<0.000000e+00> : vector<64x64xf32>
    %dot_general3A_11 = tpu.matmul %div3A_7, %get3A_10, %dot_general3A {dimension_numbers = #tpu.dot_dimension_numbers<[1], [0], [0], [1], [0, 0, 1, 1], [], []>, transpose_lhs_hint = false} : vector<64x128xf32>, vector<128x64xf32>, vector<64x64xf32> -> vector<64x64xf32>
    %get3A_12 = arith.constant 0 : index
    %get3A_13 = arith.constant 0 : index
    %get3A_14 = vector.load %arg3[%get3A_12, %get3A_13] : memref<1x64xf32, #tpu.memory_space<vmem>>, vector<1x64xf32>
    %add3A = vector.broadcast %get3A_14 : vector<1x64xf32> to vector<64x64xf32>
    %add3A_15 = arith.addf %dot_general3A_11, %add3A : vector<64x64xf32>
    %max3A_16 = arith.constant 0.000000e+00 : f32
    %max3A_17 = vector.broadcast %max3A_16 : f32 to vector<64x64xf32>
    %max3A_18 = arith.maximumf %add3A_15, %max3A_17 : vector<64x64xf32>
    %get3A_19 = arith.constant 0 : index
    %get3A_20 = arith.constant 0 : index
    %get3A_21 = vector.load %arg4[%get3A_19, %get3A_20] : memref<64x1xf32, #tpu.memory_space<vmem>>, vector<64x1xf32>
    %dot_general3A_22 = arith.constant dense<0.000000e+00> : vector<64x1xf32>
    %dot_general3A_23 = tpu.matmul %max3A_18, %get3A_21, %dot_general3A_22 {dimension_numbers = #tpu.dot_dimension_numbers<[1], [0], [0], [1], [0, 0, 1, 1], [], []>, transpose_lhs_hint = false} : vector<64x64xf32>, vector<64x1xf32>, vector<64x1xf32> -> vector<64x1xf32>
    %get3A_24 = arith.constant 0 : index
    %get3A_25 = arith.constant 0 : index
    %get3A_26 = vector.load %arg5[%get3A_24, %get3A_25] : memref<1x1xf32, #tpu.memory_space<vmem>>, vector<1x1xf32>
    %add3A_27 = vector.broadcast %get3A_26 : vector<1x1xf32> to vector<64x1xf32>
    %add3A_28 = arith.addf %dot_general3A_23, %add3A_27 : vector<64x1xf32>
    %swap3A = arith.constant 0 : index
    %swap3A_29 = arith.constant 0 : index
    %swap3A_30 = vector.load %arg6[%swap3A, %swap3A_29] : memref<64x1xf32, #tpu.memory_space<vmem>>, vector<64x1xf32>
    tpu.vector_store %arg6[%swap3A, %swap3A_29], %add3A_28 {strides = array<i32>} : memref<64x1xf32, #tpu.memory_space<vmem>>, vector<64x1xf32>,
    return
  }
}

</mosaic_0001>

<sc_bundles>
// kernel: kernel.12.cloned.1.call-start
scs
__scs_entry_jumppad:
0x0: {  	(pc) =	sbr.rel $0x88, $3  }
0x1: {  	(tag) =	ssettag $0x0;
	lr =	simm.s32 $0x1  }
0x2: {  	[smem:$0x3F8E] =	sst lr;
	_ =	strace $0xD0000000  }
0x3: {  	_ = 	snop  }
0x4: {  	_ = 	snop  }
0x5: {  	_ = 	snop  }
0x6: {  	_ = 	snop  }
0x7: {  	_ = 	snop  }
__scs_overlays_trampoline_lowered:
0x8: {  	[smem:$0x3F9D] =	sst s0  }
0x9: {  	[smem:$0x3F9E] =	sst s1  }
0xa: {  	[smem:$0x3F9F] =	sst s2  }
0xb: {  	[smem:$0x3FA0] =	sst s3  }
0xc: {  	[smem:$0x3FA1] =	sst s4  }
0xd: {  	[smem:$0x3FA2] =	sst s5  }
0xe: {  	[smem:$0x3FA3] =	sst s6  }
0xf: {  	[smem:$0x3FA4] =	sst s7  }
0x10: {  	[smem:$0x3FA5] =	sst s8  }
0x11: {  	[smem:$0x3FA6] =	sst s9;
	s0 =	simm.s32 @!p0 $0x0  }
0x12: {  	s1 =	sld [smem:$0x3F8C];
	s0 =	simm.s32 @p0 $0x1  }
0x13: {  	[smem:$0x3FA7] =	sst s0;
	s0 =	simm.s32 @!p1 $0x0  }
0x14: {  	s2 =	sld [smem:$0x3F8B];
	s0 =	simm.s32 @p1 $0x1  }
0x15: {  	[smem:$0x3FA8] =	sst s0;
	s0 =	simm.s32 @!p2 $0x0  }
0x16: {  	s3 =	sld [smem:$0x3FDB];
	s0 =	simm.s32 @p2 $0x1  }
0x17: {  	s4 =	simm.s32 $0x1BF5;
	[smem:$0x3FAA] =	sst s0  }
0x18: {  	s0 =	sld [smem:$0x3F8D];
	_ =	swait.ge [sflag:s4], $0x0  }
0x19: {  	s7 =	sld [smem:$0x3F8E]  }
0x1a: {  	s8 =	sadd.s32 $0xFFFFE003, lr  }
0x1b: {  	s9 =	sadd.s32 $0xFFFFFEF7, lr;
	s5 =	simm.s32 $0xFFFFFFFF;
	p2 =	slt.u32 s8, $0xFFFFF086  }
0x1c: {  	p1 =	slt.u32 s9, $0xF7A;
	s5 =	simm.s32 @!p2 $0x0  }
0x1d: {  	s5 =	simm.s32 @p1 $0x1;
	p0 =	seq.s32 s7, s2  }
0x1e: {  	s7 =	smul.u32 @!p0 $0xF7A, s2;
	p2 =	seq.s32 @!p0 s5, $0x0  }
0x1f: {  	s9 =	smul.u32 $0xF7A, s1;
	s8 =	simm.s32 @!p0 $0x1BF5;
	p2 =	por !p2, p0  }
0x20: {  	[sflag:s8] =	ssyncset.s32 @!p0 $0xFFFFF086;
	s6 =	sadd.s32 @!p0 s3, s7;
	s7 =	simm.s32 @!p0 $0x108  }
0x21: {  	s3 =	sadd.s32 s3, s9;
	s6 =	sadd.s32 @!p0 $0x88, s6;
	s7 =	simm.s32 @p2 $0x1082  }
0x22: {  	[simem:s7], [sflag:s8] =	dma.local @!p0 [hbm:s6], $0xF7A  }
0x23: {  	s9 =	sor.u32 $0xD0000000, s2;
	s6 =	simm.s32 $0x108;
	_ =	swait.ge @!p0 [sflag:s8], $0x0  }
0x24: {  	s3 =	sadd.s32 $0x88, s3;
	s6 =	simm.s32 @!p1 $0x1082;
	[sflag:s4] =	ssyncset.s32 $0xFFFFF086  }
0x25: {  	[simem:s6], [sflag:s4] =	dma.local [hbm:s3], $0xF7A  }
0x26: {  	[smem:$0x3F8E] =	sst s1;
	(tag) =	ssettag s2;
	_ =	strace s9  }
0x27: {  	s1 =	sld [smem:$0x3F9E]  }
0x28: {  	s2 =	sld [smem:$0x3F9F]  }
0x29: {  	s4 =	sld [smem:$0x3FA1]  }
0x2a: {  	p0 =	seq.s32 s5, $0x0;
	s5 =	sld [smem:$0x3FA2]  }
0x2b: {  	s6 =	sld [smem:$0x3FA3]  }
0x2c: {  	s7 =	sld [smem:$0x3FA4]  }
0x2d: {  	s3 =	simm.s32 $0x108;
	s8 =	sld [smem:$0x3FA5]  }
0x2e: {  	s3 =	simm.s32 @!p0 $0x1082;
	s9 =	sld [smem:$0x3FA6]  }
0x2f: {  	lr =	sadd.s32 s0, s3;
	s0 =	sld [smem:$0x3F9D]  }
0x30: {  	s3 =	sld [smem:$0x3FA0]  }
0x31: {  	[smem:$0x3FA9] =	sst s10  }
0x32: {  	s10 =	sld [smem:$0x3FA7];
	_ =	sdelay $0x3  }
0x33: {  	p0 =	seq.s32 s10, $0x1;
	s10 =	sld [smem:$0x3FA9];
	_ =	sdelay $0x3  }
0x34: {  	[smem:$0x3FA9] =	sst s10  }
0x35: {  	s10 =	sld [smem:$0x3FA8];
	_ =	sdelay $0x3  }
0x36: {  	p1 =	seq.s32 s10, $0x1;
	s10 =	sld [smem:$0x3FA9];
	_ =	sdelay $0x3  }
0x37: {  	[smem:$0x3FA9] =	sst s10  }
0x38: {  	s10 =	sld [smem:$0x3FAA]  }
0x39: {  	_ = 	snop;
	(pc) =	sbr.ind lr, $3  }
0x3a: {  	_ = 	snop  }
0x3b: {  	_ = 	snop  }
0x3c: {  	p2 =	seq.s32 s10, $0x1;
	s10 =	sld [smem:$0x3FA9]  }
0x3d: {  	_ =	shalt  }
0x3e: {  	_ =	shalt  }
0x3f: {  	_ =	shalt  }
0x40: {  	_ =	shalt  }
0x41: {  	_ =	shalt  }
0x42: {  	_ =	shalt  }
0x43: {  	_ =	shalt  }
0x44: {  	_ =	shalt  }
0x45: {  	_ =	shalt  }
0x46: {  	_ =	shalt  }
0x47: {  	_ =	shalt  }
0x48: {  	_ =	shalt  }
0x49: {  	_ =	shalt  }
0x4a: {  	_ =	shalt  }
0x4b: {  	_ =	shalt  }
0x4c: {  	_ =	shalt  }
0x4d: {  	_ =	shalt  }
0x4e: {  	_ =	shalt  }
0x4f: {  	_ =	shalt  }
0x50: {  	_ =	shalt  }
0x51: {  	_ =	shalt  }
0x52: {  	_ =	shalt  }
0x53: {  	_ =	shalt  }
0x54: {  	_ =	shalt  }
0x55: {  	_ =	shalt  }
0x56: {  	_ =	shalt  }
0x57: {  	_ =	shalt  }
0x58: {  	_ =	shalt  }
0x59: {  	_ =	shalt  }
0x5a: {  	_ =	shalt  }
0x5b: {  	_ =	shalt  }
0x5c: {  	_ =	shalt  }
0x5d: {  	_ =	shalt  }
0x5e: {  	_ =	shalt  }
0x5f: {  	_ =	shalt  }
0x60: {  	_ =	shalt  }
0x61: {  	_ =	shalt  }
0x62: {  	_ =	shalt  }
0x63: {  	_ =	shalt  }
0x64: {  	_ =	shalt  }
0x65: {  	_ =	shalt  }
0x66: {  	_ =	shalt  }
0x67: {  	_ =	shalt  }
0x68: {  	_ =	shalt  }
0x69: {  	_ =	shalt  }
0x6a: {  	_ =	shalt  }
0x6b: {  	_ =	shalt  }
0x6c: {  	_ =	shalt  }
0x6d: {  	_ =	shalt  }
0x6e: {  	_ =	shalt  }
0x6f: {  	_ =	shalt  }
0x70: {  	_ =	shalt  }
0x71: {  	_ =	shalt  }
0x72: {  	_ =	shalt  }
0x73: {  	_ =	shalt  }
0x74: {  	_ =	shalt  }
0x75: {  	_ =	shalt  }
0x76: {  	_ =	shalt  }
0x77: {  	_ =	shalt  }
0x78: {  	_ =	shalt  }
0x79: {  	_ =	shalt  }
0x7a: {  	_ =	shalt  }
0x7b: {  	_ =	shalt  }
0x7c: {  	_ =	shalt  }
0x7d: {  	_ =	shalt  }
0x7e: {  	_ =	shalt  }
0x7f: {  	_ =	shalt  }
0x80: {  	_ =	shalt  }
0x81: {  	_ =	shalt  }
0x82: {  	_ =	shalt  }
0x83: {  	_ =	shalt  }
0x84: {  	_ =	shalt  }
0x85: {  	_ =	shalt  }
0x86: {  	_ =	shalt  }
0x87: {  	_ =	shalt  }
.Lfunc_end0:
.L_simem_size_0:
called_computation.1_lowered:
.L_overlay_start_0:
0x88: {  	s2 =	sld [smem:$0x3FD9]  }
0x89: {  	s3 =	sld [smem:$0x3FFE];
	_ =	sdelay $0x1  }
0x8a: {  	s1 =	srdreg.scid  }
0x8b: {  	s0 =	sand.u32 $0x1, s1  }
0x8c: {  	s16 =	sshll.u32 s0, $0xA;
	s2 =	sadd.s32 s3, s2  }
0x8d: {  	s2 =	sadd.s32 s2, s16  }
0x8e: {  	[smem:$0x3FB5] =	sst s2  }
0x8f: {  	_ = 	snop  }
0x90: {  	(tm) =	ssettm $0x1  }
0x91: {  	s17 =	sld [smem:$0x3FFB];
	_ =	sdelay $0x3  }
0x92: {  	_ =	strace s17  }
0x93: {  	s2 =	sld [smem:$0x3FFC];
	_ =	sdelay $0x3  }
0x94: {  	_ =	strace s2  }
0x95: {  	s2 =	sld [smem:$0x3FFD];
	_ =	sdelay $0x3  }
0x96: {  	_ =	strace s2  }
0x97: {  	_ =	strace $0x8FFFFFFF  }
0x98: {  	s18 =	sld [smem:$0x3FDB];
	_ =	sdelay $0x1  }
0x99: {  	s19 =	simm.s32 $_scs_section_size  }
0x9a: {  	s4 =	simm.s32 $_size__tile_overlayer_lowered;
	s5 =	simm.s32 $_tile_overlayer_lowered  }
0x9b: {  	s22 =	simm.s32 $0x1BFF;
	s21 =	sshll.u32 s5, $0x1;
	s2 =	sadd.s32 s19, s18  }
0x9c: {  	s6 =	simm.s32 $0x0;
	s20 =	sshll.u32 s4, $0x1;
	s4 =	sadd.s32 s21, s2  }
0x9d: {  	[timem:s6], [sflag:s22] =	dma.local [hbm:s4], s20  }
0x9e: {  	_ =	swait.ge [sflag:s22], s20  }
0x9f: {  	s3 =	ssub.s32 $0x0, s20;
	[sflag:s22] =	ssyncset.done $0x0  }
0xa0: {  	[sflag:s22] =	ssyncadd.s32 s3;
	_ =	sdelay $0x1  }
0xa1: {  	s23 =	simm.s32 $0x1B8B  }
0xa2: {  	_ =	swait.ge [sflag:s23], $0x1  }
0xa3: {  	[sflag:s23] =	ssyncset.done $0x0  }
0xa4: {  	s25 =	simm.s32 $0x1B8E;
	s24 =	sld [smem:$0x3FFE];
	[sflag:s23] =	ssyncadd.s32 $0xFFFFFFFF  }
0xa5: {  	s26 =	simm.s32 $execute0_lowered;
	[smem:$0x3FD2] =	sst s25  }
0xa6: {  	s4 =	sshll.u32 s26, $0x1;
	_ =	strace $0x80000049;
	[dreg:$0x1] =	wrdreg $0xFFFFFFFF  }
0xa7: {  	s28 =	simm.s32 $_size_execute0_lowered;
	s2 =	sadd.s32 s2, s4;
	[dreg:$0x0] =	wrdreg $0x0  }
0xa8: {  	s4 =	sshll.u32 s28, $0x1;
	[dreg:$0x2] =	wrdreg s2  }
0xa9: {  	[dreg:$0x3] =	wrdreg s4  }
0xaa: {  	[dreg:$0x4] =	wrdreg $0xC0  }
0xab: {  	_ =	task [dreg:s6], $0x5FFFF  }
0xac: {  	[dreg:$0x1] =	wrdreg $0xFFFFFFFF  }
0xad: {  	[dreg:$0x0] =	wrdreg $0x60  }
0xae: {  	[dreg:$0x2] =	wrdreg s24  }
0xaf: {  	[dreg:$0x3] =	wrdreg $0x0  }
0xb0: {  	[dreg:$0x4] =	wrdreg $0x9  }
0xb1: {  	_ =	task.clear_ibuf [dreg:s6], $0x5FFFF;
	_ =	strace $0x90000049  }
0xb2: {  	s29 =	simm.s32 $0x9;
	_ =	strace $0x8000004B  }
0xb3: {  	_ =	swait.ge [sflag:s29], $0x1  }
0xb4: {  	[sflag:s29] =	ssyncadd.s32 $0xFFFFFFFF  }
0xb5: {  	_ =	strace $0x9000004B  }
0xb6: {  	_ =	sfence  }
0xb7: {  	s30 =	sld [smem:$0x0];
	_ =	sdelay $0x2  }
0xb8: {  	s31 =	sshll.u32 s1, $0xD;
	s1 =	sshrl.u32 s1, $0x2  }
0xb9: {  	s3 =	sand.u32 $0x4000, s31;
	s1 =	sadd.s32 s1, s30  }
0xba: {  	s0 =	sor.u32 s3, s0;
	s1 =	sshll.u32 s1, $0x11  }
0xbb: {  	s0 =	sor.u32 s1, s0  }
0xbc: {  	s0 =	sadd.s32 $0x8F2B, s0  }
0xbd: {  	[sflag:s0] =	ssyncadd.remote.s32 $0x1  }
0xbe: {  	_ =	sfence.sel $0xFFFF  }
0xbf: {  	[dreg:$0x0] =	wrdreg $0xFFFFFFFF;
	(pc) =	sbr.abs _section_cstart, $3  }
0xc0: {  	[dreg:$0x1] =	wrdreg $0xFFFFFFFF  }
0xc1: {  	_ =	task.clear_ibuf [dreg:s6], $0x2FFFF;
	_ =	strace $0x9FFFFFFF  }
0xc2: {  	(tm) =	ssettm $0x7FFFFFFF  }
0xc3: {  	_ =	shalt  }
tec
execute0_lowered:
.L_overlay_start_1:
0x0: {  	(tag) =	ssettag $0x1  }
0x1: {  	s0 =	rddreg [dreg:$0x0]  }
0x2: {  	s1 =	rddreg [dreg:$0x1]  }
0x3: {  	s2 =	simm.s32 $0x0;
	s6 =	srdreg.scid;
	s15 =	stileid.u32  }
0x4: {  	s28 =	simm.s32 $0x13900;
	s29 =	simm.s32 $0x13980;
	s30 =	simm.s32 $0x17A00  }
0x5: {  	s31 =	simm.s32 $0x17A80;
	[smem:$0x7FF] =	sst s2;
	s3 =	sadd.s32 $0x3E000, s0  }
0x6: {  	s4 =	sadd.s32 $0x3200, s0;
	s5 =	sadd.s32 $0xD000, s0;
	s6 =	sand.u32 $0x1, s6  }
0x7: {  	s14 =	sadd.s32 $0x16E00, s0;
	s0 =	sadd.s32 $0x65200, s0;
	s9 =	smul.u32 $0x4E000, s15  }
0x8: {  	s10 =	smul.u32 $0x2700, s15;
	s11 =	sshrl.u32 s15, $0x2;
	s12 =	sshll.u32 s15, $0x8  }
0x9: {  	s21 =	sadd.s32 $0x138000, s1;
	p2 =	seq.s32 s15, $0x0;
	p0 =	sne.s32 s15, $0x0  }
0xa: {  	_ =	strace $0x8000004A;
	s7 =	ssub.s32 $0x2, s6;
	s11 =	smul.u32 $0x13C00, s11  }
0xb: {  	s13 =	sshll.u32 s6, $0x7;
	s12 =	sand.u32 $0x300, s12;
	[dreg:$0x3] =	wrdreg s14  }
0xc: {  	[dreg:$0x6] =	wrdreg s21;
	s26 =	smul.u32 $0x138800, s6;
	p1 =	sne.s32 s6, $0x0  }
0xd: {  	s6 =	simm.s32 $0x1BB80;
	s8 =	sshrl.u32 s7, $0x1;
	s17 =	sshrl.u32 s9, $0x2  }
0xe: {  	s18 =	sor.u32 s13, s12;
	s19 =	sadd.s32 s14, s10;
	s22 =	sadd.s32 s3, s10  }
0xf: {  	s14 =	simm.s32 $0x1BC00;
	s7 =	ssub.s32 s7, s8;
	[dreg:$0x5] =	wrdreg s19  }
0x10: {  	s8 =	sadd.s32 s17, s1;
	s20 =	sor.u32 s11, s18;
	[dreg:$0x7] =	wrdreg s22  }
0x11: {  	s17 =	smul.u32 $0x13800, s15;
	s21 =	sor.u32 s12, s11;
	s11 =	simm.s32 $0x80  }
0x12: {  	s12 =	simm.s32 $0x17B00;
	s15 =	simm.s32 $0x1;
	[dreg:$0x4] =	wrdreg s8  }
0x13: {  	s23 =	sshrl.u32 s20, $0x3;
	s25 =	sadd.s32 $0x400, s20;
	s8 =	sadd.s32 $0x800, s20  }
0x14: {  	s20 =	sshrl.u32 s26, $0x3;
	s10 =	sor.u32 s13, s21;
	s7 =	smax.u32 s7, $0x1  }
0x15: {  	s13 =	simm.s32 $0x6;
	s24 =	sadd.s32 s4, s23;
	s9 =	sadd.s32 s5, s23  }
0x16: {  	s8 =	sshrl.u32 s8, $0x3;
	s19 =	sadd.s32 s17, s26;
	[dreg:$0x10] =	wrdreg s7  }
0x17: {  	s23 =	sadd.s32 $0x1400, s10;
	s26 =	sadd.s32 $0xC00, s10;
	[dreg:$0x8] =	wrdreg s24  }
0x18: {  	s7 =	simm.s32 $0x13A00;
	s17 =	simm.s32 $0x5;
	[dreg:$0x9] =	wrdreg s9  }
0x19: {  	s9 =	sshrl.u32 s25, $0x3;
	s18 =	sadd.s32 s4, s8;
	[dreg:$0x11] =	wrdreg s26  }
0x1a: {  	s8 =	sadd.s32 s5, s8;
	s24 =	sadd.s32 $0x1000, s10;
	[dreg:$0xc] =	wrdreg s18  }
0x1b: {  	s26 =	simm.s32 $0x7;
	s16 =	sadd.s32 s4, s9;
	[dreg:$0xd] =	wrdreg s8  }
0x1c: {  	s9 =	sadd.s32 s5, s9;
	s8 =	sshrl.u32 s19, $0x3;
	[dreg:$0xa] =	wrdreg s16  }
0x1d: {  	s25 =	sshrl.u32 s24, $0x3;
	s18 =	simm.s32 $0x0;
	[dreg:$0xb] =	wrdreg s9  }
.Ltmp0:
0x1e: {  	s9 =	sadd.s32 s0, s20;
	s0 =	sadd.s32 s0, s8;
	(pc) =	sbr.rel .LBB2_1-.Ltmp0, $4  }
0x1f: {  	s24 =	sadd.s32 s25, s4;
	s8 =	simm.s32 $0x4;
	s16 =	simm.s32 $0x3  }
0x20: {  	[dreg:$0xe] =	wrdreg s0;
	s22 =	sadd.s32 $0x27000, s9;
	s0 =	sshrl.u32 s23, $0x3  }
0x21: {  	s23 =	sadd.s32 s25, s5;
	s9 =	simm.s32 $0x2;
	[dreg:$0xf] =	wrdreg s22  }
0x22: {  	s21 =	sadd.s32 s0, s5;
	s22 =	sadd.s32 s0, s4;
	s0 =	simm.s32 $0x1BB00  }
.LBB2_8:
0x23: {  	_ =	swait.ge [sflag:s17], $0x4000  }
0x24: {  	[sflag:s17] =	ssyncset.done $0x0  }
0x25: {  	[sflag:s17] =	ssyncadd.s32 $0xFFFFC000  }
0x26: {  	[spmem:s1] =	stream.indirect.scatter.add.f32 [tilespmem:s14], [sflag:$0x7], $0x80, s6, s11, $0xb8;
	[tilespmem:$0x1FC00] =	vst v63  }
0x27: {  	_ =	swait.ge [sflag:s26], $0x4000  }
0x28: {  	[sflag:s26] =	ssyncset.done $0x0  }
0x29: {  	[sflag:s26] =	ssyncadd.s32 $0xFFFFC000  }
0x2a: {  	_ =	swait.ge [sflag:s15], $0x4000  }
0x2b: {  	[sflag:s15] =	ssyncset.done $0x0  }
0x2c: {  	[sflag:s15] =	ssyncadd.s32 $0xFFFFC000  }
0x2d: {  	[spmem:s1] =	stream.indirect.scatter.add.f32 [tilespmem:s7], [sflag:$0x7], $0x80, s29, s11, $0xb8;
	[tilespmem:$0x1FC00] =	vst v63  }
0x2e: {  	_ =	swait.ge [sflag:s26], $0x4000  }
0x2f: {  	[sflag:s26] =	ssyncset.done $0x0  }
0x30: {  	[sflag:s26] =	ssyncadd.s32 $0xFFFFC000  }
0x31: {  	[bflag:$0x0] =	sbarrier.arrive $0xFFFF  }
0x32: {  	s10 =	rddreg [dreg:$0x12]  }
0x33: {  	s19 =	rddreg [dreg:$0xe]  }
0x34: {  	s20 =	rddreg [dreg:$0x13];
	s10 =	sor.u32 $0x1C07, s10  }
0x35: {  	[hbm:s19], [sflag:s10] =	dma.local [spmem:s20], $0x2700  }
0x36: {  	_ =	swait.ge [sflag:s26], $0x2700  }
0x37: {  	[sflag:s26] =	ssyncset.done $0x0;
	s19 =	rddreg [dreg:$0x6]  }
0x38: {  	s20 =	rddreg [dreg:$0xf];
	[sflag:s26] =	ssyncadd.s32 $0xFFFFD900;
	s19 =	sshrl.u32 @!p0 s19, $0x3  }
0x39: {  	[hbm:s20], [sflag:s10] =	dma.local @!p0 [spmem:s19], $0x100  }
0x3a: {  	s10 =	simm.s32 @!p0 $0x7  }
0x3b: {  	_ =	swait.ge @!p0 [sflag:s10], $0x100  }
0x3c: {  	s18 =	sadd.s32 $0x1, s18;
	s25 =	rddreg [dreg:$0x10]  }
0x3d: {  	p3 =	sne.s32 s18, s25  }
.Ltmp1:
0x3e: {  	_ = 	snop;
	(pc) =	sbr.rel @!p3 .LBB2_9-.Ltmp1, $3  }
0x3f: {  	_ =	sdelay $0x1  }
0x40: {  	[sflag:s10] =	ssyncset.done @!p0 $0x0  }
0x41: {  	[sflag:s10] =	ssyncadd.s32 @!p0 $0xFFFFFF00  }
.LBB2_1:
.Ltmp2:
0x42: {  	(pc) =	sbr.rel @p1 .LBB2_3-.Ltmp2, $4  }
0x43: {  	s10 =	stileid.u32  }
0x44: {  	s25 =	rddreg [dreg:$0x4];
	s19 =	sshll.u32 s10, $0x6  }
0x45: {  	s20 =	sshrl.u32 s25, $0x3;
	[dreg:$0x12] =	wrdreg s19  }
0x46: {  	s10 =	sor.u32 $0x1C07, s19;
	[dreg:$0x13] =	wrdreg s20  }
0x47: {  	s10 =	sor.u32 $0x1C07, s19;
	s25 =	rddreg [dreg:$0x7]  }
0x48: {  	[spmem:s20], [sflag:s10] =	dma.local [hbm:s25], $0x2700  }
.Ltmp3:
0x49: {  	_ = 	snop;
	(pc) =	sbr.rel @!p2 .LBB2_5-.Ltmp3, $4  }
.Ltmp4:
0x4a: {  	_ = 	snop;
	(pc) =	sbr.rel @p2 .LBB2_4-.Ltmp4, $4  }
0x4b: {  	_ =	swait.ge [sflag:s26], $0x2700  }
0x4c: {  	[sflag:s26] =	ssyncset.done $0x0  }
0x4d: {  	s25 =	smov.u32 s3;
	[sflag:s26] =	ssyncadd.s32 $0xFFFFD900  }
0x4e: {  	_ = 	snop  }
.LBB2_3:
.Ltmp5:
0x4f: {  	s19 =	rddreg [dreg:$0x5];
	(pc) =	sbr.rel @p0 .LBB2_5-.Ltmp5, $4  }
0x50: {  	[spmem:s20], [sflag:s10] =	dma.local [hbm:s19], $0x2700  }
0x51: {  	_ =	swait.ge [sflag:s26], $0x2700  }
0x52: {  	[sflag:s26] =	ssyncset.done $0x0  }
0x53: {  	s25 =	rddreg [dreg:$0x3];
	[sflag:s26] =	ssyncadd.s32 $0xFFFFD900  }
.LBB2_4:
0x54: {  	s19 =	rddreg [dreg:$0x6]  }
0x55: {  	s25 =	sadd.s32 $0x27000, s25;
	s20 =	sshrl.u32 s19, $0x3  }
0x56: {  	[spmem:s20], [sflag:s10] =	dma.local [hbm:s25], $0x100  }
0x57: {  	_ =	swait.ge [sflag:s26], $0x100  }
0x58: {  	[sflag:s26] =	ssyncset.done $0x0  }
0x59: {  	[sflag:s26] =	ssyncadd.s32 $0xFFFFFF00  }
.LBB2_5:
0x5a: {  	[bflag:$0x0] =	sbarrier.arrive $0xFFFF  }
0x5b: {  	s25 =	simm.s32 $0x0;
	s10 =	rddreg [dreg:$0x8]  }
0x5c: {  	[tilespmem:s28], [sflag:$0x2] =	stream.linear.gather [hbm4b:s10+s25], $0x80, $0x38;
	[tilespmem:$0x1FC00] =	vst v63  }
0x5d: {  	s20 =	rddreg [dreg:$0x9]  }
0x5e: {  	[tilespmem:s29], [sflag:$0x2] =	stream.linear.gather [hbm4b:s20+s25], $0x80, $0x38;
	[tilespmem:$0x1FC00] =	vst v63  }
0x5f: {  	s19 =	rddreg [dreg:$0xa]  }
0x60: {  	[tilespmem:s30], [sflag:$0x4] =	stream.linear.gather [hbm4b:s19+s25], $0x80, $0x38;
	[tilespmem:$0x1FC00] =	vst v63  }
0x61: {  	s20 =	rddreg [dreg:$0xb]  }
0x62: {  	[tilespmem:s31], [sflag:$0x4] =	stream.linear.gather [hbm4b:s20+s25], $0x80, $0x38;
	[tilespmem:$0x1FC00] =	vst v63  }
0x63: {  	s19 =	rddreg [dreg:$0xc]  }
0x64: {  	[tilespmem:s0], [sflag:$0x6] =	stream.linear.gather [hbm4b:s19+s25], $0x80, $0x38;
	[tilespmem:$0x1FC00] =	vst v63  }
0x65: {  	s20 =	rddreg [dreg:$0xd]  }
0x66: {  	[tilespmem:s6], [sflag:$0x6] =	stream.linear.gather [hbm4b:s20+s25], $0x80, $0x38;
	[tilespmem:$0x1FC00] =	vst v63  }
0x67: {  	_ =	swait.ge [sflag:s9], $0x80  }
0x68: {  	[sflag:s9] =	ssyncset.done $0x0  }
0x69: {  	[sflag:s9] =	ssyncadd.s32 $0xFFFFFF80  }
0x6a: {  	_ =	swait.ge [sflag:s9], $0x80  }
0x6b: {  	[sflag:s9] =	ssyncset.done $0x0  }
0x6c: {  	[sflag:s9] =	ssyncadd.s32 $0xFFFFFF80  }
0x6d: {  	[tilespmem:s7], [sflag:$0x1] =	stream.indirect.gather [hbm4b:s3+s11], $0x80, s28, s11, $0xb8;
	[tilespmem:$0x1FC00] =	vst v63  }
0x6e: {  	_ =	swait.ge [sflag:s8], $0x80  }
0x6f: {  	[sflag:s8] =	ssyncset.done $0x0  }
0x70: {  	[sflag:s8] =	ssyncadd.s32 $0xFFFFFF80  }
0x71: {  	_ =	swait.ge [sflag:s8], $0x80  }
0x72: {  	[sflag:s8] =	ssyncset.done $0x0  }
0x73: {  	s10 =	rddreg [dreg:$0x11];
	[sflag:s8] =	ssyncadd.s32 $0xFFFFFF80  }
0x74: {  	[tilespmem:s12], [sflag:$0x3] =	stream.indirect.gather [hbm4b:s3+s11], $0x80, s30, s11, $0xb8;
	[tilespmem:$0x1FC00] =	vst v63  }
.LBB2_6:
0x75: {  	_ =	swait.ge [sflag:s13], $0x80  }
0x76: {  	[sflag:s13] =	ssyncset.done $0x0  }
0x77: {  	[sflag:s13] =	ssyncadd.s32 $0xFFFFFF80  }
0x78: {  	_ =	swait.ge [sflag:s13], $0x80  }
0x79: {  	[sflag:s13] =	ssyncset.done $0x0  }
0x7a: {  	[sflag:s13] =	ssyncadd.s32 $0xFFFFFF80  }
0x7b: {  	[tilespmem:s14], [sflag:$0x5] =	stream.indirect.gather [hbm4b:s3+s11], $0x80, s0, s11, $0xb8;
	[tilespmem:$0x1FC00] =	vst v63  }
0x7c: {  	_ =	swait.ge [sflag:s15], $0x4000  }
0x7d: {  	[sflag:s15] =	ssyncset.done $0x0  }
0x7e: {  	[sflag:s15] =	ssyncadd.s32 $0xFFFFC000  }
0x7f: {  	[spmem:s1] =	stream.indirect.scatter.add.f32 [tilespmem:s7], [sflag:$0x7], $0x80, s29, s11, $0xb8;
	[tilespmem:$0x1FC00] =	vst v63  }
0x80: {  	_ =	swait.ge [sflag:s26], $0x4000  }
0x81: {  	s20 =	sshrl.u32 s10, $0x3;
	[sflag:s26] =	ssyncset.done $0x0  }
0x82: {  	s19 =	sadd.s32 s4, s20;
	[sflag:s26] =	ssyncadd.s32 $0xFFFFC000  }
0x83: {  	[tilespmem:s28], [sflag:$0x2] =	stream.linear.gather [hbm4b:s19+s2], $0x80, $0x38;
	[tilespmem:$0x1FC00] =	vst v63  }
0x84: {  	s20 =	sadd.s32 s5, s20  }
0x85: {  	[tilespmem:s29], [sflag:$0x2] =	stream.linear.gather [hbm4b:s20+s2], $0x80, $0x38;
	[tilespmem:$0x1FC00] =	vst v63  }
0x86: {  	_ =	swait.ge [sflag:s9], $0x80  }
0x87: {  	[sflag:s9] =	ssyncset.done $0x0  }
0x88: {  	[sflag:s9] =	ssyncadd.s32 $0xFFFFFF80  }
0x89: {  	_ =	swait.ge [sflag:s9], $0x80  }
0x8a: {  	[sflag:s9] =	ssyncset.done $0x0  }
0x8b: {  	[sflag:s9] =	ssyncadd.s32 $0xFFFFFF80  }
0x8c: {  	[tilespmem:s7], [sflag:$0x1] =	stream.indirect.gather [hbm4b:s3+s11], $0x80, s28, s11, $0xb8;
	[tilespmem:$0x1FC00] =	vst v63  }
0x8d: {  	_ =	swait.ge [sflag:s16], $0x4000  }
0x8e: {  	p3 =	seq.s32 s25, $0x2580;
	[sflag:s16] =	ssyncset.done $0x0  }
.Ltmp6:
0x8f: {  	[sflag:s16] =	ssyncadd.s32 $0xFFFFC000;
	(pc) =	sbr.rel @p3 .LBB2_8-.Ltmp6, $4  }
0x90: {  	[spmem:s1] =	stream.indirect.scatter.add.f32 [tilespmem:s12], [sflag:$0x7], $0x80, s31, s11, $0xb8;
	[tilespmem:$0x1FC00] =	vst v63  }
0x91: {  	_ =	swait.ge [sflag:s26], $0x4000  }
0x92: {  	[sflag:s26] =	ssyncset.done $0x0  }
0x93: {  	[sflag:s26] =	ssyncadd.s32 $0xFFFFC000  }
0x94: {  	s19 =	sadd.s32 s25, s24  }
0x95: {  	[tilespmem:s30], [sflag:$0x4] =	stream.linear.gather [hbm4b:s19+s2], $0x80, $0x38;
	[tilespmem:$0x1FC00] =	vst v63  }
0x96: {  	s20 =	sadd.s32 s25, s23  }
0x97: {  	[tilespmem:s31], [sflag:$0x4] =	stream.linear.gather [hbm4b:s20+s2], $0x80, $0x38;
	[tilespmem:$0x1FC00] =	vst v63  }
0x98: {  	_ =	swait.ge [sflag:s8], $0x80  }
0x99: {  	[sflag:s8] =	ssyncset.done $0x0  }
0x9a: {  	[sflag:s8] =	ssyncadd.s32 $0xFFFFFF80  }
0x9b: {  	_ =	swait.ge [sflag:s8], $0x80  }
0x9c: {  	[sflag:s8] =	ssyncset.done $0x0  }
0x9d: {  	[sflag:s8] =	ssyncadd.s32 $0xFFFFFF80  }
0x9e: {  	[tilespmem:s12], [sflag:$0x3] =	stream.indirect.gather [hbm4b:s3+s11], $0x80, s30, s11, $0xb8;
	[tilespmem:$0x1FC00] =	vst v63  }
0x9f: {  	_ =	swait.ge [sflag:s17], $0x4000  }
0xa0: {  	[sflag:s17] =	ssyncset.done $0x0  }
0xa1: {  	[sflag:s17] =	ssyncadd.s32 $0xFFFFC000  }
0xa2: {  	[spmem:s1] =	stream.indirect.scatter.add.f32 [tilespmem:s14], [sflag:$0x7], $0x80, s6, s11, $0xb8;
	[tilespmem:$0x1FC00] =	vst v63  }
0xa3: {  	_ =	swait.ge [sflag:s26], $0x4000  }
.Ltmp7:
0xa4: {  	[sflag:s26] =	ssyncset.done $0x0;
	(pc) =	sbr.rel .LBB2_6-.Ltmp7, $4  }
0xa5: {  	s20 =	sadd.s32 s25, s22;
	[sflag:s26] =	ssyncadd.s32 $0xFFFFC000  }
0xa6: {  	[tilespmem:s0], [sflag:$0x6] =	stream.linear.gather [hbm4b:s20+s2], $0x80, $0x38;
	[tilespmem:$0x1FC00] =	vst v63  }
0xa7: {  	s10 =	sadd.s32 $0xC00, s10;
	s20 =	sadd.s32 s25, s21;
	s25 =	sadd.s32 $0x180, s25  }
0xa8: {  	[tilespmem:s6], [sflag:$0x6] =	stream.linear.gather [hbm4b:s20+s2], $0x80, $0x38;
	[tilespmem:$0x1FC00] =	vst v63  }
.LBB2_9:
0xa9: {  	_ =	sfence.sel $0x180000  }
0xaa: {  	[bflag:$0x0] =	sbarrier.arrive $0xFFFF  }
0xab: {  	_ =	strace $0x9000004A  }
0xac: {  	[bflag:$0x2] =	sbarrier.arrive $0xFFFF  }
0xad: {  	s0 =	rddreg [dreg:$0x2]  }
0xae: {  	s0 =	sadd.s32 @!p0 $0x100000, s0  }
0xaf: {  	[sflag:s0] =	ssyncadd.tile.s32 @!p0 $0x1;
	_ =	shalt  }
.Lfunc_end2:
_tile_overlayer_lowered:
.L_overlay_start_2:
0xb0: {  	(tag) =	ssettag $0x2  }
0xb1: {  	s0 =	rddreg [dreg:$0x0];
	s2 =	stileid.u32  }
0xb2: {  	s1 =	rddreg [dreg:$0x1];
	p0 =	sne.s32 s2, $0x0  }
0xb3: {  	s3 =	rddreg [dreg:$0x2];
	[bflag:$0x3] =	sbarrier.arrive $0xFFFF;
	s2 =	simm.s32 @!p0 $0x1C07  }
0xb4: {  	[timem:s3], [sflag:s2] =	dma.local @!p0 [hbm:s0], s1  }
0xb5: {  	s0 =	simm.s32 @!p0 $0x7  }
0xb6: {  	_ =	swait.ge @!p0 [sflag:s0], s1  }
0xb7: {  	s1 =	ssub.s32 @!p0 $0x0, s1;
	[sflag:s0] =	ssyncset.done @!p0 $0x0  }
0xb8: {  	[sflag:s0] =	ssyncadd.s32 @!p0 s1  }
0xb9: {  	[bflag:$0x3] =	sbarrier.arrive $0xFFFF  }
0xba: {  	_ =	shalt  }

// kernel: kernel.15.cloned.1.call-start
scs
__scs_entry_jumppad:
0x0: {  	(pc) =	sbr.rel $0x88, $3  }
0x1: {  	(tag) =	ssettag $0x0;
	lr =	simm.s32 $0x1  }
0x2: {  	[smem:$0x3F8E] =	sst lr;
	_ =	strace $0xD0000000  }
0x3: {  	_ = 	snop  }
0x4: {  	_ = 	snop  }
0x5: {  	_ = 	snop  }
0x6: {  	_ = 	snop  }
0x7: {  	_ = 	snop  }
__scs_overlays_trampoline_lowered:
0x8: {  	[smem:$0x3F9D] =	sst s0  }
0x9: {  	[smem:$0x3F9E] =	sst s1  }
0xa: {  	[smem:$0x3F9F] =	sst s2  }
0xb: {  	[smem:$0x3FA0] =	sst s3  }
0xc: {  	[smem:$0x3FA1] =	sst s4  }
0xd: {  	[smem:$0x3FA2] =	sst s5  }
0xe: {  	[smem:$0x3FA3] =	sst s6  }
0xf: {  	[smem:$0x3FA4] =	sst s7  }
0x10: {  	[smem:$0x3FA5] =	sst s8  }
0x11: {  	[smem:$0x3FA6] =	sst s9;
	s0 =	simm.s32 @!p0 $0x0  }
0x12: {  	s1 =	sld [smem:$0x3F8C];
	s0 =	simm.s32 @p0 $0x1  }
0x13: {  	[smem:$0x3FA7] =	sst s0;
	s0 =	simm.s32 @!p1 $0x0  }
0x14: {  	s2 =	sld [smem:$0x3F8B];
	s0 =	simm.s32 @p1 $0x1  }
0x15: {  	[smem:$0x3FA8] =	sst s0;
	s0 =	simm.s32 @!p2 $0x0  }
0x16: {  	s3 =	sld [smem:$0x3FDB];
	s0 =	simm.s32 @p2 $0x1  }
0x17: {  	s4 =	simm.s32 $0x1BF5;
	[smem:$0x3FAA] =	sst s0  }
0x18: {  	s0 =	sld [smem:$0x3F8D];
	_ =	swait.ge [sflag:s4], $0x0  }
0x19: {  	s7 =	sld [smem:$0x3F8E]  }
0x1a: {  	s8 =	sadd.s32 $0xFFFFE003, lr  }
0x1b: {  	s9 =	sadd.s32 $0xFFFFFEF7, lr;
	s5 =	simm.s32 $0xFFFFFFFF;
	p2 =	slt.u32 s8, $0xFFFFF086  }
0x1c: {  	p1 =	slt.u32 s9, $0xF7A;
	s5 =	simm.s32 @!p2 $0x0  }
0x1d: {  	s5 =	simm.s32 @p1 $0x1;
	p0 =	seq.s32 s7, s2  }
0x1e: {  	s7 =	smul.u32 @!p0 $0xF7A, s2;
	p2 =	seq.s32 @!p0 s5, $0x0  }
0x1f: {  	s9 =	smul.u32 $0xF7A, s1;
	s8 =	simm.s32 @!p0 $0x1BF5;
	p2 =	por !p2, p0  }
0x20: {  	[sflag:s8] =	ssyncset.s32 @!p0 $0xFFFFF086;
	s6 =	sadd.s32 @!p0 s3, s7;
	s7 =	simm.s32 @!p0 $0x108  }
0x21: {  	s3 =	sadd.s32 s3, s9;
	s6 =	sadd.s32 @!p0 $0x88, s6;
	s7 =	simm.s32 @p2 $0x1082  }
0x22: {  	[simem:s7], [sflag:s8] =	dma.local @!p0 [hbm:s6], $0xF7A  }
0x23: {  	s9 =	sor.u32 $0xD0000000, s2;
	s6 =	simm.s32 $0x108;
	_ =	swait.ge @!p0 [sflag:s8], $0x0  }
0x24: {  	s3 =	sadd.s32 $0x88, s3;
	s6 =	simm.s32 @!p1 $0x1082;
	[sflag:s4] =	ssyncset.s32 $0xFFFFF086  }
0x25: {  	[simem:s6], [sflag:s4] =	dma.local [hbm:s3], $0xF7A  }
0x26: {  	[smem:$0x3F8E] =	sst s1;
	(tag) =	ssettag s2;
	_ =	strace s9  }
0x27: {  	s1 =	sld [smem:$0x3F9E]  }
0x28: {  	s2 =	sld [smem:$0x3F9F]  }
0x29: {  	s4 =	sld [smem:$0x3FA1]  }
0x2a: {  	p0 =	seq.s32 s5, $0x0;
	s5 =	sld [smem:$0x3FA2]  }
0x2b: {  	s6 =	sld [smem:$0x3FA3]  }
0x2c: {  	s7 =	sld [smem:$0x3FA4]  }
0x2d: {  	s3 =	simm.s32 $0x108;
	s8 =	sld [smem:$0x3FA5]  }
0x2e: {  	s3 =	simm.s32 @!p0 $0x1082;
	s9 =	sld [smem:$0x3FA6]  }
0x2f: {  	lr =	sadd.s32 s0, s3;
	s0 =	sld [smem:$0x3F9D]  }
0x30: {  	s3 =	sld [smem:$0x3FA0]  }
0x31: {  	[smem:$0x3FA9] =	sst s10  }
0x32: {  	s10 =	sld [smem:$0x3FA7];
	_ =	sdelay $0x3  }
0x33: {  	p0 =	seq.s32 s10, $0x1;
	s10 =	sld [smem:$0x3FA9];
	_ =	sdelay $0x3  }
0x34: {  	[smem:$0x3FA9] =	sst s10  }
0x35: {  	s10 =	sld [smem:$0x3FA8];
	_ =	sdelay $0x3  }
0x36: {  	p1 =	seq.s32 s10, $0x1;
	s10 =	sld [smem:$0x3FA9];
	_ =	sdelay $0x3  }
0x37: {  	[smem:$0x3FA9] =	sst s10  }
0x38: {  	s10 =	sld [smem:$0x3FAA]  }
0x39: {  	_ = 	snop;
	(pc) =	sbr.ind lr, $3  }
0x3a: {  	_ = 	snop  }
0x3b: {  	_ = 	snop  }
0x3c: {  	p2 =	seq.s32 s10, $0x1;
	s10 =	sld [smem:$0x3FA9]  }
0x3d: {  	_ =	shalt  }
0x3e: {  	_ =	shalt  }
0x3f: {  	_ =	shalt  }
0x40: {  	_ =	shalt  }
0x41: {  	_ =	shalt  }
0x42: {  	_ =	shalt  }
0x43: {  	_ =	shalt  }
0x44: {  	_ =	shalt  }
0x45: {  	_ =	shalt  }
0x46: {  	_ =	shalt  }
0x47: {  	_ =	shalt  }
0x48: {  	_ =	shalt  }
0x49: {  	_ =	shalt  }
0x4a: {  	_ =	shalt  }
0x4b: {  	_ =	shalt  }
0x4c: {  	_ =	shalt  }
0x4d: {  	_ =	shalt  }
0x4e: {  	_ =	shalt  }
0x4f: {  	_ =	shalt  }
0x50: {  	_ =	shalt  }
0x51: {  	_ =	shalt  }
0x52: {  	_ =	shalt  }
0x53: {  	_ =	shalt  }
0x54: {  	_ =	shalt  }
0x55: {  	_ =	shalt  }
0x56: {  	_ =	shalt  }
0x57: {  	_ =	shalt  }
0x58: {  	_ =	shalt  }
0x59: {  	_ =	shalt  }
0x5a: {  	_ =	shalt  }
0x5b: {  	_ =	shalt  }
0x5c: {  	_ =	shalt  }
0x5d: {  	_ =	shalt  }
0x5e: {  	_ =	shalt  }
0x5f: {  	_ =	shalt  }
0x60: {  	_ =	shalt  }
0x61: {  	_ =	shalt  }
0x62: {  	_ =	shalt  }
0x63: {  	_ =	shalt  }
0x64: {  	_ =	shalt  }
0x65: {  	_ =	shalt  }
0x66: {  	_ =	shalt  }
0x67: {  	_ =	shalt  }
0x68: {  	_ =	shalt  }
0x69: {  	_ =	shalt  }
0x6a: {  	_ =	shalt  }
0x6b: {  	_ =	shalt  }
0x6c: {  	_ =	shalt  }
0x6d: {  	_ =	shalt  }
0x6e: {  	_ =	shalt  }
0x6f: {  	_ =	shalt  }
0x70: {  	_ =	shalt  }
0x71: {  	_ =	shalt  }
0x72: {  	_ =	shalt  }
0x73: {  	_ =	shalt  }
0x74: {  	_ =	shalt  }
0x75: {  	_ =	shalt  }
0x76: {  	_ =	shalt  }
0x77: {  	_ =	shalt  }
0x78: {  	_ =	shalt  }
0x79: {  	_ =	shalt  }
0x7a: {  	_ =	shalt  }
0x7b: {  	_ =	shalt  }
0x7c: {  	_ =	shalt  }
0x7d: {  	_ =	shalt  }
0x7e: {  	_ =	shalt  }
0x7f: {  	_ =	shalt  }
0x80: {  	_ =	shalt  }
0x81: {  	_ =	shalt  }
0x82: {  	_ =	shalt  }
0x83: {  	_ =	shalt  }
0x84: {  	_ =	shalt  }
0x85: {  	_ =	shalt  }
0x86: {  	_ =	shalt  }
0x87: {  	_ =	shalt  }
.Lfunc_end0:
.L_simem_size_0:
called_computation.2_lowered:
.L_overlay_start_0:
0x88: {  	s2 =	sld [smem:$0x3FD9]  }
0x89: {  	s3 =	sld [smem:$0x3FFE];
	_ =	sdelay $0x1  }
0x8a: {  	s1 =	srdreg.scid  }
0x8b: {  	s0 =	sand.u32 $0x1, s1  }
0x8c: {  	s16 =	sshll.u32 s0, $0xA;
	s2 =	sadd.s32 s3, s2  }
0x8d: {  	s2 =	sadd.s32 s2, s16  }
0x8e: {  	[smem:$0x3FB5] =	sst s2  }
0x8f: {  	_ = 	snop  }
0x90: {  	(tm) =	ssettm $0x1  }
0x91: {  	s17 =	sld [smem:$0x3FFB];
	_ =	sdelay $0x3  }
0x92: {  	_ =	strace s17  }
0x93: {  	s2 =	sld [smem:$0x3FFC];
	_ =	sdelay $0x3  }
0x94: {  	_ =	strace s2  }
0x95: {  	s2 =	sld [smem:$0x3FFD];
	_ =	sdelay $0x3  }
0x96: {  	_ =	strace s2  }
0x97: {  	_ =	strace $0x8FFFFFFF  }
0x98: {  	s18 =	sld [smem:$0x3FDB];
	_ =	sdelay $0x1  }
0x99: {  	s19 =	simm.s32 $_scs_section_size  }
0x9a: {  	s4 =	simm.s32 $_size__tile_overlayer_lowered;
	s5 =	simm.s32 $_tile_overlayer_lowered  }
0x9b: {  	s22 =	simm.s32 $0x1BFF;
	s21 =	sshll.u32 s5, $0x1;
	s2 =	sadd.s32 s19, s18  }
0x9c: {  	s6 =	simm.s32 $0x0;
	s20 =	sshll.u32 s4, $0x1;
	s4 =	sadd.s32 s21, s2  }
0x9d: {  	[timem:s6], [sflag:s22] =	dma.local [hbm:s4], s20  }
0x9e: {  	_ =	swait.ge [sflag:s22], s20  }
0x9f: {  	s3 =	ssub.s32 $0x0, s20;
	[sflag:s22] =	ssyncset.done $0x0  }
0xa0: {  	[sflag:s22] =	ssyncadd.s32 s3;
	_ =	sdelay $0x1  }
0xa1: {  	s23 =	simm.s32 $0x1B8B  }
0xa2: {  	_ =	swait.ge [sflag:s23], $0x1  }
0xa3: {  	[sflag:s23] =	ssyncset.done $0x0  }
0xa4: {  	s25 =	simm.s32 $0x1B8E;
	s24 =	sld [smem:$0x3FFE];
	[sflag:s23] =	ssyncadd.s32 $0xFFFFFFFF  }
0xa5: {  	s26 =	simm.s32 $execute0_lowered;
	[smem:$0x3FD2] =	sst s25  }
0xa6: {  	s4 =	sshll.u32 s26, $0x1;
	_ =	strace $0x8000004C;
	[dreg:$0x1] =	wrdreg $0xFFFFFFFF  }
0xa7: {  	s28 =	simm.s32 $_size_execute0_lowered;
	s2 =	sadd.s32 s2, s4;
	[dreg:$0x0] =	wrdreg $0x0  }
0xa8: {  	s4 =	sshll.u32 s28, $0x1;
	[dreg:$0x2] =	wrdreg s2  }
0xa9: {  	[dreg:$0x3] =	wrdreg s4  }
0xaa: {  	[dreg:$0x4] =	wrdreg $0xC0  }
0xab: {  	_ =	task [dreg:s6], $0x5FFFF  }
0xac: {  	[dreg:$0x1] =	wrdreg $0xFFFFFFFF  }
0xad: {  	[dreg:$0x0] =	wrdreg $0x60  }
0xae: {  	[dreg:$0x2] =	wrdreg s24  }
0xaf: {  	[dreg:$0x3] =	wrdreg $0x0  }
0xb0: {  	[dreg:$0x4] =	wrdreg $0x9  }
0xb1: {  	_ =	task.clear_ibuf [dreg:s6], $0x5FFFF;
	_ =	strace $0x9000004C  }
0xb2: {  	s29 =	simm.s32 $0x9;
	_ =	strace $0x8000004E  }
0xb3: {  	_ =	swait.ge [sflag:s29], $0x1  }
0xb4: {  	[sflag:s29] =	ssyncadd.s32 $0xFFFFFFFF  }
0xb5: {  	_ =	strace $0x9000004E  }
0xb6: {  	_ =	sfence  }
0xb7: {  	s30 =	sld [smem:$0x0];
	_ =	sdelay $0x2  }
0xb8: {  	s31 =	sshll.u32 s1, $0xD;
	s1 =	sshrl.u32 s1, $0x2  }
0xb9: {  	s3 =	sand.u32 $0x4000, s31;
	s1 =	sadd.s32 s1, s30  }
0xba: {  	s0 =	sor.u32 s3, s0;
	s1 =	sshll.u32 s1, $0x11  }
0xbb: {  	s0 =	sor.u32 s1, s0  }
0xbc: {  	s0 =	sadd.s32 $0x8F2B, s0  }
0xbd: {  	[sflag:s0] =	ssyncadd.remote.s32 $0x1  }
0xbe: {  	_ =	sfence.sel $0xFFFF  }
0xbf: {  	[dreg:$0x0] =	wrdreg $0xFFFFFFFF;
	(pc) =	sbr.abs _section_cstart, $3  }
0xc0: {  	[dreg:$0x1] =	wrdreg $0xFFFFFFFF  }
0xc1: {  	_ =	task.clear_ibuf [dreg:s6], $0x2FFFF;
	_ =	strace $0x9FFFFFFF  }
0xc2: {  	(tm) =	ssettm $0x7FFFFFFF  }
0xc3: {  	_ =	shalt  }
tec
execute0_lowered:
.L_overlay_start_1:
0x0: {  	(tag) =	ssettag $0x1  }
0x1: {  	s0 =	rddreg [dreg:$0x0]  }
0x2: {  	s1 =	rddreg [dreg:$0x1]  }
0x3: {  	s2 =	simm.s32 $0x0;
	s6 =	srdreg.scid;
	s15 =	stileid.u32  }
0x4: {  	s28 =	simm.s32 $0x13900;
	s29 =	simm.s32 $0x13980;
	s30 =	simm.s32 $0x17A00  }
0x5: {  	s31 =	simm.s32 $0x17A80;
	[smem:$0x7FF] =	sst s2;
	s3 =	sadd.s32 $0x3E000, s0  }
0x6: {  	s4 =	sadd.s32 $0x3200, s0;
	s5 =	sadd.s32 $0xD000, s0;
	s6 =	sand.u32 $0x1, s6  }
0x7: {  	s14 =	sadd.s32 $0x16E00, s0;
	s0 =	sadd.s32 $0x65200, s0;
	s9 =	smul.u32 $0x4E000, s15  }
0x8: {  	s10 =	smul.u32 $0x2700, s15;
	s11 =	sshrl.u32 s15, $0x2;
	s12 =	sshll.u32 s15, $0x8  }
0x9: {  	s21 =	sadd.s32 $0x138000, s1;
	p2 =	seq.s32 s15, $0x0;
	p0 =	sne.s32 s15, $0x0  }
0xa: {  	_ =	strace $0x8000004D;
	s7 =	ssub.s32 $0x2, s6;
	s11 =	smul.u32 $0x13C00, s11  }
0xb: {  	s13 =	sshll.u32 s6, $0x7;
	s12 =	sand.u32 $0x300, s12;
	[dreg:$0x3] =	wrdreg s14  }
0xc: {  	[dreg:$0x6] =	wrdreg s21;
	s26 =	smul.u32 $0x138800, s6;
	p1 =	sne.s32 s6, $0x0  }
0xd: {  	s6 =	simm.s32 $0x1BB80;
	s8 =	sshrl.u32 s7, $0x1;
	s17 =	sshrl.u32 s9, $0x2  }
0xe: {  	s18 =	sor.u32 s13, s12;
	s19 =	sadd.s32 s14, s10;
	s22 =	sadd.s32 s3, s10  }
0xf: {  	s14 =	simm.s32 $0x1BC00;
	s7 =	ssub.s32 s7, s8;
	[dreg:$0x5] =	wrdreg s19  }
0x10: {  	s8 =	sadd.s32 s17, s1;
	s20 =	sor.u32 s11, s18;
	[dreg:$0x7] =	wrdreg s22  }
0x11: {  	s17 =	smul.u32 $0x13800, s15;
	s21 =	sor.u32 s12, s11;
	s11 =	simm.s32 $0x80  }
0x12: {  	s12 =	simm.s32 $0x17B00;
	s15 =	simm.s32 $0x1;
	[dreg:$0x4] =	wrdreg s8  }
0x13: {  	s23 =	sshrl.u32 s20, $0x3;
	s25 =	sadd.s32 $0x400, s20;
	s8 =	sadd.s32 $0x800, s20  }
0x14: {  	s20 =	sshrl.u32 s26, $0x3;
	s10 =	sor.u32 s13, s21;
	s7 =	smax.u32 s7, $0x1  }
0x15: {  	s13 =	simm.s32 $0x6;
	s24 =	sadd.s32 s4, s23;
	s9 =	sadd.s32 s5, s23  }
0x16: {  	s8 =	sshrl.u32 s8, $0x3;
	s19 =	sadd.s32 s17, s26;
	[dreg:$0x10] =	wrdreg s7  }
0x17: {  	s23 =	sadd.s32 $0x1400, s10;
	s26 =	sadd.s32 $0xC00, s10;
	[dreg:$0x8] =	wrdreg s24  }
0x18: {  	s7 =	simm.s32 $0x13A00;
	s17 =	simm.s32 $0x5;
	[dreg:$0x9] =	wrdreg s9  }
0x19: {  	s9 =	sshrl.u32 s25, $0x3;
	s18 =	sadd.s32 s4, s8;
	[dreg:$0x11] =	wrdreg s26  }
0x1a: {  	s8 =	sadd.s32 s5, s8;
	s24 =	sadd.s32 $0x1000, s10;
	[dreg:$0xc] =	wrdreg s18  }
0x1b: {  	s26 =	simm.s32 $0x7;
	s16 =	sadd.s32 s4, s9;
	[dreg:$0xd] =	wrdreg s8  }
0x1c: {  	s9 =	sadd.s32 s5, s9;
	s8 =	sshrl.u32 s19, $0x3;
	[dreg:$0xa] =	wrdreg s16  }
0x1d: {  	s25 =	sshrl.u32 s24, $0x3;
	s18 =	simm.s32 $0x0;
	[dreg:$0xb] =	wrdreg s9  }
.Ltmp0:
0x1e: {  	s9 =	sadd.s32 s0, s20;
	s0 =	sadd.s32 s0, s8;
	(pc) =	sbr.rel .LBB2_1-.Ltmp0, $4  }
0x1f: {  	s24 =	sadd.s32 s25, s4;
	s8 =	simm.s32 $0x4;
	s16 =	simm.s32 $0x3  }
0x20: {  	[dreg:$0xe] =	wrdreg s0;
	s22 =	sadd.s32 $0x27000, s9;
	s0 =	sshrl.u32 s23, $0x3  }
0x21: {  	s23 =	sadd.s32 s25, s5;
	s9 =	simm.s32 $0x2;
	[dreg:$0xf] =	wrdreg s22  }
0x22: {  	s21 =	sadd.s32 s0, s5;
	s22 =	sadd.s32 s0, s4;
	s0 =	simm.s32 $0x1BB00  }
.LBB2_8:
0x23: {  	_ =	swait.ge [sflag:s17], $0x4000  }
0x24: {  	[sflag:s17] =	ssyncset.done $0x0  }
0x25: {  	[sflag:s17] =	ssyncadd.s32 $0xFFFFC000  }
0x26: {  	[spmem:s1] =	stream.indirect.scatter.add.f32 [tilespmem:s14], [sflag:$0x7], $0x80, s6, s11, $0xb8;
	[tilespmem:$0x1FC00] =	vst v63  }
0x27: {  	_ =	swait.ge [sflag:s26], $0x4000  }
0x28: {  	[sflag:s26] =	ssyncset.done $0x0  }
0x29: {  	[sflag:s26] =	ssyncadd.s32 $0xFFFFC000  }
0x2a: {  	_ =	swait.ge [sflag:s15], $0x4000  }
0x2b: {  	[sflag:s15] =	ssyncset.done $0x0  }
0x2c: {  	[sflag:s15] =	ssyncadd.s32 $0xFFFFC000  }
0x2d: {  	[spmem:s1] =	stream.indirect.scatter.add.f32 [tilespmem:s7], [sflag:$0x7], $0x80, s29, s11, $0xb8;
	[tilespmem:$0x1FC00] =	vst v63  }
0x2e: {  	_ =	swait.ge [sflag:s26], $0x4000  }
0x2f: {  	[sflag:s26] =	ssyncset.done $0x0  }
0x30: {  	[sflag:s26] =	ssyncadd.s32 $0xFFFFC000  }
0x31: {  	[bflag:$0x0] =	sbarrier.arrive $0xFFFF  }
0x32: {  	s10 =	rddreg [dreg:$0x12]  }
0x33: {  	s19 =	rddreg [dreg:$0xe]  }
0x34: {  	s20 =	rddreg [dreg:$0x13];
	s10 =	sor.u32 $0x1C07, s10  }
0x35: {  	[hbm:s19], [sflag:s10] =	dma.local [spmem:s20], $0x2700  }
0x36: {  	_ =	swait.ge [sflag:s26], $0x2700  }
0x37: {  	[sflag:s26] =	ssyncset.done $0x0;
	s19 =	rddreg [dreg:$0x6]  }
0x38: {  	s20 =	rddreg [dreg:$0xf];
	[sflag:s26] =	ssyncadd.s32 $0xFFFFD900;
	s19 =	sshrl.u32 @!p0 s19, $0x3  }
0x39: {  	[hbm:s20], [sflag:s10] =	dma.local @!p0 [spmem:s19], $0x100  }
0x3a: {  	s10 =	simm.s32 @!p0 $0x7  }
0x3b: {  	_ =	swait.ge @!p0 [sflag:s10], $0x100  }
0x3c: {  	s18 =	sadd.s32 $0x1, s18;
	s25 =	rddreg [dreg:$0x10]  }
0x3d: {  	p3 =	sne.s32 s18, s25  }
.Ltmp1:
0x3e: {  	_ = 	snop;
	(pc) =	sbr.rel @!p3 .LBB2_9-.Ltmp1, $3  }
0x3f: {  	_ =	sdelay $0x1  }
0x40: {  	[sflag:s10] =	ssyncset.done @!p0 $0x0  }
0x41: {  	[sflag:s10] =	ssyncadd.s32 @!p0 $0xFFFFFF00  }
.LBB2_1:
.Ltmp2:
0x42: {  	(pc) =	sbr.rel @p1 .LBB2_3-.Ltmp2, $4  }
0x43: {  	s10 =	stileid.u32  }
0x44: {  	s25 =	rddreg [dreg:$0x4];
	s19 =	sshll.u32 s10, $0x6  }
0x45: {  	s20 =	sshrl.u32 s25, $0x3;
	[dreg:$0x12] =	wrdreg s19  }
0x46: {  	s10 =	sor.u32 $0x1C07, s19;
	[dreg:$0x13] =	wrdreg s20  }
0x47: {  	s10 =	sor.u32 $0x1C07, s19;
	s25 =	rddreg [dreg:$0x7]  }
0x48: {  	[spmem:s20], [sflag:s10] =	dma.local [hbm:s25], $0x2700  }
.Ltmp3:
0x49: {  	_ = 	snop;
	(pc) =	sbr.rel @!p2 .LBB2_5-.Ltmp3, $4  }
.Ltmp4:
0x4a: {  	_ = 	snop;
	(pc) =	sbr.rel @p2 .LBB2_4-.Ltmp4, $4  }
0x4b: {  	_ =	swait.ge [sflag:s26], $0x2700  }
0x4c: {  	[sflag:s26] =	ssyncset.done $0x0  }
0x4d: {  	s25 =	smov.u32 s3;
	[sflag:s26] =	ssyncadd.s32 $0xFFFFD900  }
0x4e: {  	_ = 	snop  }
.LBB2_3:
.Ltmp5:
0x4f: {  	s19 =	rddreg [dreg:$0x5];
	(pc) =	sbr.rel @p0 .LBB2_5-.Ltmp5, $4  }
0x50: {  	[spmem:s20], [sflag:s10] =	dma.local [hbm:s19], $0x2700  }
0x51: {  	_ =	swait.ge [sflag:s26], $0x2700  }
0x52: {  	[sflag:s26] =	ssyncset.done $0x0  }
0x53: {  	s25 =	rddreg [dreg:$0x3];
	[sflag:s26] =	ssyncadd.s32 $0xFFFFD900  }
.LBB2_4:
0x54: {  	s19 =	rddreg [dreg:$0x6]  }
0x55: {  	s25 =	sadd.s32 $0x27000, s25;
	s20 =	sshrl.u32 s19, $0x3  }
0x56: {  	[spmem:s20], [sflag:s10] =	dma.local [hbm:s25], $0x100  }
0x57: {  	_ =	swait.ge [sflag:s26], $0x100  }
0x58: {  	[sflag:s26] =	ssyncset.done $0x0  }
0x59: {  	[sflag:s26] =	ssyncadd.s32 $0xFFFFFF00  }
.LBB2_5:
0x5a: {  	[bflag:$0x0] =	sbarrier.arrive $0xFFFF  }
0x5b: {  	s25 =	simm.s32 $0x0;
	s10 =	rddreg [dreg:$0x8]  }
0x5c: {  	[tilespmem:s28], [sflag:$0x2] =	stream.linear.gather [hbm4b:s10+s25], $0x80, $0x38;
	[tilespmem:$0x1FC00] =	vst v63  }
0x5d: {  	s20 =	rddreg [dreg:$0x9]  }
0x5e: {  	[tilespmem:s29], [sflag:$0x2] =	stream.linear.gather [hbm4b:s20+s25], $0x80, $0x38;
	[tilespmem:$0x1FC00] =	vst v63  }
0x5f: {  	s19 =	rddreg [dreg:$0xa]  }
0x60: {  	[tilespmem:s30], [sflag:$0x4] =	stream.linear.gather [hbm4b:s19+s25], $0x80, $0x38;
	[tilespmem:$0x1FC00] =	vst v63  }
0x61: {  	s20 =	rddreg [dreg:$0xb]  }
0x62: {  	[tilespmem:s31], [sflag:$0x4] =	stream.linear.gather [hbm4b:s20+s25], $0x80, $0x38;
	[tilespmem:$0x1FC00] =	vst v63  }
0x63: {  	s19 =	rddreg [dreg:$0xc]  }
0x64: {  	[tilespmem:s0], [sflag:$0x6] =	stream.linear.gather [hbm4b:s19+s25], $0x80, $0x38;
	[tilespmem:$0x1FC00] =	vst v63  }
0x65: {  	s20 =	rddreg [dreg:$0xd]  }
0x66: {  	[tilespmem:s6], [sflag:$0x6] =	stream.linear.gather [hbm4b:s20+s25], $0x80, $0x38;
	[tilespmem:$0x1FC00] =	vst v63  }
0x67: {  	_ =	swait.ge [sflag:s9], $0x80  }
0x68: {  	[sflag:s9] =	ssyncset.done $0x0  }
0x69: {  	[sflag:s9] =	ssyncadd.s32 $0xFFFFFF80  }
0x6a: {  	_ =	swait.ge [sflag:s9], $0x80  }
0x6b: {  	[sflag:s9] =	ssyncset.done $0x0  }
0x6c: {  	[sflag:s9] =	ssyncadd.s32 $0xFFFFFF80  }
0x6d: {  	[tilespmem:s7], [sflag:$0x1] =	stream.indirect.gather [hbm4b:s3+s11], $0x80, s28, s11, $0xb8;
	[tilespmem:$0x1FC00] =	vst v63  }
0x6e: {  	_ =	swait.ge [sflag:s8], $0x80  }
0x6f: {  	[sflag:s8] =	ssyncset.done $0x0  }
0x70: {  	[sflag:s8] =	ssyncadd.s32 $0xFFFFFF80  }
0x71: {  	_ =	swait.ge [sflag:s8], $0x80  }
0x72: {  	[sflag:s8] =	ssyncset.done $0x0  }
0x73: {  	s10 =	rddreg [dreg:$0x11];
	[sflag:s8] =	ssyncadd.s32 $0xFFFFFF80  }
0x74: {  	[tilespmem:s12], [sflag:$0x3] =	stream.indirect.gather [hbm4b:s3+s11], $0x80, s30, s11, $0xb8;
	[tilespmem:$0x1FC00] =	vst v63  }
.LBB2_6:
0x75: {  	_ =	swait.ge [sflag:s13], $0x80  }
0x76: {  	[sflag:s13] =	ssyncset.done $0x0  }
0x77: {  	[sflag:s13] =	ssyncadd.s32 $0xFFFFFF80  }
0x78: {  	_ =	swait.ge [sflag:s13], $0x80  }
0x79: {  	[sflag:s13] =	ssyncset.done $0x0  }
0x7a: {  	[sflag:s13] =	ssyncadd.s32 $0xFFFFFF80  }
0x7b: {  	[tilespmem:s14], [sflag:$0x5] =	stream.indirect.gather [hbm4b:s3+s11], $0x80, s0, s11, $0xb8;
	[tilespmem:$0x1FC00] =	vst v63  }
0x7c: {  	_ =	swait.ge [sflag:s15], $0x4000  }
0x7d: {  	[sflag:s15] =	ssyncset.done $0x0  }
0x7e: {  	[sflag:s15] =	ssyncadd.s32 $0xFFFFC000  }
0x7f: {  	[spmem:s1] =	stream.indirect.scatter.add.f32 [tilespmem:s7], [sflag:$0x7], $0x80, s29, s11, $0xb8;
	[tilespmem:$0x1FC00] =	vst v63  }
0x80: {  	_ =	swait.ge [sflag:s26], $0x4000  }
0x81: {  	s20 =	sshrl.u32 s10, $0x3;
	[sflag:s26] =	ssyncset.done $0x0  }
0x82: {  	s19 =	sadd.s32 s4, s20;
	[sflag:s26] =	ssyncadd.s32 $0xFFFFC000  }
0x83: {  	[tilespmem:s28], [sflag:$0x2] =	stream.linear.gather [hbm4b:s19+s2], $0x80, $0x38;
	[tilespmem:$0x1FC00] =	vst v63  }
0x84: {  	s20 =	sadd.s32 s5, s20  }
0x85: {  	[tilespmem:s29], [sflag:$0x2] =	stream.linear.gather [hbm4b:s20+s2], $0x80, $0x38;
	[tilespmem:$0x1FC00] =	vst v63  }
0x86: {  	_ =	swait.ge [sflag:s9], $0x80  }
0x87: {  	[sflag:s9] =	ssyncset.done $0x0  }
0x88: {  	[sflag:s9] =	ssyncadd.s32 $0xFFFFFF80  }
0x89: {  	_ =	swait.ge [sflag:s9], $0x80  }
0x8a: {  	[sflag:s9] =	ssyncset.done $0x0  }
0x8b: {  	[sflag:s9] =	ssyncadd.s32 $0xFFFFFF80  }
0x8c: {  	[tilespmem:s7], [sflag:$0x1] =	stream.indirect.gather [hbm4b:s3+s11], $0x80, s28, s11, $0xb8;
	[tilespmem:$0x1FC00] =	vst v63  }
0x8d: {  	_ =	swait.ge [sflag:s16], $0x4000  }
0x8e: {  	p3 =	seq.s32 s25, $0x2580;
	[sflag:s16] =	ssyncset.done $0x0  }
.Ltmp6:
0x8f: {  	[sflag:s16] =	ssyncadd.s32 $0xFFFFC000;
	(pc) =	sbr.rel @p3 .LBB2_8-.Ltmp6, $4  }
0x90: {  	[spmem:s1] =	stream.indirect.scatter.add.f32 [tilespmem:s12], [sflag:$0x7], $0x80, s31, s11, $0xb8;
	[tilespmem:$0x1FC00] =	vst v63  }
0x91: {  	_ =	swait.ge [sflag:s26], $0x4000  }
0x92: {  	[sflag:s26] =	ssyncset.done $0x0  }
0x93: {  	[sflag:s26] =	ssyncadd.s32 $0xFFFFC000  }
0x94: {  	s19 =	sadd.s32 s25, s24  }
0x95: {  	[tilespmem:s30], [sflag:$0x4] =	stream.linear.gather [hbm4b:s19+s2], $0x80, $0x38;
	[tilespmem:$0x1FC00] =	vst v63  }
0x96: {  	s20 =	sadd.s32 s25, s23  }
0x97: {  	[tilespmem:s31], [sflag:$0x4] =	stream.linear.gather [hbm4b:s20+s2], $0x80, $0x38;
	[tilespmem:$0x1FC00] =	vst v63  }
0x98: {  	_ =	swait.ge [sflag:s8], $0x80  }
0x99: {  	[sflag:s8] =	ssyncset.done $0x0  }
0x9a: {  	[sflag:s8] =	ssyncadd.s32 $0xFFFFFF80  }
0x9b: {  	_ =	swait.ge [sflag:s8], $0x80  }
0x9c: {  	[sflag:s8] =	ssyncset.done $0x0  }
0x9d: {  	[sflag:s8] =	ssyncadd.s32 $0xFFFFFF80  }
0x9e: {  	[tilespmem:s12], [sflag:$0x3] =	stream.indirect.gather [hbm4b:s3+s11], $0x80, s30, s11, $0xb8;
	[tilespmem:$0x1FC00] =	vst v63  }
0x9f: {  	_ =	swait.ge [sflag:s17], $0x4000  }
0xa0: {  	[sflag:s17] =	ssyncset.done $0x0  }
0xa1: {  	[sflag:s17] =	ssyncadd.s32 $0xFFFFC000  }
0xa2: {  	[spmem:s1] =	stream.indirect.scatter.add.f32 [tilespmem:s14], [sflag:$0x7], $0x80, s6, s11, $0xb8;
	[tilespmem:$0x1FC00] =	vst v63  }
0xa3: {  	_ =	swait.ge [sflag:s26], $0x4000  }
.Ltmp7:
0xa4: {  	[sflag:s26] =	ssyncset.done $0x0;
	(pc) =	sbr.rel .LBB2_6-.Ltmp7, $4  }
0xa5: {  	s20 =	sadd.s32 s25, s22;
	[sflag:s26] =	ssyncadd.s32 $0xFFFFC000  }
0xa6: {  	[tilespmem:s0], [sflag:$0x6] =	stream.linear.gather [hbm4b:s20+s2], $0x80, $0x38;
	[tilespmem:$0x1FC00] =	vst v63  }
0xa7: {  	s10 =	sadd.s32 $0xC00, s10;
	s20 =	sadd.s32 s25, s21;
	s25 =	sadd.s32 $0x180, s25  }
0xa8: {  	[tilespmem:s6], [sflag:$0x6] =	stream.linear.gather [hbm4b:s20+s2], $0x80, $0x38;
	[tilespmem:$0x1FC00] =	vst v63  }
.LBB2_9:
0xa9: {  	_ =	sfence.sel $0x180000  }
0xaa: {  	[bflag:$0x0] =	sbarrier.arrive $0xFFFF  }
0xab: {  	_ =	strace $0x9000004D  }
0xac: {  	[bflag:$0x2] =	sbarrier.arrive $0xFFFF  }
0xad: {  	s0 =	rddreg [dreg:$0x2]  }
0xae: {  	s0 =	sadd.s32 @!p0 $0x100000, s0  }
0xaf: {  	[sflag:s0] =	ssyncadd.tile.s32 @!p0 $0x1;
	_ =	shalt  }
.Lfunc_end2:
_tile_overlayer_lowered:
.L_overlay_start_2:
0xb0: {  	(tag) =	ssettag $0x2  }
0xb1: {  	s0 =	rddreg [dreg:$0x0];
	s2 =	stileid.u32  }
0xb2: {  	s1 =	rddreg [dreg:$0x1];
	p0 =	sne.s32 s2, $0x0  }
0xb3: {  	s3 =	rddreg [dreg:$0x2];
	[bflag:$0x3] =	sbarrier.arrive $0xFFFF;
	s2 =	simm.s32 @!p0 $0x1C07  }
0xb4: {  	[timem:s3], [sflag:s2] =	dma.local @!p0 [hbm:s0], s1  }
0xb5: {  	s0 =	simm.s32 @!p0 $0x7  }
0xb6: {  	_ =	swait.ge @!p0 [sflag:s0], s1  }
0xb7: {  	s1 =	ssub.s32 @!p0 $0x0, s1;
	[sflag:s0] =	ssyncset.done @!p0 $0x0  }
0xb8: {  	[sflag:s0] =	ssyncadd.s32 @!p0 s1  }
0xb9: {  	[bflag:$0x3] =	sbarrier.arrive $0xFFFF  }
0xba: {  	_ =	shalt  }

// kernel: kernel.9.cloned.1.call-start
scs
__scs_entry_jumppad:
0x0: {  	(pc) =	sbr.rel $0x88, $3  }
0x1: {  	(tag) =	ssettag $0x0;
	lr =	simm.s32 $0x1  }
0x2: {  	[smem:$0x3F8E] =	sst lr;
	_ =	strace $0xD0000000  }
0x3: {  	_ = 	snop  }
0x4: {  	_ = 	snop  }
0x5: {  	_ = 	snop  }
0x6: {  	_ = 	snop  }
0x7: {  	_ = 	snop  }
__scs_overlays_trampoline_lowered:
0x8: {  	[smem:$0x3F9D] =	sst s0  }
0x9: {  	[smem:$0x3F9E] =	sst s1  }
0xa: {  	[smem:$0x3F9F] =	sst s2  }
0xb: {  	[smem:$0x3FA0] =	sst s3  }
0xc: {  	[smem:$0x3FA1] =	sst s4  }
0xd: {  	[smem:$0x3FA2] =	sst s5  }
0xe: {  	[smem:$0x3FA3] =	sst s6  }
0xf: {  	[smem:$0x3FA4] =	sst s7  }
0x10: {  	[smem:$0x3FA5] =	sst s8  }
0x11: {  	[smem:$0x3FA6] =	sst s9;
	s0 =	simm.s32 @!p0 $0x0  }
0x12: {  	s1 =	sld [smem:$0x3F8C];
	s0 =	simm.s32 @p0 $0x1  }
0x13: {  	[smem:$0x3FA7] =	sst s0;
	s0 =	simm.s32 @!p1 $0x0  }
0x14: {  	s2 =	sld [smem:$0x3F8B];
	s0 =	simm.s32 @p1 $0x1  }
0x15: {  	[smem:$0x3FA8] =	sst s0;
	s0 =	simm.s32 @!p2 $0x0  }
0x16: {  	s3 =	sld [smem:$0x3FDB];
	s0 =	simm.s32 @p2 $0x1  }
0x17: {  	s4 =	simm.s32 $0x1BF5;
	[smem:$0x3FAA] =	sst s0  }
0x18: {  	s0 =	sld [smem:$0x3F8D];
	_ =	swait.ge [sflag:s4], $0x0  }
0x19: {  	s7 =	sld [smem:$0x3F8E]  }
0x1a: {  	s8 =	sadd.s32 $0xFFFFE003, lr  }
0x1b: {  	s9 =	sadd.s32 $0xFFFFFEF7, lr;
	s5 =	simm.s32 $0xFFFFFFFF;
	p2 =	slt.u32 s8, $0xFFFFF086  }
0x1c: {  	p1 =	slt.u32 s9, $0xF7A;
	s5 =	simm.s32 @!p2 $0x0  }
0x1d: {  	s5 =	simm.s32 @p1 $0x1;
	p0 =	seq.s32 s7, s2  }
0x1e: {  	s7 =	smul.u32 @!p0 $0xF7A, s2;
	p2 =	seq.s32 @!p0 s5, $0x0  }
0x1f: {  	s9 =	smul.u32 $0xF7A, s1;
	s8 =	simm.s32 @!p0 $0x1BF5;
	p2 =	por !p2, p0  }
0x20: {  	[sflag:s8] =	ssyncset.s32 @!p0 $0xFFFFF086;
	s6 =	sadd.s32 @!p0 s3, s7;
	s7 =	simm.s32 @!p0 $0x108  }
0x21: {  	s3 =	sadd.s32 s3, s9;
	s6 =	sadd.s32 @!p0 $0x88, s6;
	s7 =	simm.s32 @p2 $0x1082  }
0x22: {  	[simem:s7], [sflag:s8] =	dma.local @!p0 [hbm:s6], $0xF7A  }
0x23: {  	s9 =	sor.u32 $0xD0000000, s2;
	s6 =	simm.s32 $0x108;
	_ =	swait.ge @!p0 [sflag:s8], $0x0  }
0x24: {  	s3 =	sadd.s32 $0x88, s3;
	s6 =	simm.s32 @!p1 $0x1082;
	[sflag:s4] =	ssyncset.s32 $0xFFFFF086  }
0x25: {  	[simem:s6], [sflag:s4] =	dma.local [hbm:s3], $0xF7A  }
0x26: {  	[smem:$0x3F8E] =	sst s1;
	(tag) =	ssettag s2;
	_ =	strace s9  }
0x27: {  	s1 =	sld [smem:$0x3F9E]  }
0x28: {  	s2 =	sld [smem:$0x3F9F]  }
0x29: {  	s4 =	sld [smem:$0x3FA1]  }
0x2a: {  	p0 =	seq.s32 s5, $0x0;
	s5 =	sld [smem:$0x3FA2]  }
0x2b: {  	s6 =	sld [smem:$0x3FA3]  }
0x2c: {  	s7 =	sld [smem:$0x3FA4]  }
0x2d: {  	s3 =	simm.s32 $0x108;
	s8 =	sld [smem:$0x3FA5]  }
0x2e: {  	s3 =	simm.s32 @!p0 $0x1082;
	s9 =	sld [smem:$0x3FA6]  }
0x2f: {  	lr =	sadd.s32 s0, s3;
	s0 =	sld [smem:$0x3F9D]  }
0x30: {  	s3 =	sld [smem:$0x3FA0]  }
0x31: {  	[smem:$0x3FA9] =	sst s10  }
0x32: {  	s10 =	sld [smem:$0x3FA7];
	_ =	sdelay $0x3  }
0x33: {  	p0 =	seq.s32 s10, $0x1;
	s10 =	sld [smem:$0x3FA9];
	_ =	sdelay $0x3  }
0x34: {  	[smem:$0x3FA9] =	sst s10  }
0x35: {  	s10 =	sld [smem:$0x3FA8];
	_ =	sdelay $0x3  }
0x36: {  	p1 =	seq.s32 s10, $0x1;
	s10 =	sld [smem:$0x3FA9];
	_ =	sdelay $0x3  }
0x37: {  	[smem:$0x3FA9] =	sst s10  }
0x38: {  	s10 =	sld [smem:$0x3FAA]  }
0x39: {  	_ = 	snop;
	(pc) =	sbr.ind lr, $3  }
0x3a: {  	_ = 	snop  }
0x3b: {  	_ = 	snop  }
0x3c: {  	p2 =	seq.s32 s10, $0x1;
	s10 =	sld [smem:$0x3FA9]  }
0x3d: {  	_ =	shalt  }
0x3e: {  	_ =	shalt  }
0x3f: {  	_ =	shalt  }
0x40: {  	_ =	shalt  }
0x41: {  	_ =	shalt  }
0x42: {  	_ =	shalt  }
0x43: {  	_ =	shalt  }
0x44: {  	_ =	shalt  }
0x45: {  	_ =	shalt  }
0x46: {  	_ =	shalt  }
0x47: {  	_ =	shalt  }
0x48: {  	_ =	shalt  }
0x49: {  	_ =	shalt  }
0x4a: {  	_ =	shalt  }
0x4b: {  	_ =	shalt  }
0x4c: {  	_ =	shalt  }
0x4d: {  	_ =	shalt  }
0x4e: {  	_ =	shalt  }
0x4f: {  	_ =	shalt  }
0x50: {  	_ =	shalt  }
0x51: {  	_ =	shalt  }
0x52: {  	_ =	shalt  }
0x53: {  	_ =	shalt  }
0x54: {  	_ =	shalt  }
0x55: {  	_ =	shalt  }
0x56: {  	_ =	shalt  }
0x57: {  	_ =	shalt  }
0x58: {  	_ =	shalt  }
0x59: {  	_ =	shalt  }
0x5a: {  	_ =	shalt  }
0x5b: {  	_ =	shalt  }
0x5c: {  	_ =	shalt  }
0x5d: {  	_ =	shalt  }
0x5e: {  	_ =	shalt  }
0x5f: {  	_ =	shalt  }
0x60: {  	_ =	shalt  }
0x61: {  	_ =	shalt  }
0x62: {  	_ =	shalt  }
0x63: {  	_ =	shalt  }
0x64: {  	_ =	shalt  }
0x65: {  	_ =	shalt  }
0x66: {  	_ =	shalt  }
0x67: {  	_ =	shalt  }
0x68: {  	_ =	shalt  }
0x69: {  	_ =	shalt  }
0x6a: {  	_ =	shalt  }
0x6b: {  	_ =	shalt  }
0x6c: {  	_ =	shalt  }
0x6d: {  	_ =	shalt  }
0x6e: {  	_ =	shalt  }
0x6f: {  	_ =	shalt  }
0x70: {  	_ =	shalt  }
0x71: {  	_ =	shalt  }
0x72: {  	_ =	shalt  }
0x73: {  	_ =	shalt  }
0x74: {  	_ =	shalt  }
0x75: {  	_ =	shalt  }
0x76: {  	_ =	shalt  }
0x77: {  	_ =	shalt  }
0x78: {  	_ =	shalt  }
0x79: {  	_ =	shalt  }
0x7a: {  	_ =	shalt  }
0x7b: {  	_ =	shalt  }
0x7c: {  	_ =	shalt  }
0x7d: {  	_ =	shalt  }
0x7e: {  	_ =	shalt  }
0x7f: {  	_ =	shalt  }
0x80: {  	_ =	shalt  }
0x81: {  	_ =	shalt  }
0x82: {  	_ =	shalt  }
0x83: {  	_ =	shalt  }
0x84: {  	_ =	shalt  }
0x85: {  	_ =	shalt  }
0x86: {  	_ =	shalt  }
0x87: {  	_ =	shalt  }
.Lfunc_end0:
.L_simem_size_0:
called_computation_lowered:
.L_overlay_start_0:
0x88: {  	s2 =	sld [smem:$0x3FD9]  }
0x89: {  	s3 =	sld [smem:$0x3FFE];
	_ =	sdelay $0x1  }
0x8a: {  	s1 =	srdreg.scid  }
0x8b: {  	s0 =	sand.u32 $0x1, s1  }
0x8c: {  	s17 =	sshll.u32 s0, $0xA;
	s2 =	sadd.s32 s3, s2  }
0x8d: {  	s2 =	sadd.s32 s2, s17  }
0x8e: {  	[smem:$0x3FB5] =	sst s2  }
0x8f: {  	_ = 	snop  }
0x90: {  	s2 =	sld [smem:$0x3FC9];
	(tm) =	ssettm $0x1  }
0x91: {  	s18 =	sld [smem:$0x3FFB];
	_ =	sdelay $0x3  }
0x92: {  	_ =	strace s18  }
0x93: {  	s3 =	sld [smem:$0x3FFC];
	_ =	sdelay $0x3  }
0x94: {  	_ =	strace s3  }
0x95: {  	s3 =	sld [smem:$0x3FFD];
	_ =	sdelay $0x3  }
0x96: {  	_ =	strace s3  }
0x97: {  	_ =	strace $0x8FFFFFFF  }
0x98: {  	s19 =	sld [smem:$0x3FDB];
	_ =	sdelay $0x1  }
0x99: {  	s4 =	simm.s32 $_scs_section_size  }
0x9a: {  	s5 =	simm.s32 $_size__tile_overlayer_lowered;
	s6 =	simm.s32 $_tile_overlayer_lowered  }
0x9b: {  	s22 =	simm.s32 $0x1BFF;
	s21 =	sshll.u32 s6, $0x1;
	s3 =	sadd.s32 s4, s19  }
0x9c: {  	s7 =	simm.s32 $0x0;
	s20 =	sshll.u32 s5, $0x1;
	s5 =	sadd.s32 s21, s3  }
0x9d: {  	[timem:s7], [sflag:s22] =	dma.local [hbm:s5], s20  }
0x9e: {  	_ =	swait.ge [sflag:s22], s20  }
0x9f: {  	s4 =	ssub.s32 $0x0, s20;
	[sflag:s22] =	ssyncset.done $0x0  }
0xa0: {  	[sflag:s22] =	ssyncadd.s32 s4;
	_ =	sdelay $0x1  }
0xa1: {  	s23 =	simm.s32 $0x1B8B  }
0xa2: {  	_ =	swait.ge [sflag:s23], $0x1  }
0xa3: {  	[sflag:s23] =	ssyncset.done $0x0  }
0xa4: {  	s25 =	simm.s32 $0x1B8E;
	s24 =	sld [smem:$0x3FFE];
	[sflag:s23] =	ssyncadd.s32 $0xFFFFFFFF  }
0xa5: {  	s26 =	simm.s32 $execute0_lowered;
	[smem:$0x3FD2] =	sst s25  }
0xa6: {  	s5 =	sshll.u32 s26, $0x1;
	_ =	strace $0x80000046;
	[dreg:$0x1] =	wrdreg $0xFFFFFFFF  }
0xa7: {  	s28 =	simm.s32 $_size_execute0_lowered;
	s3 =	sadd.s32 s3, s5;
	[dreg:$0x0] =	wrdreg $0x0  }
0xa8: {  	s5 =	sshll.u32 s28, $0x1;
	[dreg:$0x2] =	wrdreg s3  }
0xa9: {  	[dreg:$0x3] =	wrdreg s5  }
0xaa: {  	[dreg:$0x4] =	wrdreg $0xC0  }
0xab: {  	_ =	task [dreg:s7], $0x5FFFF  }
0xac: {  	[dreg:$0x1] =	wrdreg $0xFFFFFFFF  }
0xad: {  	[dreg:$0x0] =	wrdreg $0x60  }
0xae: {  	[dreg:$0x2] =	wrdreg s2  }
0xaf: {  	[dreg:$0x3] =	wrdreg s24  }
0xb0: {  	[dreg:$0x4] =	wrdreg $0x0  }
0xb1: {  	[dreg:$0x5] =	wrdreg $0x9  }
0xb2: {  	_ =	task.clear_ibuf [dreg:s7], $0x6FFFF;
	_ =	strace $0x90000046  }
0xb3: {  	s29 =	simm.s32 $0x9;
	_ =	strace $0x80000048  }
0xb4: {  	_ =	swait.ge [sflag:s29], $0x1  }
0xb5: {  	[sflag:s29] =	ssyncadd.s32 $0xFFFFFFFF  }
0xb6: {  	_ =	strace $0x90000048  }
0xb7: {  	_ =	sfence  }
0xb8: {  	s30 =	sld [smem:$0x0];
	_ =	sdelay $0x2  }
0xb9: {  	s31 =	sshll.u32 s1, $0xD;
	s1 =	sshrl.u32 s1, $0x2  }
0xba: {  	s3 =	sand.u32 $0x4000, s31;
	s1 =	sadd.s32 s1, s30  }
0xbb: {  	s0 =	sor.u32 s3, s0;
	s1 =	sshll.u32 s1, $0x11  }
0xbc: {  	s0 =	sor.u32 s1, s0  }
0xbd: {  	s0 =	sadd.s32 $0x8F2B, s0  }
0xbe: {  	[sflag:s0] =	ssyncadd.remote.s32 $0x1  }
0xbf: {  	_ =	sfence.sel $0xFFFF  }
0xc0: {  	[dreg:$0x0] =	wrdreg $0xFFFFFFFF;
	(pc) =	sbr.abs _section_cstart, $3  }
0xc1: {  	[dreg:$0x1] =	wrdreg $0xFFFFFFFF  }
0xc2: {  	_ =	task.clear_ibuf [dreg:s7], $0x2FFFF;
	_ =	strace $0x9FFFFFFF  }
0xc3: {  	(tm) =	ssettm $0x7FFFFFFF  }
tec
execute0_lowered:
.L_overlay_start_1:
0x0: {  	(tag) =	ssettag $0x1  }
0x1: {  	s1 =	rddreg [dreg:$0x0]  }
0x2: {  	s0 =	rddreg [dreg:$0x1]  }
0x3: {  	s2 =	rddreg [dreg:$0x2];
	s3 =	simm.s32 $0x0;
	s6 =	srdreg.scid  }
0x4: {  	s15 =	stileid.u32;
	s28 =	simm.s32 $0x13900;
	s29 =	simm.s32 $0x13980  }
0x5: {  	s30 =	simm.s32 $0x17A00;
	s31 =	simm.s32 $0x17A80;
	[smem:$0x7FF] =	sst s3  }
0x6: {  	s4 =	sadd.s32 $0x3200, s0;
	s5 =	sadd.s32 $0xD000, s0;
	s6 =	sand.u32 $0x1, s6  }
0x7: {  	s14 =	sadd.s32 $0x16E00, s0;
	s0 =	sadd.s32 $0x3E000, s0;
	s9 =	smul.u32 $0x4E000, s15  }
0x8: {  	s10 =	smul.u32 $0x2700, s15;
	s11 =	sshrl.u32 s15, $0x2;
	s12 =	sshll.u32 s15, $0x8  }
0x9: {  	s21 =	sadd.s32 $0x138000, s2;
	p2 =	seq.s32 s15, $0x0;
	p0 =	sne.s32 s15, $0x0  }
0xa: {  	_ =	strace $0x80000047;
	s7 =	ssub.s32 $0x2, s6;
	s11 =	smul.u32 $0x13C00, s11  }
0xb: {  	s13 =	sshll.u32 s6, $0x7;
	s12 =	sand.u32 $0x300, s12;
	[dreg:$0x4] =	wrdreg s14  }
0xc: {  	[dreg:$0x7] =	wrdreg s21;
	s26 =	smul.u32 $0x138800, s6;
	p1 =	sne.s32 s6, $0x0  }
0xd: {  	s6 =	simm.s32 $0x1BB80;
	s8 =	sshrl.u32 s7, $0x1;
	s17 =	sshrl.u32 s9, $0x2  }
0xe: {  	s18 =	sor.u32 s13, s12;
	s19 =	sadd.s32 s14, s10;
	s22 =	sadd.s32 s1, s10  }
0xf: {  	s14 =	simm.s32 $0x1BC00;
	s7 =	ssub.s32 s7, s8;
	[dreg:$0x6] =	wrdreg s19  }
0x10: {  	s8 =	sadd.s32 s17, s2;
	s20 =	sor.u32 s11, s18;
	[dreg:$0x8] =	wrdreg s22  }
0x11: {  	s17 =	smul.u32 $0x13800, s15;
	s21 =	sor.u32 s12, s11;
	s11 =	simm.s32 $0x80  }
0x12: {  	s12 =	simm.s32 $0x17B00;
	s15 =	simm.s32 $0x1;
	[dreg:$0x5] =	wrdreg s8  }
0x13: {  	s23 =	sshrl.u32 s20, $0x3;
	s25 =	sadd.s32 $0x400, s20;
	s8 =	sadd.s32 $0x800, s20  }
0x14: {  	s20 =	sshrl.u32 s26, $0x3;
	s10 =	sor.u32 s13, s21;
	s7 =	smax.u32 s7, $0x1  }
0x15: {  	s13 =	simm.s32 $0x6;
	s24 =	sadd.s32 s4, s23;
	s9 =	sadd.s32 s5, s23  }
0x16: {  	s8 =	sshrl.u32 s8, $0x3;
	s19 =	sadd.s32 s17, s26;
	[dreg:$0x11] =	wrdreg s7  }
0x17: {  	s23 =	sadd.s32 $0x1400, s10;
	s26 =	sadd.s32 $0xC00, s10;
	[dreg:$0x9] =	wrdreg s24  }
0x18: {  	s7 =	simm.s32 $0x13A00;
	s17 =	simm.s32 $0x5;
	[dreg:$0xa] =	wrdreg s9  }
0x19: {  	s9 =	sshrl.u32 s25, $0x3;
	s18 =	sadd.s32 s4, s8;
	[dreg:$0x12] =	wrdreg s26  }
0x1a: {  	s8 =	sadd.s32 s5, s8;
	s24 =	sadd.s32 $0x1000, s10;
	[dreg:$0xd] =	wrdreg s18  }
0x1b: {  	s26 =	simm.s32 $0x7;
	s16 =	sadd.s32 s4, s9;
	[dreg:$0xe] =	wrdreg s8  }
0x1c: {  	s9 =	sadd.s32 s5, s9;
	s8 =	sshrl.u32 s19, $0x3;
	[dreg:$0xb] =	wrdreg s16  }
0x1d: {  	s25 =	sshrl.u32 s24, $0x3;
	s18 =	simm.s32 $0x0;
	[dreg:$0xc] =	wrdreg s9  }
.Ltmp0:
0x1e: {  	s9 =	sadd.s32 s0, s20;
	s0 =	sadd.s32 s0, s8;
	(pc) =	sbr.rel .LBB2_1-.Ltmp0, $4  }
0x1f: {  	s24 =	sadd.s32 s25, s4;
	s8 =	simm.s32 $0x4;
	s16 =	simm.s32 $0x3  }
0x20: {  	[dreg:$0xf] =	wrdreg s0;
	s22 =	sadd.s32 $0x27000, s9;
	s0 =	sshrl.u32 s23, $0x3  }
0x21: {  	s23 =	sadd.s32 s25, s5;
	s9 =	simm.s32 $0x2;
	[dreg:$0x10] =	wrdreg s22  }
0x22: {  	s21 =	sadd.s32 s0, s5;
	s22 =	sadd.s32 s0, s4;
	s0 =	simm.s32 $0x1BB00  }
.LBB2_8:
0x23: {  	_ =	swait.ge [sflag:s17], $0x4000  }
0x24: {  	[sflag:s17] =	ssyncset.done $0x0  }
0x25: {  	[sflag:s17] =	ssyncadd.s32 $0xFFFFC000  }
0x26: {  	[spmem:s2] =	stream.indirect.scatter.add.f32 [tilespmem:s14], [sflag:$0x7], $0x80, s6, s11, $0xb8;
	[tilespmem:$0x1FC00] =	vst v63  }
0x27: {  	_ =	swait.ge [sflag:s26], $0x4000  }
0x28: {  	[sflag:s26] =	ssyncset.done $0x0  }
0x29: {  	[sflag:s26] =	ssyncadd.s32 $0xFFFFC000  }
0x2a: {  	_ =	swait.ge [sflag:s15], $0x4000  }
0x2b: {  	[sflag:s15] =	ssyncset.done $0x0  }
0x2c: {  	[sflag:s15] =	ssyncadd.s32 $0xFFFFC000  }
0x2d: {  	[spmem:s2] =	stream.indirect.scatter.add.f32 [tilespmem:s7], [sflag:$0x7], $0x80, s29, s11, $0xb8;
	[tilespmem:$0x1FC00] =	vst v63  }
0x2e: {  	_ =	swait.ge [sflag:s26], $0x4000  }
0x2f: {  	[sflag:s26] =	ssyncset.done $0x0  }
0x30: {  	[sflag:s26] =	ssyncadd.s32 $0xFFFFC000  }
0x31: {  	[bflag:$0x0] =	sbarrier.arrive $0xFFFF  }
0x32: {  	s10 =	rddreg [dreg:$0x13]  }
0x33: {  	s19 =	rddreg [dreg:$0xf]  }
0x34: {  	s20 =	rddreg [dreg:$0x14];
	s10 =	sor.u32 $0x1C07, s10  }
0x35: {  	[hbm:s19], [sflag:s10] =	dma.local [spmem:s20], $0x2700  }
0x36: {  	_ =	swait.ge [sflag:s26], $0x2700  }
0x37: {  	[sflag:s26] =	ssyncset.done $0x0;
	s19 =	rddreg [dreg:$0x7]  }
0x38: {  	s20 =	rddreg [dreg:$0x10];
	[sflag:s26] =	ssyncadd.s32 $0xFFFFD900;
	s19 =	sshrl.u32 @!p0 s19, $0x3  }
0x39: {  	[hbm:s20], [sflag:s10] =	dma.local @!p0 [spmem:s19], $0x100  }
0x3a: {  	s10 =	simm.s32 @!p0 $0x7  }
0x3b: {  	_ =	swait.ge @!p0 [sflag:s10], $0x100  }
0x3c: {  	s18 =	sadd.s32 $0x1, s18;
	s25 =	rddreg [dreg:$0x11]  }
0x3d: {  	p3 =	sne.s32 s18, s25  }
.Ltmp1:
0x3e: {  	_ = 	snop;
	(pc) =	sbr.rel @!p3 .LBB2_9-.Ltmp1, $3  }
0x3f: {  	_ =	sdelay $0x1  }
0x40: {  	[sflag:s10] =	ssyncset.done @!p0 $0x0  }
0x41: {  	[sflag:s10] =	ssyncadd.s32 @!p0 $0xFFFFFF00  }
.LBB2_1:
.Ltmp2:
0x42: {  	(pc) =	sbr.rel @p1 .LBB2_3-.Ltmp2, $4  }
0x43: {  	s10 =	stileid.u32  }
0x44: {  	s25 =	rddreg [dreg:$0x5];
	s19 =	sshll.u32 s10, $0x6  }
0x45: {  	s20 =	sshrl.u32 s25, $0x3;
	[dreg:$0x13] =	wrdreg s19  }
0x46: {  	s10 =	sor.u32 $0x1C07, s19;
	[dreg:$0x14] =	wrdreg s20  }
0x47: {  	s10 =	sor.u32 $0x1C07, s19;
	s25 =	rddreg [dreg:$0x8]  }
0x48: {  	[spmem:s20], [sflag:s10] =	dma.local [hbm:s25], $0x2700  }
.Ltmp3:
0x49: {  	_ = 	snop;
	(pc) =	sbr.rel @!p2 .LBB2_5-.Ltmp3, $4  }
.Ltmp4:
0x4a: {  	_ = 	snop;
	(pc) =	sbr.rel @p2 .LBB2_4-.Ltmp4, $4  }
0x4b: {  	_ =	swait.ge [sflag:s26], $0x2700  }
0x4c: {  	[sflag:s26] =	ssyncset.done $0x0  }
0x4d: {  	s25 =	smov.u32 s1;
	[sflag:s26] =	ssyncadd.s32 $0xFFFFD900  }
0x4e: {  	_ = 	snop  }
.LBB2_3:
.Ltmp5:
0x4f: {  	s19 =	rddreg [dreg:$0x6];
	(pc) =	sbr.rel @p0 .LBB2_5-.Ltmp5, $4  }
0x50: {  	[spmem:s20], [sflag:s10] =	dma.local [hbm:s19], $0x2700  }
0x51: {  	_ =	swait.ge [sflag:s26], $0x2700  }
0x52: {  	[sflag:s26] =	ssyncset.done $0x0  }
0x53: {  	s25 =	rddreg [dreg:$0x4];
	[sflag:s26] =	ssyncadd.s32 $0xFFFFD900  }
.LBB2_4:
0x54: {  	s19 =	rddreg [dreg:$0x7]  }
0x55: {  	s25 =	sadd.s32 $0x27000, s25;
	s20 =	sshrl.u32 s19, $0x3  }
0x56: {  	[spmem:s20], [sflag:s10] =	dma.local [hbm:s25], $0x100  }
0x57: {  	_ =	swait.ge [sflag:s26], $0x100  }
0x58: {  	[sflag:s26] =	ssyncset.done $0x0  }
0x59: {  	[sflag:s26] =	ssyncadd.s32 $0xFFFFFF00  }
.LBB2_5:
0x5a: {  	[bflag:$0x0] =	sbarrier.arrive $0xFFFF  }
0x5b: {  	s25 =	simm.s32 $0x0;
	s10 =	rddreg [dreg:$0x9]  }
0x5c: {  	[tilespmem:s28], [sflag:$0x2] =	stream.linear.gather [hbm4b:s10+s25], $0x80, $0x38;
	[tilespmem:$0x1FC00] =	vst v63  }
0x5d: {  	s20 =	rddreg [dreg:$0xa]  }
0x5e: {  	[tilespmem:s29], [sflag:$0x2] =	stream.linear.gather [hbm4b:s20+s25], $0x80, $0x38;
	[tilespmem:$0x1FC00] =	vst v63  }
0x5f: {  	s19 =	rddreg [dreg:$0xb]  }
0x60: {  	[tilespmem:s30], [sflag:$0x4] =	stream.linear.gather [hbm4b:s19+s25], $0x80, $0x38;
	[tilespmem:$0x1FC00] =	vst v63  }
0x61: {  	s20 =	rddreg [dreg:$0xc]  }
0x62: {  	[tilespmem:s31], [sflag:$0x4] =	stream.linear.gather [hbm4b:s20+s25], $0x80, $0x38;
	[tilespmem:$0x1FC00] =	vst v63  }
0x63: {  	s19 =	rddreg [dreg:$0xd]  }
0x64: {  	[tilespmem:s0], [sflag:$0x6] =	stream.linear.gather [hbm4b:s19+s25], $0x80, $0x38;
	[tilespmem:$0x1FC00] =	vst v63  }
0x65: {  	s20 =	rddreg [dreg:$0xe]  }
0x66: {  	[tilespmem:s6], [sflag:$0x6] =	stream.linear.gather [hbm4b:s20+s25], $0x80, $0x38;
	[tilespmem:$0x1FC00] =	vst v63  }
0x67: {  	_ =	swait.ge [sflag:s9], $0x80  }
0x68: {  	[sflag:s9] =	ssyncset.done $0x0  }
0x69: {  	[sflag:s9] =	ssyncadd.s32 $0xFFFFFF80  }
0x6a: {  	_ =	swait.ge [sflag:s9], $0x80  }
0x6b: {  	[sflag:s9] =	ssyncset.done $0x0  }
0x6c: {  	[sflag:s9] =	ssyncadd.s32 $0xFFFFFF80  }
0x6d: {  	[tilespmem:s7], [sflag:$0x1] =	stream.indirect.gather [hbm4b:s1+s11], $0x80, s28, s11, $0xb8;
	[tilespmem:$0x1FC00] =	vst v63  }
0x6e: {  	_ =	swait.ge [sflag:s8], $0x80  }
0x6f: {  	[sflag:s8] =	ssyncset.done $0x0  }
0x70: {  	[sflag:s8] =	ssyncadd.s32 $0xFFFFFF80  }
0x71: {  	_ =	swait.ge [sflag:s8], $0x80  }
0x72: {  	[sflag:s8] =	ssyncset.done $0x0  }
0x73: {  	s10 =	rddreg [dreg:$0x12];
	[sflag:s8] =	ssyncadd.s32 $0xFFFFFF80  }
0x74: {  	[tilespmem:s12], [sflag:$0x3] =	stream.indirect.gather [hbm4b:s1+s11], $0x80, s30, s11, $0xb8;
	[tilespmem:$0x1FC00] =	vst v63  }
.LBB2_6:
0x75: {  	_ =	swait.ge [sflag:s13], $0x80  }
0x76: {  	[sflag:s13] =	ssyncset.done $0x0  }
0x77: {  	[sflag:s13] =	ssyncadd.s32 $0xFFFFFF80  }
0x78: {  	_ =	swait.ge [sflag:s13], $0x80  }
0x79: {  	[sflag:s13] =	ssyncset.done $0x0  }
0x7a: {  	[sflag:s13] =	ssyncadd.s32 $0xFFFFFF80  }
0x7b: {  	[tilespmem:s14], [sflag:$0x5] =	stream.indirect.gather [hbm4b:s1+s11], $0x80, s0, s11, $0xb8;
	[tilespmem:$0x1FC00] =	vst v63  }
0x7c: {  	_ =	swait.ge [sflag:s15], $0x4000  }
0x7d: {  	[sflag:s15] =	ssyncset.done $0x0  }
0x7e: {  	[sflag:s15] =	ssyncadd.s32 $0xFFFFC000  }
0x7f: {  	[spmem:s2] =	stream.indirect.scatter.add.f32 [tilespmem:s7], [sflag:$0x7], $0x80, s29, s11, $0xb8;
	[tilespmem:$0x1FC00] =	vst v63  }
0x80: {  	_ =	swait.ge [sflag:s26], $0x4000  }
0x81: {  	s20 =	sshrl.u32 s10, $0x3;
	[sflag:s26] =	ssyncset.done $0x0  }
0x82: {  	s19 =	sadd.s32 s4, s20;
	[sflag:s26] =	ssyncadd.s32 $0xFFFFC000  }
0x83: {  	[tilespmem:s28], [sflag:$0x2] =	stream.linear.gather [hbm4b:s19+s3], $0x80, $0x38;
	[tilespmem:$0x1FC00] =	vst v63  }
0x84: {  	s20 =	sadd.s32 s5, s20  }
0x85: {  	[tilespmem:s29], [sflag:$0x2] =	stream.linear.gather [hbm4b:s20+s3], $0x80, $0x38;
	[tilespmem:$0x1FC00] =	vst v63  }
0x86: {  	_ =	swait.ge [sflag:s9], $0x80  }
0x87: {  	[sflag:s9] =	ssyncset.done $0x0  }
0x88: {  	[sflag:s9] =	ssyncadd.s32 $0xFFFFFF80  }
0x89: {  	_ =	swait.ge [sflag:s9], $0x80  }
0x8a: {  	[sflag:s9] =	ssyncset.done $0x0  }
0x8b: {  	[sflag:s9] =	ssyncadd.s32 $0xFFFFFF80  }
0x8c: {  	[tilespmem:s7], [sflag:$0x1] =	stream.indirect.gather [hbm4b:s1+s11], $0x80, s28, s11, $0xb8;
	[tilespmem:$0x1FC00] =	vst v63  }
0x8d: {  	_ =	swait.ge [sflag:s16], $0x4000  }
0x8e: {  	p3 =	seq.s32 s25, $0x2580;
	[sflag:s16] =	ssyncset.done $0x0  }
.Ltmp6:
0x8f: {  	[sflag:s16] =	ssyncadd.s32 $0xFFFFC000;
	(pc) =	sbr.rel @p3 .LBB2_8-.Ltmp6, $4  }
0x90: {  	[spmem:s2] =	stream.indirect.scatter.add.f32 [tilespmem:s12], [sflag:$0x7], $0x80, s31, s11, $0xb8;
	[tilespmem:$0x1FC00] =	vst v63  }
0x91: {  	_ =	swait.ge [sflag:s26], $0x4000  }
0x92: {  	[sflag:s26] =	ssyncset.done $0x0  }
0x93: {  	[sflag:s26] =	ssyncadd.s32 $0xFFFFC000  }
0x94: {  	s19 =	sadd.s32 s25, s24  }
0x95: {  	[tilespmem:s30], [sflag:$0x4] =	stream.linear.gather [hbm4b:s19+s3], $0x80, $0x38;
	[tilespmem:$0x1FC00] =	vst v63  }
0x96: {  	s20 =	sadd.s32 s25, s23  }
0x97: {  	[tilespmem:s31], [sflag:$0x4] =	stream.linear.gather [hbm4b:s20+s3], $0x80, $0x38;
	[tilespmem:$0x1FC00] =	vst v63  }
0x98: {  	_ =	swait.ge [sflag:s8], $0x80  }
0x99: {  	[sflag:s8] =	ssyncset.done $0x0  }
0x9a: {  	[sflag:s8] =	ssyncadd.s32 $0xFFFFFF80  }
0x9b: {  	_ =	swait.ge [sflag:s8], $0x80  }
0x9c: {  	[sflag:s8] =	ssyncset.done $0x0  }
0x9d: {  	[sflag:s8] =	ssyncadd.s32 $0xFFFFFF80  }
0x9e: {  	[tilespmem:s12], [sflag:$0x3] =	stream.indirect.gather [hbm4b:s1+s11], $0x80, s30, s11, $0xb8;
	[tilespmem:$0x1FC00] =	vst v63  }
0x9f: {  	_ =	swait.ge [sflag:s17], $0x4000  }
0xa0: {  	[sflag:s17] =	ssyncset.done $0x0  }
0xa1: {  	[sflag:s17] =	ssyncadd.s32 $0xFFFFC000  }
0xa2: {  	[spmem:s2] =	stream.indirect.scatter.add.f32 [tilespmem:s14], [sflag:$0x7], $0x80, s6, s11, $0xb8;
	[tilespmem:$0x1FC00] =	vst v63  }
0xa3: {  	_ =	swait.ge [sflag:s26], $0x4000  }
.Ltmp7:
0xa4: {  	[sflag:s26] =	ssyncset.done $0x0;
	(pc) =	sbr.rel .LBB2_6-.Ltmp7, $4  }
0xa5: {  	s20 =	sadd.s32 s25, s22;
	[sflag:s26] =	ssyncadd.s32 $0xFFFFC000  }
0xa6: {  	[tilespmem:s0], [sflag:$0x6] =	stream.linear.gather [hbm4b:s20+s3], $0x80, $0x38;
	[tilespmem:$0x1FC00] =	vst v63  }
0xa7: {  	s10 =	sadd.s32 $0xC00, s10;
	s20 =	sadd.s32 s25, s21;
	s25 =	sadd.s32 $0x180, s25  }
0xa8: {  	[tilespmem:s6], [sflag:$0x6] =	stream.linear.gather [hbm4b:s20+s3], $0x80, $0x38;
	[tilespmem:$0x1FC00] =	vst v63  }
.LBB2_9:
0xa9: {  	_ =	sfence.sel $0x180000  }
0xaa: {  	[bflag:$0x0] =	sbarrier.arrive $0xFFFF  }
0xab: {  	_ =	strace $0x90000047  }
0xac: {  	[bflag:$0x2] =	sbarrier.arrive $0xFFFF  }
0xad: {  	s0 =	rddreg [dreg:$0x3]  }
0xae: {  	s0 =	sadd.s32 @!p0 $0x100000, s0  }
0xaf: {  	[sflag:s0] =	ssyncadd.tile.s32 @!p0 $0x1;
	_ =	shalt  }
.Lfunc_end2:
_tile_overlayer_lowered:
.L_overlay_start_2:
0xb0: {  	(tag) =	ssettag $0x2  }
0xb1: {  	s0 =	rddreg [dreg:$0x0];
	s2 =	stileid.u32  }
0xb2: {  	s1 =	rddreg [dreg:$0x1];
	p0 =	sne.s32 s2, $0x0  }
0xb3: {  	s3 =	rddreg [dreg:$0x2];
	[bflag:$0x3] =	sbarrier.arrive $0xFFFF;
	s2 =	simm.s32 @!p0 $0x1C07  }
0xb4: {  	[timem:s3], [sflag:s2] =	dma.local @!p0 [hbm:s0], s1  }
0xb5: {  	s0 =	simm.s32 @!p0 $0x7  }
0xb6: {  	_ =	swait.ge @!p0 [sflag:s0], s1  }
0xb7: {  	s1 =	ssub.s32 @!p0 $0x0, s1;
	[sflag:s0] =	ssyncset.done @!p0 $0x0  }
0xb8: {  	[sflag:s0] =	ssyncadd.s32 @!p0 s1  }
0xb9: {  	[bflag:$0x3] =	sbarrier.arrive $0xFFFF  }
0xba: {  	_ =	shalt  }

</sc_bundles>
